<compile_context>
chip_gen: v7x
topology: tpu7x:2x2x1
jax: 0.10.2.dev20260603
libtpu: 0.0.44.dev20260713+nightly
codegen_flags: <defaults>
</compile_context>

<pallas_src>
import functools

import jax
import jax.numpy as jnp
from jax import lax
from jax.experimental import pallas as pl
from jax.experimental.pallas import tpu as pltpu
from jax.experimental.pallas import tpu_sc as plsc

N = 10000
E = 320000
D = 128
G = 64

NC = 2
NS = 16
NW = NC * NS
EPW = E // NW
CH = 128
NCH = 80
NCHH = NCH // 2
PADE = NCH * CH - EPW
NPAD = 10112
RPT = NPAD // NS
NDR = 79

BR = 1000
NBLK = N // BR

_MESH = dict(mesh=plsc.VectorSubcoreMesh(core_axis_name="c", subcore_axis_name="s"))



@functools.partial(
    pl.kernel,
    out_type=jax.ShapeDtypeStruct((NW, NDR, 128), jnp.float32),
    scratch_types=[
        pltpu.VMEM((NDR, 128), jnp.int32),
        pltpu.VMEM((NDR, 128), jnp.float32),
    ],
    compiler_params=pltpu.CompilerParams(needs_layout_passes=False),
    **_MESH,
)
def _sc_degree(dst_hbm, out_hbm, dst_v, cnt_v):
    c = lax.axis_index("c")
    s = lax.axis_index("s")
    wid = c * NS + s
    pltpu.sync_copy(dst_hbm.at[wid], dst_v)

    zeros = jnp.zeros((16,), jnp.float32)

    def zbody(k, carry):
        r = lax.shift_right_logical(k, 3)
        col = lax.mul(lax.bitwise_and(k, 7), 16)
        cnt_v[r, pl.ds(col, 16)] = zeros
        return carry

    lax.fori_loop(0, NDR * 8, zbody, 0)

    ones = jnp.ones((16,), jnp.float32)

    def cbody(k, carry):
        r = lax.shift_right_logical(k, 3)
        col = lax.mul(lax.bitwise_and(k, 7), 16)
        idx = dst_v[r, pl.ds(col, 16)]
        row = lax.shift_right_logical(idx, 7)
        co = lax.bitwise_and(idx, 127)
        plsc.addupdate_scatter(cnt_v, [row, co], ones)
        return carry

    lax.fori_loop(0, EPW // 16, cbody, 0)
    pltpu.sync_copy(cnt_v, out_hbm.at[wid])



@functools.partial(
    pl.kernel,
    out_type=jax.ShapeDtypeStruct((NC, NPAD, D), jnp.float32),
    scratch_types=[
        pltpu.VMEM((NCHH, CH), jnp.int32),
        pltpu.VMEM((NCHH, CH), jnp.int32),
        pltpu.VMEM((CH, D), jnp.float32),
        pltpu.VMEM((CH, D), jnp.float32),
        pltpu.VMEM_SHARED((NPAD, D), jnp.float32),
        pltpu.SemaphoreType.DMA,
        pltpu.SemaphoreType.DMA,
        pltpu.SemaphoreType.DMA,
        pltpu.SemaphoreType.DMA,
    ],
    **_MESH,
)
def _sc_scatter(src_hbm, dst_hbm, hs_hbm, out_hbm,
                src_v, dst_v, buf_a, buf_b, acc, sem_a, sem_b, sem_sa, sem_sb):
    c = lax.axis_index("c")
    s = lax.axis_index("s")
    wid = c * NS + s
    base = s * RPT

    zeros = jnp.zeros((16,), jnp.float32)

    def zb(k, carry):
        r = lax.shift_right_logical(k, 3)
        col = lax.mul(lax.bitwise_and(k, 7), 16)
        buf_b[r, pl.ds(col, 16)] = zeros
        return carry

    lax.fori_loop(0, CH * 8, zb, 0)
    pltpu.sync_copy(src_hbm.at[wid].at[pl.ds(0, NCHH)], src_v)
    pltpu.sync_copy(dst_hbm.at[wid].at[pl.ds(0, NCHH)], dst_v)
    pltpu.async_copy(hs_hbm.at[src_v.at[0]], buf_a, sem_a)
    for t in range(4):
        pltpu.sync_copy(buf_b, acc.at[pl.ds(base + t * CH, CH)])
    pltpu.sync_copy(buf_b.at[pl.ds(0, RPT - 4 * CH)],
                    acc.at[pl.ds(base + 4 * CH, RPT - 4 * CH)])
    pltpu.async_copy(hs_hbm.at[src_v.at[1]], buf_b, sem_b)
    plsc.subcore_barrier()

    def body(i, carry):
        c0 = 2 * i
        pltpu.make_async_copy(hs_hbm.at[src_v.at[c0]], buf_a, sem_a).wait()
        pltpu.sync_copy(buf_a, acc.at[dst_v.at[c0]], add=True)

        @pl.when(c0 + 2 < NCHH)
        def _():
            pltpu.async_copy(hs_hbm.at[src_v.at[c0 + 2]], buf_a, sem_a)

        pltpu.make_async_copy(hs_hbm.at[src_v.at[c0 + 1]], buf_b, sem_b).wait()
        pltpu.sync_copy(buf_b, acc.at[dst_v.at[c0 + 1]], add=True)

        @pl.when(c0 + 3 < NCHH)
        def _():
            pltpu.async_copy(hs_hbm.at[src_v.at[c0 + 3]], buf_b, sem_b)

        return carry

    lax.fori_loop(0, NCHH // 2, body, 0)

    pltpu.sync_copy(src_hbm.at[wid].at[pl.ds(NCHH, NCHH)], src_v)
    pltpu.sync_copy(dst_hbm.at[wid].at[pl.ds(NCHH, NCHH)], dst_v)
    pltpu.async_copy(hs_hbm.at[src_v.at[0]], buf_a, sem_a)
    pltpu.async_copy(hs_hbm.at[src_v.at[1]], buf_b, sem_b)
    lax.fori_loop(0, NCHH // 2, body, 0)

    plsc.subcore_barrier()

    pltpu.sync_copy(acc.at[pl.ds(base, RPT)], out_hbm.at[c].at[pl.ds(base, RPT)])



def _k1a_body(x_ref, w_ref, h_ref):
    h_ref[...] = jnp.dot(x_ref[...], w_ref[...], preferred_element_type=jnp.float32)


def _k1b_body(h_ref, cnt_ref, hs_ref, dinv_ref):
    deg = jnp.sum(cnt_ref[...], axis=1) + 1.0
    y = lax.rsqrt(deg)
    y = y * (1.5 - 0.5 * deg * y * y)
    dinv = y[:, None]
    hs_ref[...] = h_ref[...] * dinv
    dinv_ref[...] = dinv


def _elu(z):
    zc = jnp.minimum(z, 0.0)
    pser = zc * (1.0 + zc * (0.5 + zc * (1.0 / 6.0 + zc * (1.0 / 24.0
                                                           + zc / 120.0))))
    em = jnp.where(zc > -0.125, pser, jnp.exp(zc) - 1.0)
    return jnp.where(z > 0, z, em)


def _kmid_body(acc_ref, hs_ref, dinv_ref, b_ref, w_ref, hs_out_ref):
    dinv = dinv_ref[...]
    z = dinv * (acc_ref[0] + acc_ref[1] + hs_ref[...]) + b_ref[...]
    a = _elu(z)
    h = jnp.dot(a, w_ref[...], preferred_element_type=jnp.float32)
    hs_out_ref[...] = h * dinv


def _khead_body(acc_ref, hs_ref, dinv_ref, b_ref, batch_ref, wlin_ref,
                blin_ref, out_ref, pooled):
    i = pl.program_id(0)

    @pl.when(i == 0)
    def _():
        pooled[...] = jnp.zeros_like(pooled)

    dinv = dinv_ref[...]
    z = dinv * (acc_ref[0] + acc_ref[1] + hs_ref[...]) + b_ref[...]
    a = _elu(z)
    seg = batch_ref[...]
    mask = (seg == lax.broadcasted_iota(jnp.int32, (1, G), 1)).astype(jnp.float32)
    pooled[...] += lax.dot_general(mask, a, (((0,), (0,)), ((), ())),
                                   preferred_element_type=jnp.float32)

    @pl.when(i == pl.num_programs(0) - 1)
    def _():
        out_ref[...] = (jnp.dot(pooled[...], wlin_ref[...],
                                preferred_element_type=jnp.float32)
                        + blin_ref[...])


_row = lambda i: (i, 0)
_all = lambda i: (0, 0)

_k1a = pl.pallas_call(
    _k1a_body,
    grid=(NBLK,),
    in_specs=[
        pl.BlockSpec((BR, D), _row),
        pl.BlockSpec((D, D), _all),
    ],
    out_specs=pl.BlockSpec((BR, D), _row),
    out_shape=jax.ShapeDtypeStruct((N, D), jnp.float32),
)

_k1b = pl.pallas_call(
    _k1b_body,
    grid=(NBLK,),
    in_specs=[
        pl.BlockSpec((BR, D), _row),
        pl.BlockSpec((BR, NW), _row),
    ],
    out_specs=[
        pl.BlockSpec((BR, D), _row),
        pl.BlockSpec((BR, 1), _row),
    ],
    out_shape=[
        jax.ShapeDtypeStruct((N, D), jnp.float32),
        jax.ShapeDtypeStruct((N, 1), jnp.float32),
    ],
)

_kmid = pl.pallas_call(
    _kmid_body,
    grid=(NBLK,),
    in_specs=[
        pl.BlockSpec((NC, BR, D), lambda i: (0, i, 0)),
        pl.BlockSpec((BR, D), _row),
        pl.BlockSpec((BR, 1), _row),
        pl.BlockSpec((1, D), _all),
        pl.BlockSpec((D, D), _all),
    ],
    out_specs=pl.BlockSpec((BR, D), _row),
    out_shape=jax.ShapeDtypeStruct((N, D), jnp.float32),
)

_khead = pl.pallas_call(
    _khead_body,
    grid=(NBLK,),
    in_specs=[
        pl.BlockSpec((NC, BR, D), lambda i: (0, i, 0)),
        pl.BlockSpec((BR, D), _row),
        pl.BlockSpec((BR, 1), _row),
        pl.BlockSpec((1, D), _all),
        pl.BlockSpec((BR, 1), _row),
        pl.BlockSpec((D, 1), _all),
        pl.BlockSpec((1, 1), _all),
    ],
    out_specs=pl.BlockSpec((G, 1), _all),
    out_shape=jax.ShapeDtypeStruct((G, 1), jnp.float32),
    scratch_shapes=[pltpu.VMEM((G, D), jnp.float32)],
)


def kernel(x, edge_index, batch, W1, b1, W2, b2, W3, b3, Wlin, blin):
    srcf = edge_index[0].reshape(NW, EPW)
    dstf = edge_index[1].reshape(NW, EPW)
    pad_src = jnp.broadcast_to(
        ((jnp.arange(PADE, dtype=jnp.int32) * 41 + 7) % N)[None, :], (NW, PADE))
    pad_dst = jnp.broadcast_to(
        (N + jnp.arange(PADE, dtype=jnp.int32) % (NPAD - N))[None, :], (NW, PADE))
    src = jnp.concatenate([srcf, pad_src], axis=1).reshape(NW, NCH, CH)
    dst = jnp.concatenate([dstf, pad_dst], axis=1).reshape(NW, NCH, CH)

    dst_deg = jnp.pad(dstf, ((0, 0), (0, NDR * 128 - EPW))).reshape(NW, NDR, 128)

    batch2 = batch.reshape(N, 1)
    b1r = b1.reshape(1, D)
    b2r = b2.reshape(1, D)
    b3r = b3.reshape(1, D)
    blinr = blin.reshape(1, 1)

    counts = _sc_degree(dst_deg).reshape(NW, NDR * 128)[:, :N].T

    h1 = _k1a(x, W1)
    hs1, dinv = _k1b(h1, counts)
    acc1 = _sc_scatter(src, dst, hs1)
    hs2 = _kmid(acc1, hs1, dinv, b1r, W2)
    acc2 = _sc_scatter(src, dst, hs2)
    hs3 = _kmid(acc2, hs2, dinv, b2r, W3)
    acc3 = _sc_scatter(src, dst, hs3)
    out = _khead(acc3, hs3, dinv, b3r, batch2, Wlin, blinr)
    return out

# --- scband reference (transcript-rebuilt; emitter-appended) ---
"""Pipeline reference for scband-gnn-graph-31653908971943 (READ-ONLY COPY).

The authoritative reference and input builder live on the scoring server;
editing this copy changes nothing except your own understanding.
"""

import jax, jax.numpy as jnp
import numpy as np

N = 10000
E = 320000
D = 128
HID = 128
OUT = 128
G = 64


def setup_inputs(seed: int = 0) -> dict:
    key = jax.random.key(seed)
    ks = jax.random.split(key, 12)
    x = jax.random.normal(ks[0], (N, D), dtype=jnp.float32)
    edge_index = jax.random.randint(ks[1], (2, E), 0, N, dtype=jnp.int32)
    batch = jnp.sort(jax.random.randint(ks[2], (N,), 0, G, dtype=jnp.int32))
    W1 = jax.random.normal(ks[3], (D, HID), dtype=jnp.float32) * 0.05
    b1 = jnp.zeros((HID,), dtype=jnp.float32)
    W2 = jax.random.normal(ks[4], (HID, HID), dtype=jnp.float32) * 0.05
    b2 = jnp.zeros((HID,), dtype=jnp.float32)
    W3 = jax.random.normal(ks[5], (HID, OUT), dtype=jnp.float32) * 0.05
    b3 = jnp.zeros((OUT,), dtype=jnp.float32)
    Wlin = jax.random.normal(ks[6], (OUT, 1), dtype=jnp.float32) * 0.05
    blin = jnp.zeros((1,), dtype=jnp.float32)
    return {"x": x, "edge_index": edge_index, "batch": batch,
            "W1": W1, "b1": b1, "W2": W2, "b2": b2, "W3": W3, "b3": b3,
            "Wlin": Wlin, "blin": blin}


def _gcn_layer(x, edge_index, W, b):
    # PyG GCNConv: add self-loops, symmetric deg normalization, linear transform, scatter-add
    n = x.shape[0]
    src = edge_index[0]
    dst = edge_index[1]
    loop = jnp.arange(n, dtype=src.dtype)
    src2 = jnp.concatenate([src, loop])
    dst2 = jnp.concatenate([dst, loop])
    h = x @ W
    ones = jnp.ones(dst2.shape, dtype=h.dtype)
    deg = jax.ops.segment_sum(ones, dst2, num_segments=n)
    dinv = jnp.where(deg > 0, jax.lax.rsqrt(jnp.maximum(deg, 1e-12)), 0.0)
    norm = dinv[src2] * dinv[dst2]
    msgs = h[src2] * norm[:, None]
    out = jax.ops.segment_sum(msgs, dst2, num_segments=n) + b
    return out


def reference(x, edge_index, batch, W1, b1, W2, b2, W3, b3, Wlin, blin):
    # Benchmark_GCN path: 3 GCNConv layers, elu, dropout(p=0.0) is identity, global_add_pool, final Linear
    h = jax.nn.elu(_gcn_layer(x, edge_index, W1, b1))
    h = jax.nn.elu(_gcn_layer(h, edge_index, W2, b2))
    h = jax.nn.elu(_gcn_layer(h, edge_index, W3, b3))
    pooled = jax.ops.segment_sum(h, batch, num_segments=G)
    out = pooled @ Wlin + blin
    return out

if __name__ == "__main__":
    import jax
    _d = setup_inputs()
    print(jax.jit(kernel)(*tuple(_d.values())))

</pallas_src>

<mosaic_0001>
#map = affine_map<(d0, d1) -> (0, 0, 0)>
module attributes {stable_mosaic.version = 14 : i64} {
  func.func @_sc_degree(%arg0: i32, %arg1: i32, %arg2: memref<32x79x128xi32, #tpu.memory_space<hbm>>, %arg3: memref<32x79x128xf32, #tpu.memory_space<hbm>>, %arg4: memref<79x128xi32, #tpu.memory_space<vmem>>, %arg5: memref<79x128xf32, #tpu.memory_space<vmem>>) attributes {dimension_semantics = [#tpu.dimension_semantics<core_parallel>, #tpu.dimension_semantics<subcore_parallel>], iteration_bounds = array<i64: 2, 16>, scalar_prefetch = 0 : i64, scratch_operands = 2 : i64, tpu.core_type = #tpu.core_type<sc_vector_subcore>, window_params = [{transform_indices = #map}, {transform_indices = #map}]} {
    %mul3A = arith.constant 16 : i32
    %mul3A_0 = arith.muli %arg0, %mul3A : i32
    %add3A = arith.addi %mul3A_0, %arg1 : i32
    "tpu.region"() ({
      %run_scoped3A = tpu.sem_alloc : memref<!tpu.dma_semaphore, #tpu.memory_space<semaphore_mem>>
      %dma_start3A = arith.constant 0 : i32
      %dma_start3A_15 = arith.constant 0 : i32
      %dma_start3A_16 = tpu.memref_slice %arg2[%add3A, %dma_start3A, %dma_start3A_15] : memref<32x79x128xi32, #tpu.memory_space<hbm>> -> memref<1x79x128xi32, #tpu.memory_space<hbm>>
      %dma_start3A_17 = tpu.memref_squeeze %dma_start3A_16 : memref<1x79x128xi32, #tpu.memory_space<hbm>> -> memref<79x128xi32, #tpu.memory_space<hbm>>
      %dma_start3A_18 = arith.constant 0 : i32
      %dma_start3A_19 = arith.constant 0 : i32
      %dma_start3A_20 = tpu.memref_slice %arg2[%add3A, %dma_start3A_18, %dma_start3A_19] : memref<32x79x128xi32, #tpu.memory_space<hbm>> -> memref<1x79x128xi32, #tpu.memory_space<hbm>>
      %dma_start3A_21 = tpu.memref_squeeze %dma_start3A_20 : memref<1x79x128xi32, #tpu.memory_space<hbm>> -> memref<79x128xi32, #tpu.memory_space<hbm>>
      tpu.enqueue_dma source(%dma_start3A_21 : memref<79x128xi32, #tpu.memory_space<hbm>>) target(%arg4 : memref<79x128xi32, #tpu.memory_space<vmem>>) target_semaphore(%run_scoped3A : memref<!tpu.dma_semaphore, #tpu.memory_space<semaphore_mem>>)
      %dma_wait3A = arith.constant 0 : i32
      %dma_wait3A_22 = arith.constant 0 : i32
      %dma_wait3A_23 = tpu.memref_slice %arg2[%add3A, %dma_wait3A, %dma_wait3A_22] : memref<32x79x128xi32, #tpu.memory_space<hbm>> -> memref<1x79x128xi32, #tpu.memory_space<hbm>>
      %dma_wait3A_24 = tpu.memref_squeeze %dma_wait3A_23 : memref<1x79x128xi32, #tpu.memory_space<hbm>> -> memref<79x128xi32, #tpu.memory_space<hbm>>
      %dma_wait3A_25 = arith.constant 0 : i32
      %dma_wait3A_26 = arith.constant 0 : i32
      %dma_wait3A_27 = tpu.memref_slice %arg2[%add3A, %dma_wait3A_25, %dma_wait3A_26] : memref<32x79x128xi32, #tpu.memory_space<hbm>> -> memref<1x79x128xi32, #tpu.memory_space<hbm>>
      %dma_wait3A_28 = tpu.memref_squeeze %dma_wait3A_27 : memref<1x79x128xi32, #tpu.memory_space<hbm>> -> memref<79x128xi32, #tpu.memory_space<hbm>>
      tpu.wait_dma2 semaphore(%run_scoped3A : memref<!tpu.dma_semaphore, #tpu.memory_space<semaphore_mem>>) src(%dma_wait3A_28 : memref<79x128xi32, #tpu.memory_space<hbm>>) dst(%arg4 : memref<79x128xi32, #tpu.memory_space<vmem>>)
      tpu.yield
    }) : () -> ()
    %broadcast_in_dim3A = arith.constant 0.000000e+00 : f32
    %broadcast_in_dim3A_1 = vector.broadcast %broadcast_in_dim3A : f32 to vector<16xf32>
    %scan3A = arith.constant 0 : i32
    %scan3A_2 = arith.constant 0 : i32
    %scan3A_3 = arith.constant 632 : i32
    %scan3A_4 = arith.addi %scan3A_2, %scan3A_3 : i32
    %scan3A_5 = arith.constant 1 : i32
    scf.for %scan3A_15 = %scan3A_2 to %scan3A_4 step %scan3A_5  : i32 {
      %shift_right_logical3A = arith.constant 3 : i32
      %shift_right_logical3A_16 = arith.shrui %scan3A_15, %shift_right_logical3A : i32
      %and3A = arith.constant 7 : i32
      %and3A_17 = arith.andi %scan3A_15, %and3A : i32
      %mul3A_18 = arith.constant 16 : i32
      %mul3A_19 = arith.muli %and3A_17, %mul3A_18 : i32
      %swap3A = arith.index_cast %shift_right_logical3A_16 : i32 to index
      %swap3A_20 = arith.index_cast %mul3A_19 : i32 to index
      %swap3A_21 = tpu.vector_load %arg5[%swap3A, %swap3A_20] {strides = array<i32>} : memref<79x128xf32, #tpu.memory_space<vmem>>, vector<16xf32>,
      tpu.vector_store %arg5[%swap3A, %swap3A_20], %broadcast_in_dim3A_1 {strides = array<i32>} : memref<79x128xf32, #tpu.memory_space<vmem>>, vector<16xf32>,
    }
    %scan3A_6 = arith.constant 632 : i32
    %broadcast_in_dim3A_7 = arith.constant 1.000000e+00 : f32
    %broadcast_in_dim3A_8 = vector.broadcast %broadcast_in_dim3A_7 : f32 to vector<16xf32>
    %scan3A_9 = arith.constant 0 : i32
    %scan3A_10 = arith.constant 0 : i32
    %scan3A_11 = arith.constant 625 : i32
    %scan3A_12 = arith.addi %scan3A_10, %scan3A_11 : i32
    %scan3A_13 = arith.constant 1 : i32
    scf.for %scan3A_15 = %scan3A_10 to %scan3A_12 step %scan3A_13  : i32 {
      %shift_right_logical3A = arith.constant 3 : i32
      %shift_right_logical3A_16 = arith.shrui %scan3A_15, %shift_right_logical3A : i32
      %and3A = arith.constant 7 : i32
      %and3A_17 = arith.andi %scan3A_15, %and3A : i32
      %mul3A_18 = arith.constant 16 : i32
      %mul3A_19 = arith.muli %and3A_17, %mul3A_18 : i32
      %get3A = arith.index_cast %shift_right_logical3A_16 : i32 to index
      %get3A_20 = arith.index_cast %mul3A_19 : i32 to index
      %get3A_21 = tpu.vector_load %arg4[%get3A, %get3A_20] {strides = array<i32>} : memref<79x128xi32, #tpu.memory_space<vmem>>, vector<16xi32>,
      %shift_right_logical3A_22 = arith.constant 7 : i32
      %shift_right_logical3A_23 = vector.broadcast %shift_right_logical3A_22 : i32 to vector<16xi32>
      %shift_right_logical3A_24 = arith.shrui %get3A_21, %shift_right_logical3A_23 : vector<16xi32>
      %and3A_25 = arith.constant 127 : i32
      %and3A_26 = vector.broadcast %and3A_25 : i32 to vector<16xi32>
      %and3A_27 = arith.andi %get3A_21, %and3A_26 : vector<16xi32>
      tpu.vector_store_idx %arg5[%shift_right_logical3A_24, %and3A_27], %broadcast_in_dim3A_8 {add = true} : memref<79x128xf32, #tpu.memory_space<vmem>>[vector<16xi32>, vector<16xi32>], vector<16xf32>,
    }
    %scan3A_14 = arith.constant 625 : i32
    "tpu.region"() ({
      %run_scoped3A = tpu.sem_alloc : memref<!tpu.dma_semaphore, #tpu.memory_space<semaphore_mem>>
      %dma_start3A = arith.constant 0 : i32
      %dma_start3A_15 = arith.constant 0 : i32
      %dma_start3A_16 = tpu.memref_slice %arg3[%add3A, %dma_start3A, %dma_start3A_15] : memref<32x79x128xf32, #tpu.memory_space<hbm>> -> memref<1x79x128xf32, #tpu.memory_space<hbm>>
      %dma_start3A_17 = tpu.memref_squeeze %dma_start3A_16 : memref<1x79x128xf32, #tpu.memory_space<hbm>> -> memref<79x128xf32, #tpu.memory_space<hbm>>
      %dma_start3A_18 = arith.constant 0 : i32
      %dma_start3A_19 = arith.constant 0 : i32
      %dma_start3A_20 = tpu.memref_slice %arg3[%add3A, %dma_start3A_18, %dma_start3A_19] : memref<32x79x128xf32, #tpu.memory_space<hbm>> -> memref<1x79x128xf32, #tpu.memory_space<hbm>>
      %dma_start3A_21 = tpu.memref_squeeze %dma_start3A_20 : memref<1x79x128xf32, #tpu.memory_space<hbm>> -> memref<79x128xf32, #tpu.memory_space<hbm>>
      tpu.enqueue_dma source(%arg5 : memref<79x128xf32, #tpu.memory_space<vmem>>) target(%dma_start3A_21 : memref<79x128xf32, #tpu.memory_space<hbm>>) target_semaphore(%run_scoped3A : memref<!tpu.dma_semaphore, #tpu.memory_space<semaphore_mem>>)
      %dma_wait3A = arith.constant 0 : i32
      %dma_wait3A_22 = arith.constant 0 : i32
      %dma_wait3A_23 = tpu.memref_slice %arg3[%add3A, %dma_wait3A, %dma_wait3A_22] : memref<32x79x128xf32, #tpu.memory_space<hbm>> -> memref<1x79x128xf32, #tpu.memory_space<hbm>>
      %dma_wait3A_24 = tpu.memref_squeeze %dma_wait3A_23 : memref<1x79x128xf32, #tpu.memory_space<hbm>> -> memref<79x128xf32, #tpu.memory_space<hbm>>
      %dma_wait3A_25 = arith.constant 0 : i32
      %dma_wait3A_26 = arith.constant 0 : i32
      %dma_wait3A_27 = tpu.memref_slice %arg3[%add3A, %dma_wait3A_25, %dma_wait3A_26] : memref<32x79x128xf32, #tpu.memory_space<hbm>> -> memref<1x79x128xf32, #tpu.memory_space<hbm>>
      %dma_wait3A_28 = tpu.memref_squeeze %dma_wait3A_27 : memref<1x79x128xf32, #tpu.memory_space<hbm>> -> memref<79x128xf32, #tpu.memory_space<hbm>>
      tpu.wait_dma2 semaphore(%run_scoped3A : memref<!tpu.dma_semaphore, #tpu.memory_space<semaphore_mem>>) src(%arg5 : memref<79x128xf32, #tpu.memory_space<vmem>>) dst(%dma_wait3A_28 : memref<79x128xf32, #tpu.memory_space<hbm>>)
      tpu.yield
    }) : () -> ()
    return
  }
}

#map = affine_map<(d0, d1) -> (0, 0, 0)>
#map1 = affine_map<(d0, d1) -> (0, 0)>
module attributes {stable_mosaic.version = 14 : i64} {
  func.func @_sc_scatter(%arg0: i32, %arg1: i32, %arg2: memref<32x80x128xi32, #tpu.memory_space<hbm>>, %arg3: memref<32x80x128xi32, #tpu.memory_space<hbm>>, %arg4: memref<10000x128xf32, #tpu.memory_space<hbm>>, %arg5: memref<2x10112x128xf32, #tpu.memory_space<hbm>>, %arg6: memref<40x128xi32, #tpu.memory_space<vmem>>, %arg7: memref<40x128xi32, #tpu.memory_space<vmem>>, %arg8: memref<128x128xf32, #tpu.memory_space<vmem>>, %arg9: memref<128x128xf32, #tpu.memory_space<vmem>>, %arg10: memref<10112x128xf32, #tpu.memory_space<vmem_shared>>, %arg11: memref<!tpu.dma_semaphore, #tpu.memory_space<semaphore_mem>>, %arg12: memref<!tpu.dma_semaphore, #tpu.memory_space<semaphore_mem>>, %arg13: memref<!tpu.dma_semaphore, #tpu.memory_space<semaphore_mem>>, %arg14: memref<!tpu.dma_semaphore, #tpu.memory_space<semaphore_mem>>) attributes {dimension_semantics = [#tpu.dimension_semantics<core_parallel>, #tpu.dimension_semantics<subcore_parallel>], iteration_bounds = array<i64: 2, 16>, scalar_prefetch = 0 : i64, scratch_operands = 9 : i64, tpu.core_type = #tpu.core_type<sc_vector_subcore>, window_params = [{transform_indices = #map}, {transform_indices = #map}, {transform_indices = #map1}, {transform_indices = #map}]} {
    %mul3A = arith.constant 16 : i32
    %mul3A_0 = arith.muli %arg0, %mul3A : i32
    %add3A = arith.addi %mul3A_0, %arg1 : i32
    %mul3A_1 = arith.constant 632 : i32
    %mul3A_2 = arith.muli %arg1, %mul3A_1 : i32
    %broadcast_in_dim3A = arith.constant 0.000000e+00 : f32
    %broadcast_in_dim3A_3 = vector.broadcast %broadcast_in_dim3A : f32 to vector<16xf32>
    %scan3A = arith.constant 0 : i32
    %scan3A_4 = arith.constant 0 : i32
    %scan3A_5 = arith.constant 1024 : i32
    %scan3A_6 = arith.addi %scan3A_4, %scan3A_5 : i32
    %scan3A_7 = arith.constant 1 : i32
    scf.for %scan3A_59 = %scan3A_4 to %scan3A_6 step %scan3A_7  : i32 {
      %shift_right_logical3A = arith.constant 3 : i32
      %shift_right_logical3A_60 = arith.shrui %scan3A_59, %shift_right_logical3A : i32
      %and3A = arith.constant 7 : i32
      %and3A_61 = arith.andi %scan3A_59, %and3A : i32
      %mul3A_62 = arith.constant 16 : i32
      %mul3A_63 = arith.muli %and3A_61, %mul3A_62 : i32
      %swap3A = arith.index_cast %shift_right_logical3A_60 : i32 to index
      %swap3A_64 = arith.index_cast %mul3A_63 : i32 to index
      %swap3A_65 = tpu.vector_load %arg9[%swap3A, %swap3A_64] {strides = array<i32>} : memref<128x128xf32, #tpu.memory_space<vmem>>, vector<1x16xf32>,
      %swap3A_66 = vector.shape_cast %swap3A_65 : vector<1x16xf32> to vector<16xf32>
      %swap3A_67 = vector.shape_cast %broadcast_in_dim3A_3 : vector<16xf32> to vector<1x16xf32>
      tpu.vector_store %arg9[%swap3A, %swap3A_64], %swap3A_67 {strides = array<i32>} : memref<128x128xf32, #tpu.memory_space<vmem>>, vector<1x16xf32>,
    }
    %scan3A_8 = arith.constant 1024 : i32
    "tpu.region"() ({
      %run_scoped3A = tpu.sem_alloc : memref<!tpu.dma_semaphore, #tpu.memory_space<semaphore_mem>>
      %dma_start3A_59 = arith.constant 0 : i32
      %dma_start3A_60 = arith.constant 0 : i32
      %dma_start3A_61 = tpu.memref_slice %arg2[%add3A, %dma_start3A_59, %dma_start3A_60] : memref<32x80x128xi32, #tpu.memory_space<hbm>> -> memref<1x80x128xi32, #tpu.memory_space<hbm>>
      %dma_start3A_62 = tpu.memref_squeeze %dma_start3A_61 : memref<1x80x128xi32, #tpu.memory_space<hbm>> -> memref<80x128xi32, #tpu.memory_space<hbm>>
      %dma_start3A_63 = arith.constant 0 : i32
      %dma_start3A_64 = arith.constant 0 : i32
      %dma_start3A_65 = tpu.memref_slice %dma_start3A_62[%dma_start3A_63, %dma_start3A_64] : memref<80x128xi32, #tpu.memory_space<hbm>> -> memref<40x128xi32, #tpu.memory_space<hbm>>
      %dma_start3A_66 = arith.constant 0 : i32
      %dma_start3A_67 = arith.constant 0 : i32
      %dma_start3A_68 = tpu.memref_slice %arg2[%add3A, %dma_start3A_66, %dma_start3A_67] : memref<32x80x128xi32, #tpu.memory_space<hbm>> -> memref<1x80x128xi32, #tpu.memory_space<hbm>>
      %dma_start3A_69 = tpu.memref_squeeze %dma_start3A_68 : memref<1x80x128xi32, #tpu.memory_space<hbm>> -> memref<80x128xi32, #tpu.memory_space<hbm>>
      %dma_start3A_70 = arith.constant 0 : i32
      %dma_start3A_71 = arith.constant 0 : i32
      %dma_start3A_72 = tpu.memref_slice %dma_start3A_69[%dma_start3A_70, %dma_start3A_71] : memref<80x128xi32, #tpu.memory_space<hbm>> -> memref<40x128xi32, #tpu.memory_space<hbm>>
      tpu.enqueue_dma source(%dma_start3A_72 : memref<40x128xi32, #tpu.memory_space<hbm>>) target(%arg6 : memref<40x128xi32, #tpu.memory_space<vmem>>) target_semaphore(%run_scoped3A : memref<!tpu.dma_semaphore, #tpu.memory_space<semaphore_mem>>)
      %dma_wait3A = arith.constant 0 : i32
      %dma_wait3A_73 = arith.constant 0 : i32
      %dma_wait3A_74 = tpu.memref_slice %arg2[%add3A, %dma_wait3A, %dma_wait3A_73] : memref<32x80x128xi32, #tpu.memory_space<hbm>> -> memref<1x80x128xi32, #tpu.memory_space<hbm>>
      %dma_wait3A_75 = tpu.memref_squeeze %dma_wait3A_74 : memref<1x80x128xi32, #tpu.memory_space<hbm>> -> memref<80x128xi32, #tpu.memory_space<hbm>>
      %dma_wait3A_76 = arith.constant 0 : i32
      %dma_wait3A_77 = arith.constant 0 : i32
      %dma_wait3A_78 = tpu.memref_slice %dma_wait3A_75[%dma_wait3A_76, %dma_wait3A_77] : memref<80x128xi32, #tpu.memory_space<hbm>> -> memref<40x128xi32, #tpu.memory_space<hbm>>
      %dma_wait3A_79 = arith.constant 0 : i32
      %dma_wait3A_80 = arith.constant 0 : i32
      %dma_wait3A_81 = tpu.memref_slice %arg2[%add3A, %dma_wait3A_79, %dma_wait3A_80] : memref<32x80x128xi32, #tpu.memory_space<hbm>> -> memref<1x80x128xi32, #tpu.memory_space<hbm>>
      %dma_wait3A_82 = tpu.memref_squeeze %dma_wait3A_81 : memref<1x80x128xi32, #tpu.memory_space<hbm>> -> memref<80x128xi32, #tpu.memory_space<hbm>>
      %dma_wait3A_83 = arith.constant 0 : i32
      %dma_wait3A_84 = arith.constant 0 : i32
      %dma_wait3A_85 = tpu.memref_slice %dma_wait3A_82[%dma_wait3A_83, %dma_wait3A_84] : memref<80x128xi32, #tpu.memory_space<hbm>> -> memref<40x128xi32, #tpu.memory_space<hbm>>
      tpu.wait_dma2 semaphore(%run_scoped3A : memref<!tpu.dma_semaphore, #tpu.memory_space<semaphore_mem>>) src(%dma_wait3A_85 : memref<40x128xi32, #tpu.memory_space<hbm>>) dst(%arg6 : memref<40x128xi32, #tpu.memory_space<vmem>>)
      tpu.yield
    }) : () -> ()
    "tpu.region"() ({
      %run_scoped3A = tpu.sem_alloc : memref<!tpu.dma_semaphore, #tpu.memory_space<semaphore_mem>>
      %dma_start3A_59 = arith.constant 0 : i32
      %dma_start3A_60 = arith.constant 0 : i32
      %dma_start3A_61 = tpu.memref_slice %arg3[%add3A, %dma_start3A_59, %dma_start3A_60] : memref<32x80x128xi32, #tpu.memory_space<hbm>> -> memref<1x80x128xi32, #tpu.memory_space<hbm>>
      %dma_start3A_62 = tpu.memref_squeeze %dma_start3A_61 : memref<1x80x128xi32, #tpu.memory_space<hbm>> -> memref<80x128xi32, #tpu.memory_space<hbm>>
      %dma_start3A_63 = arith.constant 0 : i32
      %dma_start3A_64 = arith.constant 0 : i32
      %dma_start3A_65 = tpu.memref_slice %dma_start3A_62[%dma_start3A_63, %dma_start3A_64] : memref<80x128xi32, #tpu.memory_space<hbm>> -> memref<40x128xi32, #tpu.memory_space<hbm>>
      %dma_start3A_66 = arith.constant 0 : i32
      %dma_start3A_67 = arith.constant 0 : i32
      %dma_start3A_68 = tpu.memref_slice %arg3[%add3A, %dma_start3A_66, %dma_start3A_67] : memref<32x80x128xi32, #tpu.memory_space<hbm>> -> memref<1x80x128xi32, #tpu.memory_space<hbm>>
      %dma_start3A_69 = tpu.memref_squeeze %dma_start3A_68 : memref<1x80x128xi32, #tpu.memory_space<hbm>> -> memref<80x128xi32, #tpu.memory_space<hbm>>
      %dma_start3A_70 = arith.constant 0 : i32
      %dma_start3A_71 = arith.constant 0 : i32
      %dma_start3A_72 = tpu.memref_slice %dma_start3A_69[%dma_start3A_70, %dma_start3A_71] : memref<80x128xi32, #tpu.memory_space<hbm>> -> memref<40x128xi32, #tpu.memory_space<hbm>>
      tpu.enqueue_dma source(%dma_start3A_72 : memref<40x128xi32, #tpu.memory_space<hbm>>) target(%arg7 : memref<40x128xi32, #tpu.memory_space<vmem>>) target_semaphore(%run_scoped3A : memref<!tpu.dma_semaphore, #tpu.memory_space<semaphore_mem>>)
      %dma_wait3A = arith.constant 0 : i32
      %dma_wait3A_73 = arith.constant 0 : i32
      %dma_wait3A_74 = tpu.memref_slice %arg3[%add3A, %dma_wait3A, %dma_wait3A_73] : memref<32x80x128xi32, #tpu.memory_space<hbm>> -> memref<1x80x128xi32, #tpu.memory_space<hbm>>
      %dma_wait3A_75 = tpu.memref_squeeze %dma_wait3A_74 : memref<1x80x128xi32, #tpu.memory_space<hbm>> -> memref<80x128xi32, #tpu.memory_space<hbm>>
      %dma_wait3A_76 = arith.constant 0 : i32
      %dma_wait3A_77 = arith.constant 0 : i32
      %dma_wait3A_78 = tpu.memref_slice %dma_wait3A_75[%dma_wait3A_76, %dma_wait3A_77] : memref<80x128xi32, #tpu.memory_space<hbm>> -> memref<40x128xi32, #tpu.memory_space<hbm>>
      %dma_wait3A_79 = arith.constant 0 : i32
      %dma_wait3A_80 = arith.constant 0 : i32
      %dma_wait3A_81 = tpu.memref_slice %arg3[%add3A, %dma_wait3A_79, %dma_wait3A_80] : memref<32x80x128xi32, #tpu.memory_space<hbm>> -> memref<1x80x128xi32, #tpu.memory_space<hbm>>
      %dma_wait3A_82 = tpu.memref_squeeze %dma_wait3A_81 : memref<1x80x128xi32, #tpu.memory_space<hbm>> -> memref<80x128xi32, #tpu.memory_space<hbm>>
      %dma_wait3A_83 = arith.constant 0 : i32
      %dma_wait3A_84 = arith.constant 0 : i32
      %dma_wait3A_85 = tpu.memref_slice %dma_wait3A_82[%dma_wait3A_83, %dma_wait3A_84] : memref<80x128xi32, #tpu.memory_space<hbm>> -> memref<40x128xi32, #tpu.memory_space<hbm>>
      tpu.wait_dma2 semaphore(%run_scoped3A : memref<!tpu.dma_semaphore, #tpu.memory_space<semaphore_mem>>) src(%dma_wait3A_85 : memref<40x128xi32, #tpu.memory_space<hbm>>) dst(%arg7 : memref<40x128xi32, #tpu.memory_space<vmem>>)
      tpu.yield
    }) : () -> ()
    %dma_start3A = arith.constant 0 : i32
    %dma_start3A_9 = arith.constant 0 : i32
    %dma_start3A_10 = tpu.memref_slice %arg6[%dma_start3A, %dma_start3A_9] : memref<40x128xi32, #tpu.memory_space<vmem>> -> memref<1x128xi32, #tpu.memory_space<vmem>>
    %dma_start3A_11 = tpu.memref_squeeze %dma_start3A_10 : memref<1x128xi32, #tpu.memory_space<vmem>> -> memref<128xi32, #tpu.memory_space<vmem>>
    %dma_start3A_12 = arith.constant 0 : i32
    %dma_start3A_13 = arith.constant 0 : i32
    %dma_start3A_14 = tpu.memref_slice %arg4[%dma_start3A_12, %dma_start3A_13] : memref<10000x128xf32, #tpu.memory_space<hbm>> -> memref<10000x128xf32, #tpu.memory_space<hbm>>
    tpu.enqueue_indirect_dma source(%dma_start3A_14 : memref<10000x128xf32, #tpu.memory_space<hbm>>) target(%arg8 : memref<128x128xf32, #tpu.memory_space<vmem>>) offsets(%dma_start3A_11 : memref<128xi32, #tpu.memory_space<vmem>>) semaphore(%arg11 : memref<!tpu.dma_semaphore, #tpu.memory_space<semaphore_mem>>)
    %add3A_15 = arith.constant 0 : i32
    %add3A_16 = arith.addi %mul3A_2, %add3A_15 : i32
    "tpu.region"() ({
      %run_scoped3A = tpu.sem_alloc : memref<!tpu.dma_semaphore, #tpu.memory_space<semaphore_mem>>
      %dma_start3A_59 = arith.constant 0 : i32
      %dma_start3A_60 = tpu.memref_slice %arg10[%add3A_16, %dma_start3A_59] : memref<10112x128xf32, #tpu.memory_space<vmem_shared>> -> memref<128x128xf32, #tpu.memory_space<vmem_shared>>
      %dma_start3A_61 = arith.constant 0 : i32
      %dma_start3A_62 = tpu.memref_slice %arg10[%add3A_16, %dma_start3A_61] : memref<10112x128xf32, #tpu.memory_space<vmem_shared>> -> memref<128x128xf32, #tpu.memory_space<vmem_shared>>
      tpu.enqueue_dma source(%arg9 : memref<128x128xf32, #tpu.memory_space<vmem>>) target(%dma_start3A_62 : memref<128x128xf32, #tpu.memory_space<vmem_shared>>) target_semaphore(%run_scoped3A : memref<!tpu.dma_semaphore, #tpu.memory_space<semaphore_mem>>)
      %dma_wait3A = arith.constant 0 : i32
      %dma_wait3A_63 = tpu.memref_slice %arg10[%add3A_16, %dma_wait3A] : memref<10112x128xf32, #tpu.memory_space<vmem_shared>> -> memref<128x128xf32, #tpu.memory_space<vmem_shared>>
      %dma_wait3A_64 = arith.constant 0 : i32
      %dma_wait3A_65 = tpu.memref_slice %arg10[%add3A_16, %dma_wait3A_64] : memref<10112x128xf32, #tpu.memory_space<vmem_shared>> -> memref<128x128xf32, #tpu.memory_space<vmem_shared>>
      tpu.wait_dma2 semaphore(%run_scoped3A : memref<!tpu.dma_semaphore, #tpu.memory_space<semaphore_mem>>) src(%arg9 : memref<128x128xf32, #tpu.memory_space<vmem>>) dst(%dma_wait3A_65 : memref<128x128xf32, #tpu.memory_space<vmem_shared>>)
      tpu.yield
    }) : () -> ()
    %add3A_17 = arith.constant 128 : i32
    %add3A_18 = arith.addi %mul3A_2, %add3A_17 : i32
    "tpu.region"() ({
      %run_scoped3A = tpu.sem_alloc : memref<!tpu.dma_semaphore, #tpu.memory_space<semaphore_mem>>
      %dma_start3A_59 = arith.constant 0 : i32
      %dma_start3A_60 = tpu.memref_slice %arg10[%add3A_18, %dma_start3A_59] : memref<10112x128xf32, #tpu.memory_space<vmem_shared>> -> memref<128x128xf32, #tpu.memory_space<vmem_shared>>
      %dma_start3A_61 = arith.constant 0 : i32
      %dma_start3A_62 = tpu.memref_slice %arg10[%add3A_18, %dma_start3A_61] : memref<10112x128xf32, #tpu.memory_space<vmem_shared>> -> memref<128x128xf32, #tpu.memory_space<vmem_shared>>
      tpu.enqueue_dma source(%arg9 : memref<128x128xf32, #tpu.memory_space<vmem>>) target(%dma_start3A_62 : memref<128x128xf32, #tpu.memory_space<vmem_shared>>) target_semaphore(%run_scoped3A : memref<!tpu.dma_semaphore, #tpu.memory_space<semaphore_mem>>)
      %dma_wait3A = arith.constant 0 : i32
      %dma_wait3A_63 = tpu.memref_slice %arg10[%add3A_18, %dma_wait3A] : memref<10112x128xf32, #tpu.memory_space<vmem_shared>> -> memref<128x128xf32, #tpu.memory_space<vmem_shared>>
      %dma_wait3A_64 = arith.constant 0 : i32
      %dma_wait3A_65 = tpu.memref_slice %arg10[%add3A_18, %dma_wait3A_64] : memref<10112x128xf32, #tpu.memory_space<vmem_shared>> -> memref<128x128xf32, #tpu.memory_space<vmem_shared>>
      tpu.wait_dma2 semaphore(%run_scoped3A : memref<!tpu.dma_semaphore, #tpu.memory_space<semaphore_mem>>) src(%arg9 : memref<128x128xf32, #tpu.memory_space<vmem>>) dst(%dma_wait3A_65 : memref<128x128xf32, #tpu.memory_space<vmem_shared>>)
      tpu.yield
    }) : () -> ()
    %add3A_19 = arith.constant 256 : i32
    %add3A_20 = arith.addi %mul3A_2, %add3A_19 : i32
    "tpu.region"() ({
      %run_scoped3A = tpu.sem_alloc : memref<!tpu.dma_semaphore, #tpu.memory_space<semaphore_mem>>
      %dma_start3A_59 = arith.constant 0 : i32
      %dma_start3A_60 = tpu.memref_slice %arg10[%add3A_20, %dma_start3A_59] : memref<10112x128xf32, #tpu.memory_space<vmem_shared>> -> memref<128x128xf32, #tpu.memory_space<vmem_shared>>
      %dma_start3A_61 = arith.constant 0 : i32
      %dma_start3A_62 = tpu.memref_slice %arg10[%add3A_20, %dma_start3A_61] : memref<10112x128xf32, #tpu.memory_space<vmem_shared>> -> memref<128x128xf32, #tpu.memory_space<vmem_shared>>
      tpu.enqueue_dma source(%arg9 : memref<128x128xf32, #tpu.memory_space<vmem>>) target(%dma_start3A_62 : memref<128x128xf32, #tpu.memory_space<vmem_shared>>) target_semaphore(%run_scoped3A : memref<!tpu.dma_semaphore, #tpu.memory_space<semaphore_mem>>)
      %dma_wait3A = arith.constant 0 : i32
      %dma_wait3A_63 = tpu.memref_slice %arg10[%add3A_20, %dma_wait3A] : memref<10112x128xf32, #tpu.memory_space<vmem_shared>> -> memref<128x128xf32, #tpu.memory_space<vmem_shared>>
      %dma_wait3A_64 = arith.constant 0 : i32
      %dma_wait3A_65 = tpu.memref_slice %arg10[%add3A_20, %dma_wait3A_64] : memref<10112x128xf32, #tpu.memory_space<vmem_shared>> -> memref<128x128xf32, #tpu.memory_space<vmem_shared>>
      tpu.wait_dma2 semaphore(%run_scoped3A : memref<!tpu.dma_semaphore, #tpu.memory_space<semaphore_mem>>) src(%arg9 : memref<128x128xf32, #tpu.memory_space<vmem>>) dst(%dma_wait3A_65 : memref<128x128xf32, #tpu.memory_space<vmem_shared>>)
      tpu.yield
    }) : () -> ()
    %add3A_21 = arith.constant 384 : i32
    %add3A_22 = arith.addi %mul3A_2, %add3A_21 : i32
    "tpu.region"() ({
      %run_scoped3A = tpu.sem_alloc : memref<!tpu.dma_semaphore, #tpu.memory_space<semaphore_mem>>
      %dma_start3A_59 = arith.constant 0 : i32
      %dma_start3A_60 = tpu.memref_slice %arg10[%add3A_22, %dma_start3A_59] : memref<10112x128xf32, #tpu.memory_space<vmem_shared>> -> memref<128x128xf32, #tpu.memory_space<vmem_shared>>
      %dma_start3A_61 = arith.constant 0 : i32
      %dma_start3A_62 = tpu.memref_slice %arg10[%add3A_22, %dma_start3A_61] : memref<10112x128xf32, #tpu.memory_space<vmem_shared>> -> memref<128x128xf32, #tpu.memory_space<vmem_shared>>
      tpu.enqueue_dma source(%arg9 : memref<128x128xf32, #tpu.memory_space<vmem>>) target(%dma_start3A_62 : memref<128x128xf32, #tpu.memory_space<vmem_shared>>) target_semaphore(%run_scoped3A : memref<!tpu.dma_semaphore, #tpu.memory_space<semaphore_mem>>)
      %dma_wait3A = arith.constant 0 : i32
      %dma_wait3A_63 = tpu.memref_slice %arg10[%add3A_22, %dma_wait3A] : memref<10112x128xf32, #tpu.memory_space<vmem_shared>> -> memref<128x128xf32, #tpu.memory_space<vmem_shared>>
      %dma_wait3A_64 = arith.constant 0 : i32
      %dma_wait3A_65 = tpu.memref_slice %arg10[%add3A_22, %dma_wait3A_64] : memref<10112x128xf32, #tpu.memory_space<vmem_shared>> -> memref<128x128xf32, #tpu.memory_space<vmem_shared>>
      tpu.wait_dma2 semaphore(%run_scoped3A : memref<!tpu.dma_semaphore, #tpu.memory_space<semaphore_mem>>) src(%arg9 : memref<128x128xf32, #tpu.memory_space<vmem>>) dst(%dma_wait3A_65 : memref<128x128xf32, #tpu.memory_space<vmem_shared>>)
      tpu.yield
    }) : () -> ()
    %add3A_23 = arith.constant 512 : i32
    %add3A_24 = arith.addi %mul3A_2, %add3A_23 : i32
    "tpu.region"() ({
      %run_scoped3A = tpu.sem_alloc : memref<!tpu.dma_semaphore, #tpu.memory_space<semaphore_mem>>
      %dma_start3A_59 = arith.constant 0 : i32
      %dma_start3A_60 = arith.constant 0 : i32
      %dma_start3A_61 = tpu.memref_slice %arg9[%dma_start3A_59, %dma_start3A_60] : memref<128x128xf32, #tpu.memory_space<vmem>> -> memref<120x128xf32, #tpu.memory_space<vmem>>
      %dma_start3A_62 = arith.constant 0 : i32
      %dma_start3A_63 = tpu.memref_slice %arg10[%add3A_24, %dma_start3A_62] : memref<10112x128xf32, #tpu.memory_space<vmem_shared>> -> memref<120x128xf32, #tpu.memory_space<vmem_shared>>
      %dma_start3A_64 = arith.constant 0 : i32
      %dma_start3A_65 = tpu.memref_slice %arg10[%add3A_24, %dma_start3A_64] : memref<10112x128xf32, #tpu.memory_space<vmem_shared>> -> memref<120x128xf32, #tpu.memory_space<vmem_shared>>
      %dma_start3A_66 = arith.constant 0 : i32
      %dma_start3A_67 = arith.constant 0 : i32
      %dma_start3A_68 = tpu.memref_slice %arg9[%dma_start3A_66, %dma_start3A_67] : memref<128x128xf32, #tpu.memory_space<vmem>> -> memref<120x128xf32, #tpu.memory_space<vmem>>
      tpu.enqueue_dma source(%dma_start3A_68 : memref<120x128xf32, #tpu.memory_space<vmem>>) target(%dma_start3A_65 : memref<120x128xf32, #tpu.memory_space<vmem_shared>>) target_semaphore(%run_scoped3A : memref<!tpu.dma_semaphore, #tpu.memory_space<semaphore_mem>>)
      %dma_wait3A = arith.constant 0 : i32
      %dma_wait3A_69 = arith.constant 0 : i32
      %dma_wait3A_70 = tpu.memref_slice %arg9[%dma_wait3A, %dma_wait3A_69] : memref<128x128xf32, #tpu.memory_space<vmem>> -> memref<120x128xf32, #tpu.memory_space<vmem>>
      %dma_wait3A_71 = arith.constant 0 : i32
      %dma_wait3A_72 = tpu.memref_slice %arg10[%add3A_24, %dma_wait3A_71] : memref<10112x128xf32, #tpu.memory_space<vmem_shared>> -> memref<120x128xf32, #tpu.memory_space<vmem_shared>>
      %dma_wait3A_73 = arith.constant 0 : i32
      %dma_wait3A_74 = tpu.memref_slice %arg10[%add3A_24, %dma_wait3A_73] : memref<10112x128xf32, #tpu.memory_space<vmem_shared>> -> memref<120x128xf32, #tpu.memory_space<vmem_shared>>
      %dma_wait3A_75 = arith.constant 0 : i32
      %dma_wait3A_76 = arith.constant 0 : i32
      %dma_wait3A_77 = tpu.memref_slice %arg9[%dma_wait3A_75, %dma_wait3A_76] : memref<128x128xf32, #tpu.memory_space<vmem>> -> memref<120x128xf32, #tpu.memory_space<vmem>>
      tpu.wait_dma2 semaphore(%run_scoped3A : memref<!tpu.dma_semaphore, #tpu.memory_space<semaphore_mem>>) src(%dma_wait3A_77 : memref<120x128xf32, #tpu.memory_space<vmem>>) dst(%dma_wait3A_74 : memref<120x128xf32, #tpu.memory_space<vmem_shared>>)
      tpu.yield
    }) : () -> ()
    %dma_start3A_25 = arith.constant 1 : i32
    %dma_start3A_26 = arith.constant 0 : i32
    %dma_start3A_27 = tpu.memref_slice %arg6[%dma_start3A_25, %dma_start3A_26] : memref<40x128xi32, #tpu.memory_space<vmem>> -> memref<1x128xi32, #tpu.memory_space<vmem>>
    %dma_start3A_28 = tpu.memref_squeeze %dma_start3A_27 : memref<1x128xi32, #tpu.memory_space<vmem>> -> memref<128xi32, #tpu.memory_space<vmem>>
    %dma_start3A_29 = arith.constant 0 : i32
    %dma_start3A_30 = arith.constant 0 : i32
    %dma_start3A_31 = tpu.memref_slice %arg4[%dma_start3A_29, %dma_start3A_30] : memref<10000x128xf32, #tpu.memory_space<hbm>> -> memref<10000x128xf32, #tpu.memory_space<hbm>>
    tpu.enqueue_indirect_dma source(%dma_start3A_31 : memref<10000x128xf32, #tpu.memory_space<hbm>>) target(%arg9 : memref<128x128xf32, #tpu.memory_space<vmem>>) offsets(%dma_start3A_28 : memref<128xi32, #tpu.memory_space<vmem>>) semaphore(%arg12 : memref<!tpu.dma_semaphore, #tpu.memory_space<semaphore_mem>>)
    %barrier3A = arith.constant 0 : index
    tpu.barrier barrier_id(%barrier3A)
    %scan3A_32 = arith.constant 0 : i32
    %scan3A_33 = arith.constant 0 : i32
    %scan3A_34 = arith.constant 20 : i32
    %scan3A_35 = arith.addi %scan3A_33, %scan3A_34 : i32
    %scan3A_36 = arith.constant 1 : i32
    scf.for %scan3A_59 = %scan3A_33 to %scan3A_35 step %scan3A_36  : i32 {
      %mul3A_60 = arith.constant 2 : i32
      %mul3A_61 = arith.muli %mul3A_60, %scan3A_59 : i32
      %dma_wait3A = arith.constant 0 : i32
      %dma_wait3A_62 = tpu.memref_slice %arg6[%mul3A_61, %dma_wait3A] : memref<40x128xi32, #tpu.memory_space<vmem>> -> memref<1x128xi32, #tpu.memory_space<vmem>>
      %dma_wait3A_63 = tpu.memref_squeeze %dma_wait3A_62 : memref<1x128xi32, #tpu.memory_space<vmem>> -> memref<128xi32, #tpu.memory_space<vmem>>
      %dma_wait3A_64 = arith.constant 0 : i32
      %dma_wait3A_65 = arith.constant 0 : i32
      %dma_wait3A_66 = tpu.memref_slice %arg4[%dma_wait3A_64, %dma_wait3A_65] : memref<10000x128xf32, #tpu.memory_space<hbm>> -> memref<10000x128xf32, #tpu.memory_space<hbm>>
      tpu.wait_indirect_dma semaphore(%arg11 : memref<!tpu.dma_semaphore, #tpu.memory_space<semaphore_mem>>) src(%dma_wait3A_66 : memref<10000x128xf32, #tpu.memory_space<hbm>>) dst(%arg8 : memref<128x128xf32, #tpu.memory_space<vmem>>)
      "tpu.region"() ({
        %run_scoped3A = tpu.sem_alloc : memref<!tpu.dma_semaphore, #tpu.memory_space<semaphore_mem>>
        %dma_start3A_88 = arith.constant 0 : i32
        %dma_start3A_89 = tpu.memref_slice %arg7[%mul3A_61, %dma_start3A_88] : memref<40x128xi32, #tpu.memory_space<vmem>> -> memref<1x128xi32, #tpu.memory_space<vmem>>
        %dma_start3A_90 = tpu.memref_squeeze %dma_start3A_89 : memref<1x128xi32, #tpu.memory_space<vmem>> -> memref<128xi32, #tpu.memory_space<vmem>>
        %dma_start3A_91 = arith.constant 0 : i32
        %dma_start3A_92 = arith.constant 0 : i32
        %dma_start3A_93 = tpu.memref_slice %arg10[%dma_start3A_91, %dma_start3A_92] : memref<10112x128xf32, #tpu.memory_space<vmem_shared>> -> memref<10112x128xf32, #tpu.memory_space<vmem_shared>>
        tpu.enqueue_indirect_dma source(%arg8 : memref<128x128xf32, #tpu.memory_space<vmem>>) target(%dma_start3A_93 : memref<10112x128xf32, #tpu.memory_space<vmem_shared>>) offsets(%dma_start3A_90 : memref<128xi32, #tpu.memory_space<vmem>>) semaphore(%run_scoped3A : memref<!tpu.dma_semaphore, #tpu.memory_space<semaphore_mem>>) {add = true}
        %dma_wait3A_94 = arith.constant 0 : i32
        %dma_wait3A_95 = tpu.memref_slice %arg7[%mul3A_61, %dma_wait3A_94] : memref<40x128xi32, #tpu.memory_space<vmem>> -> memref<1x128xi32, #tpu.memory_space<vmem>>
        %dma_wait3A_96 = tpu.memref_squeeze %dma_wait3A_95 : memref<1x128xi32, #tpu.memory_space<vmem>> -> memref<128xi32, #tpu.memory_space<vmem>>
        %dma_wait3A_97 = arith.constant 0 : i32
        %dma_wait3A_98 = arith.constant 0 : i32
        %dma_wait3A_99 = tpu.memref_slice %arg10[%dma_wait3A_97, %dma_wait3A_98] : memref<10112x128xf32, #tpu.memory_space<vmem_shared>> -> memref<10112x128xf32, #tpu.memory_space<vmem_shared>>
        tpu.wait_indirect_dma semaphore(%run_scoped3A : memref<!tpu.dma_semaphore, #tpu.memory_space<semaphore_mem>>) src(%arg8 : memref<128x128xf32, #tpu.memory_space<vmem>>) dst(%dma_wait3A_99 : memref<10112x128xf32, #tpu.memory_space<vmem_shared>>)
        tpu.yield
      }) : () -> ()
      %add3A_67 = arith.constant 2 : i32
      %add3A_68 = arith.addi %mul3A_61, %add3A_67 : i32
      %lt3A = arith.constant 40 : i32
      %lt3A_69 = arith.cmpi slt, %add3A_68, %lt3A : i32
      %convert_element_type3A = arith.extui %lt3A_69 : i1 to i32
      %cond3A = arith.constant 0 : i32
      %cond3A_70 = arith.cmpi ne, %convert_element_type3A, %cond3A : i32
      scf.if %cond3A_70 {
        %add3A_88 = arith.constant 2 : i32
        %add3A_89 = arith.addi %mul3A_61, %add3A_88 : i32
        %dma_start3A_90 = arith.constant 0 : i32
        %dma_start3A_91 = tpu.memref_slice %arg6[%add3A_89, %dma_start3A_90] : memref<40x128xi32, #tpu.memory_space<vmem>> -> memref<1x128xi32, #tpu.memory_space<vmem>>
        %dma_start3A_92 = tpu.memref_squeeze %dma_start3A_91 : memref<1x128xi32, #tpu.memory_space<vmem>> -> memref<128xi32, #tpu.memory_space<vmem>>
        %dma_start3A_93 = arith.constant 0 : i32
        %dma_start3A_94 = arith.constant 0 : i32
        %dma_start3A_95 = tpu.memref_slice %arg4[%dma_start3A_93, %dma_start3A_94] : memref<10000x128xf32, #tpu.memory_space<hbm>> -> memref<10000x128xf32, #tpu.memory_space<hbm>>
        tpu.enqueue_indirect_dma source(%dma_start3A_95 : memref<10000x128xf32, #tpu.memory_space<hbm>>) target(%arg8 : memref<128x128xf32, #tpu.memory_space<vmem>>) offsets(%dma_start3A_92 : memref<128xi32, #tpu.memory_space<vmem>>) semaphore(%arg11 : memref<!tpu.dma_semaphore, #tpu.memory_space<semaphore_mem>>)
      } else {
      }
      %add3A_71 = arith.constant 1 : i32
      %add3A_72 = arith.addi %mul3A_61, %add3A_71 : i32
      %dma_wait3A_73 = arith.constant 0 : i32
      %dma_wait3A_74 = tpu.memref_slice %arg6[%add3A_72, %dma_wait3A_73] : memref<40x128xi32, #tpu.memory_space<vmem>> -> memref<1x128xi32, #tpu.memory_space<vmem>>
      %dma_wait3A_75 = tpu.memref_squeeze %dma_wait3A_74 : memref<1x128xi32, #tpu.memory_space<vmem>> -> memref<128xi32, #tpu.memory_space<vmem>>
      %dma_wait3A_76 = arith.constant 0 : i32
      %dma_wait3A_77 = arith.constant 0 : i32
      %dma_wait3A_78 = tpu.memref_slice %arg4[%dma_wait3A_76, %dma_wait3A_77] : memref<10000x128xf32, #tpu.memory_space<hbm>> -> memref<10000x128xf32, #tpu.memory_space<hbm>>
      tpu.wait_indirect_dma semaphore(%arg12 : memref<!tpu.dma_semaphore, #tpu.memory_space<semaphore_mem>>) src(%dma_wait3A_78 : memref<10000x128xf32, #tpu.memory_space<hbm>>) dst(%arg9 : memref<128x128xf32, #tpu.memory_space<vmem>>)
      %add3A_79 = arith.constant 1 : i32
      %add3A_80 = arith.addi %mul3A_61, %add3A_79 : i32
      "tpu.region"() ({
        %run_scoped3A = tpu.sem_alloc : memref<!tpu.dma_semaphore, #tpu.memory_space<semaphore_mem>>
        %dma_start3A_88 = arith.constant 0 : i32
        %dma_start3A_89 = tpu.memref_slice %arg7[%add3A_80, %dma_start3A_88] : memref<40x128xi32, #tpu.memory_space<vmem>> -> memref<1x128xi32, #tpu.memory_space<vmem>>
        %dma_start3A_90 = tpu.memref_squeeze %dma_start3A_89 : memref<1x128xi32, #tpu.memory_space<vmem>> -> memref<128xi32, #tpu.memory_space<vmem>>
        %dma_start3A_91 = arith.constant 0 : i32
        %dma_start3A_92 = arith.constant 0 : i32
        %dma_start3A_93 = tpu.memref_slice %arg10[%dma_start3A_91, %dma_start3A_92] : memref<10112x128xf32, #tpu.memory_space<vmem_shared>> -> memref<10112x128xf32, #tpu.memory_space<vmem_shared>>
        tpu.enqueue_indirect_dma source(%arg9 : memref<128x128xf32, #tpu.memory_space<vmem>>) target(%dma_start3A_93 : memref<10112x128xf32, #tpu.memory_space<vmem_shared>>) offsets(%dma_start3A_90 : memref<128xi32, #tpu.memory_space<vmem>>) semaphore(%run_scoped3A : memref<!tpu.dma_semaphore, #tpu.memory_space<semaphore_mem>>) {add = true}
        %dma_wait3A_94 = arith.constant 0 : i32
        %dma_wait3A_95 = tpu.memref_slice %arg7[%add3A_80, %dma_wait3A_94] : memref<40x128xi32, #tpu.memory_space<vmem>> -> memref<1x128xi32, #tpu.memory_space<vmem>>
        %dma_wait3A_96 = tpu.memref_squeeze %dma_wait3A_95 : memref<1x128xi32, #tpu.memory_space<vmem>> -> memref<128xi32, #tpu.memory_space<vmem>>
        %dma_wait3A_97 = arith.constant 0 : i32
        %dma_wait3A_98 = arith.constant 0 : i32
        %dma_wait3A_99 = tpu.memref_slice %arg10[%dma_wait3A_97, %dma_wait3A_98] : memref<10112x128xf32, #tpu.memory_space<vmem_shared>> -> memref<10112x128xf32, #tpu.memory_space<vmem_shared>>
        tpu.wait_indirect_dma semaphore(%run_scoped3A : memref<!tpu.dma_semaphore, #tpu.memory_space<semaphore_mem>>) src(%arg9 : memref<128x128xf32, #tpu.memory_space<vmem>>) dst(%dma_wait3A_99 : memref<10112x128xf32, #tpu.memory_space<vmem_shared>>)
        tpu.yield
      }) : () -> ()
      %add3A_81 = arith.constant 3 : i32
      %add3A_82 = arith.addi %mul3A_61, %add3A_81 : i32
      %lt3A_83 = arith.constant 40 : i32
      %lt3A_84 = arith.cmpi slt, %add3A_82, %lt3A_83 : i32
      %convert_element_type3A_85 = arith.extui %lt3A_84 : i1 to i32
      %cond3A_86 = arith.constant 0 : i32
      %cond3A_87 = arith.cmpi ne, %convert_element_type3A_85, %cond3A_86 : i32
      scf.if %cond3A_87 {
        %add3A_88 = arith.constant 3 : i32
        %add3A_89 = arith.addi %mul3A_61, %add3A_88 : i32
        %dma_start3A_90 = arith.constant 0 : i32
        %dma_start3A_91 = tpu.memref_slice %arg6[%add3A_89, %dma_start3A_90] : memref<40x128xi32, #tpu.memory_space<vmem>> -> memref<1x128xi32, #tpu.memory_space<vmem>>
        %dma_start3A_92 = tpu.memref_squeeze %dma_start3A_91 : memref<1x128xi32, #tpu.memory_space<vmem>> -> memref<128xi32, #tpu.memory_space<vmem>>
        %dma_start3A_93 = arith.constant 0 : i32
        %dma_start3A_94 = arith.constant 0 : i32
        %dma_start3A_95 = tpu.memref_slice %arg4[%dma_start3A_93, %dma_start3A_94] : memref<10000x128xf32, #tpu.memory_space<hbm>> -> memref<10000x128xf32, #tpu.memory_space<hbm>>
        tpu.enqueue_indirect_dma source(%dma_start3A_95 : memref<10000x128xf32, #tpu.memory_space<hbm>>) target(%arg9 : memref<128x128xf32, #tpu.memory_space<vmem>>) offsets(%dma_start3A_92 : memref<128xi32, #tpu.memory_space<vmem>>) semaphore(%arg12 : memref<!tpu.dma_semaphore, #tpu.memory_space<semaphore_mem>>)
      } else {
      }
    }
    %scan3A_37 = arith.constant 20 : i32
    "tpu.region"() ({
      %run_scoped3A = tpu.sem_alloc : memref<!tpu.dma_semaphore, #tpu.memory_space<semaphore_mem>>
      %dma_start3A_59 = arith.constant 0 : i32
      %dma_start3A_60 = arith.constant 0 : i32
      %dma_start3A_61 = tpu.memref_slice %arg2[%add3A, %dma_start3A_59, %dma_start3A_60] : memref<32x80x128xi32, #tpu.memory_space<hbm>> -> memref<1x80x128xi32, #tpu.memory_space<hbm>>
      %dma_start3A_62 = tpu.memref_squeeze %dma_start3A_61 : memref<1x80x128xi32, #tpu.memory_space<hbm>> -> memref<80x128xi32, #tpu.memory_space<hbm>>
      %dma_start3A_63 = arith.constant 40 : i32
      %dma_start3A_64 = arith.constant 0 : i32
      %dma_start3A_65 = tpu.memref_slice %dma_start3A_62[%dma_start3A_63, %dma_start3A_64] : memref<80x128xi32, #tpu.memory_space<hbm>> -> memref<40x128xi32, #tpu.memory_space<hbm>>
      %dma_start3A_66 = arith.constant 0 : i32
      %dma_start3A_67 = arith.constant 0 : i32
      %dma_start3A_68 = tpu.memref_slice %arg2[%add3A, %dma_start3A_66, %dma_start3A_67] : memref<32x80x128xi32, #tpu.memory_space<hbm>> -> memref<1x80x128xi32, #tpu.memory_space<hbm>>
      %dma_start3A_69 = tpu.memref_squeeze %dma_start3A_68 : memref<1x80x128xi32, #tpu.memory_space<hbm>> -> memref<80x128xi32, #tpu.memory_space<hbm>>
      %dma_start3A_70 = arith.constant 40 : i32
      %dma_start3A_71 = arith.constant 0 : i32
      %dma_start3A_72 = tpu.memref_slice %dma_start3A_69[%dma_start3A_70, %dma_start3A_71] : memref<80x128xi32, #tpu.memory_space<hbm>> -> memref<40x128xi32, #tpu.memory_space<hbm>>
      tpu.enqueue_dma source(%dma_start3A_72 : memref<40x128xi32, #tpu.memory_space<hbm>>) target(%arg6 : memref<40x128xi32, #tpu.memory_space<vmem>>) target_semaphore(%run_scoped3A : memref<!tpu.dma_semaphore, #tpu.memory_space<semaphore_mem>>)
      %dma_wait3A = arith.constant 0 : i32
      %dma_wait3A_73 = arith.constant 0 : i32
      %dma_wait3A_74 = tpu.memref_slice %arg2[%add3A, %dma_wait3A, %dma_wait3A_73] : memref<32x80x128xi32, #tpu.memory_space<hbm>> -> memref<1x80x128xi32, #tpu.memory_space<hbm>>
      %dma_wait3A_75 = tpu.memref_squeeze %dma_wait3A_74 : memref<1x80x128xi32, #tpu.memory_space<hbm>> -> memref<80x128xi32, #tpu.memory_space<hbm>>
      %dma_wait3A_76 = arith.constant 40 : i32
      %dma_wait3A_77 = arith.constant 0 : i32
      %dma_wait3A_78 = tpu.memref_slice %dma_wait3A_75[%dma_wait3A_76, %dma_wait3A_77] : memref<80x128xi32, #tpu.memory_space<hbm>> -> memref<40x128xi32, #tpu.memory_space<hbm>>
      %dma_wait3A_79 = arith.constant 0 : i32
      %dma_wait3A_80 = arith.constant 0 : i32
      %dma_wait3A_81 = tpu.memref_slice %arg2[%add3A, %dma_wait3A_79, %dma_wait3A_80] : memref<32x80x128xi32, #tpu.memory_space<hbm>> -> memref<1x80x128xi32, #tpu.memory_space<hbm>>
      %dma_wait3A_82 = tpu.memref_squeeze %dma_wait3A_81 : memref<1x80x128xi32, #tpu.memory_space<hbm>> -> memref<80x128xi32, #tpu.memory_space<hbm>>
      %dma_wait3A_83 = arith.constant 40 : i32
      %dma_wait3A_84 = arith.constant 0 : i32
      %dma_wait3A_85 = tpu.memref_slice %dma_wait3A_82[%dma_wait3A_83, %dma_wait3A_84] : memref<80x128xi32, #tpu.memory_space<hbm>> -> memref<40x128xi32, #tpu.memory_space<hbm>>
      tpu.wait_dma2 semaphore(%run_scoped3A : memref<!tpu.dma_semaphore, #tpu.memory_space<semaphore_mem>>) src(%dma_wait3A_85 : memref<40x128xi32, #tpu.memory_space<hbm>>) dst(%arg6 : memref<40x128xi32, #tpu.memory_space<vmem>>)
      tpu.yield
    }) : () -> ()
    "tpu.region"() ({
      %run_scoped3A = tpu.sem_alloc : memref<!tpu.dma_semaphore, #tpu.memory_space<semaphore_mem>>
      %dma_start3A_59 = arith.constant 0 : i32
      %dma_start3A_60 = arith.constant 0 : i32
      %dma_start3A_61 = tpu.memref_slice %arg3[%add3A, %dma_start3A_59, %dma_start3A_60] : memref<32x80x128xi32, #tpu.memory_space<hbm>> -> memref<1x80x128xi32, #tpu.memory_space<hbm>>
      %dma_start3A_62 = tpu.memref_squeeze %dma_start3A_61 : memref<1x80x128xi32, #tpu.memory_space<hbm>> -> memref<80x128xi32, #tpu.memory_space<hbm>>
      %dma_start3A_63 = arith.constant 40 : i32
      %dma_start3A_64 = arith.constant 0 : i32
      %dma_start3A_65 = tpu.memref_slice %dma_start3A_62[%dma_start3A_63, %dma_start3A_64] : memref<80x128xi32, #tpu.memory_space<hbm>> -> memref<40x128xi32, #tpu.memory_space<hbm>>
      %dma_start3A_66 = arith.constant 0 : i32
      %dma_start3A_67 = arith.constant 0 : i32
      %dma_start3A_68 = tpu.memref_slice %arg3[%add3A, %dma_start3A_66, %dma_start3A_67] : memref<32x80x128xi32, #tpu.memory_space<hbm>> -> memref<1x80x128xi32, #tpu.memory_space<hbm>>
      %dma_start3A_69 = tpu.memref_squeeze %dma_start3A_68 : memref<1x80x128xi32, #tpu.memory_space<hbm>> -> memref<80x128xi32, #tpu.memory_space<hbm>>
      %dma_start3A_70 = arith.constant 40 : i32
      %dma_start3A_71 = arith.constant 0 : i32
      %dma_start3A_72 = tpu.memref_slice %dma_start3A_69[%dma_start3A_70, %dma_start3A_71] : memref<80x128xi32, #tpu.memory_space<hbm>> -> memref<40x128xi32, #tpu.memory_space<hbm>>
      tpu.enqueue_dma source(%dma_start3A_72 : memref<40x128xi32, #tpu.memory_space<hbm>>) target(%arg7 : memref<40x128xi32, #tpu.memory_space<vmem>>) target_semaphore(%run_scoped3A : memref<!tpu.dma_semaphore, #tpu.memory_space<semaphore_mem>>)
      %dma_wait3A = arith.constant 0 : i32
      %dma_wait3A_73 = arith.constant 0 : i32
      %dma_wait3A_74 = tpu.memref_slice %arg3[%add3A, %dma_wait3A, %dma_wait3A_73] : memref<32x80x128xi32, #tpu.memory_space<hbm>> -> memref<1x80x128xi32, #tpu.memory_space<hbm>>
      %dma_wait3A_75 = tpu.memref_squeeze %dma_wait3A_74 : memref<1x80x128xi32, #tpu.memory_space<hbm>> -> memref<80x128xi32, #tpu.memory_space<hbm>>
      %dma_wait3A_76 = arith.constant 40 : i32
      %dma_wait3A_77 = arith.constant 0 : i32
      %dma_wait3A_78 = tpu.memref_slice %dma_wait3A_75[%dma_wait3A_76, %dma_wait3A_77] : memref<80x128xi32, #tpu.memory_space<hbm>> -> memref<40x128xi32, #tpu.memory_space<hbm>>
      %dma_wait3A_79 = arith.constant 0 : i32
      %dma_wait3A_80 = arith.constant 0 : i32
      %dma_wait3A_81 = tpu.memref_slice %arg3[%add3A, %dma_wait3A_79, %dma_wait3A_80] : memref<32x80x128xi32, #tpu.memory_space<hbm>> -> memref<1x80x128xi32, #tpu.memory_space<hbm>>
      %dma_wait3A_82 = tpu.memref_squeeze %dma_wait3A_81 : memref<1x80x128xi32, #tpu.memory_space<hbm>> -> memref<80x128xi32, #tpu.memory_space<hbm>>
      %dma_wait3A_83 = arith.constant 40 : i32
      %dma_wait3A_84 = arith.constant 0 : i32
      %dma_wait3A_85 = tpu.memref_slice %dma_wait3A_82[%dma_wait3A_83, %dma_wait3A_84] : memref<80x128xi32, #tpu.memory_space<hbm>> -> memref<40x128xi32, #tpu.memory_space<hbm>>
      tpu.wait_dma2 semaphore(%run_scoped3A : memref<!tpu.dma_semaphore, #tpu.memory_space<semaphore_mem>>) src(%dma_wait3A_85 : memref<40x128xi32, #tpu.memory_space<hbm>>) dst(%arg7 : memref<40x128xi32, #tpu.memory_space<vmem>>)
      tpu.yield
    }) : () -> ()
    %dma_start3A_38 = arith.constant 0 : i32
    %dma_start3A_39 = arith.constant 0 : i32
    %dma_start3A_40 = tpu.memref_slice %arg6[%dma_start3A_38, %dma_start3A_39] : memref<40x128xi32, #tpu.memory_space<vmem>> -> memref<1x128xi32, #tpu.memory_space<vmem>>
    %dma_start3A_41 = tpu.memref_squeeze %dma_start3A_40 : memref<1x128xi32, #tpu.memory_space<vmem>> -> memref<128xi32, #tpu.memory_space<vmem>>
    %dma_start3A_42 = arith.constant 0 : i32
    %dma_start3A_43 = arith.constant 0 : i32
    %dma_start3A_44 = tpu.memref_slice %arg4[%dma_start3A_42, %dma_start3A_43] : memref<10000x128xf32, #tpu.memory_space<hbm>> -> memref<10000x128xf32, #tpu.memory_space<hbm>>
    tpu.enqueue_indirect_dma source(%dma_start3A_44 : memref<10000x128xf32, #tpu.memory_space<hbm>>) target(%arg8 : memref<128x128xf32, #tpu.memory_space<vmem>>) offsets(%dma_start3A_41 : memref<128xi32, #tpu.memory_space<vmem>>) semaphore(%arg11 : memref<!tpu.dma_semaphore, #tpu.memory_space<semaphore_mem>>)
    %dma_start3A_45 = arith.constant 1 : i32
    %dma_start3A_46 = arith.constant 0 : i32
    %dma_start3A_47 = tpu.memref_slice %arg6[%dma_start3A_45, %dma_start3A_46] : memref<40x128xi32, #tpu.memory_space<vmem>> -> memref<1x128xi32, #tpu.memory_space<vmem>>
    %dma_start3A_48 = tpu.memref_squeeze %dma_start3A_47 : memref<1x128xi32, #tpu.memory_space<vmem>> -> memref<128xi32, #tpu.memory_space<vmem>>
    %dma_start3A_49 = arith.constant 0 : i32
    %dma_start3A_50 = arith.constant 0 : i32
    %dma_start3A_51 = tpu.memref_slice %arg4[%dma_start3A_49, %dma_start3A_50] : memref<10000x128xf32, #tpu.memory_space<hbm>> -> memref<10000x128xf32, #tpu.memory_space<hbm>>
    tpu.enqueue_indirect_dma source(%dma_start3A_51 : memref<10000x128xf32, #tpu.memory_space<hbm>>) target(%arg9 : memref<128x128xf32, #tpu.memory_space<vmem>>) offsets(%dma_start3A_48 : memref<128xi32, #tpu.memory_space<vmem>>) semaphore(%arg12 : memref<!tpu.dma_semaphore, #tpu.memory_space<semaphore_mem>>)
    %scan3A_52 = arith.constant 0 : i32
    %scan3A_53 = arith.constant 0 : i32
    %scan3A_54 = arith.constant 20 : i32
    %scan3A_55 = arith.addi %scan3A_53, %scan3A_54 : i32
    %scan3A_56 = arith.constant 1 : i32
    scf.for %scan3A_59 = %scan3A_53 to %scan3A_55 step %scan3A_56  : i32 {
      %mul3A_60 = arith.constant 2 : i32
      %mul3A_61 = arith.muli %mul3A_60, %scan3A_59 : i32
      %dma_wait3A = arith.constant 0 : i32
      %dma_wait3A_62 = tpu.memref_slice %arg6[%mul3A_61, %dma_wait3A] : memref<40x128xi32, #tpu.memory_space<vmem>> -> memref<1x128xi32, #tpu.memory_space<vmem>>
      %dma_wait3A_63 = tpu.memref_squeeze %dma_wait3A_62 : memref<1x128xi32, #tpu.memory_space<vmem>> -> memref<128xi32, #tpu.memory_space<vmem>>
      %dma_wait3A_64 = arith.constant 0 : i32
      %dma_wait3A_65 = arith.constant 0 : i32
      %dma_wait3A_66 = tpu.memref_slice %arg4[%dma_wait3A_64, %dma_wait3A_65] : memref<10000x128xf32, #tpu.memory_space<hbm>> -> memref<10000x128xf32, #tpu.memory_space<hbm>>
      tpu.wait_indirect_dma semaphore(%arg11 : memref<!tpu.dma_semaphore, #tpu.memory_space<semaphore_mem>>) src(%dma_wait3A_66 : memref<10000x128xf32, #tpu.memory_space<hbm>>) dst(%arg8 : memref<128x128xf32, #tpu.memory_space<vmem>>)
      "tpu.region"() ({
        %run_scoped3A = tpu.sem_alloc : memref<!tpu.dma_semaphore, #tpu.memory_space<semaphore_mem>>
        %dma_start3A_88 = arith.constant 0 : i32
        %dma_start3A_89 = tpu.memref_slice %arg7[%mul3A_61, %dma_start3A_88] : memref<40x128xi32, #tpu.memory_space<vmem>> -> memref<1x128xi32, #tpu.memory_space<vmem>>
        %dma_start3A_90 = tpu.memref_squeeze %dma_start3A_89 : memref<1x128xi32, #tpu.memory_space<vmem>> -> memref<128xi32, #tpu.memory_space<vmem>>
        %dma_start3A_91 = arith.constant 0 : i32
        %dma_start3A_92 = arith.constant 0 : i32
        %dma_start3A_93 = tpu.memref_slice %arg10[%dma_start3A_91, %dma_start3A_92] : memref<10112x128xf32, #tpu.memory_space<vmem_shared>> -> memref<10112x128xf32, #tpu.memory_space<vmem_shared>>
        tpu.enqueue_indirect_dma source(%arg8 : memref<128x128xf32, #tpu.memory_space<vmem>>) target(%dma_start3A_93 : memref<10112x128xf32, #tpu.memory_space<vmem_shared>>) offsets(%dma_start3A_90 : memref<128xi32, #tpu.memory_space<vmem>>) semaphore(%run_scoped3A : memref<!tpu.dma_semaphore, #tpu.memory_space<semaphore_mem>>) {add = true}
        %dma_wait3A_94 = arith.constant 0 : i32
        %dma_wait3A_95 = tpu.memref_slice %arg7[%mul3A_61, %dma_wait3A_94] : memref<40x128xi32, #tpu.memory_space<vmem>> -> memref<1x128xi32, #tpu.memory_space<vmem>>
        %dma_wait3A_96 = tpu.memref_squeeze %dma_wait3A_95 : memref<1x128xi32, #tpu.memory_space<vmem>> -> memref<128xi32, #tpu.memory_space<vmem>>
        %dma_wait3A_97 = arith.constant 0 : i32
        %dma_wait3A_98 = arith.constant 0 : i32
        %dma_wait3A_99 = tpu.memref_slice %arg10[%dma_wait3A_97, %dma_wait3A_98] : memref<10112x128xf32, #tpu.memory_space<vmem_shared>> -> memref<10112x128xf32, #tpu.memory_space<vmem_shared>>
        tpu.wait_indirect_dma semaphore(%run_scoped3A : memref<!tpu.dma_semaphore, #tpu.memory_space<semaphore_mem>>) src(%arg8 : memref<128x128xf32, #tpu.memory_space<vmem>>) dst(%dma_wait3A_99 : memref<10112x128xf32, #tpu.memory_space<vmem_shared>>)
        tpu.yield
      }) : () -> ()
      %add3A_67 = arith.constant 2 : i32
      %add3A_68 = arith.addi %mul3A_61, %add3A_67 : i32
      %lt3A = arith.constant 40 : i32
      %lt3A_69 = arith.cmpi slt, %add3A_68, %lt3A : i32
      %convert_element_type3A = arith.extui %lt3A_69 : i1 to i32
      %cond3A = arith.constant 0 : i32
      %cond3A_70 = arith.cmpi ne, %convert_element_type3A, %cond3A : i32
      scf.if %cond3A_70 {
        %add3A_88 = arith.constant 2 : i32
        %add3A_89 = arith.addi %mul3A_61, %add3A_88 : i32
        %dma_start3A_90 = arith.constant 0 : i32
        %dma_start3A_91 = tpu.memref_slice %arg6[%add3A_89, %dma_start3A_90] : memref<40x128xi32, #tpu.memory_space<vmem>> -> memref<1x128xi32, #tpu.memory_space<vmem>>
        %dma_start3A_92 = tpu.memref_squeeze %dma_start3A_91 : memref<1x128xi32, #tpu.memory_space<vmem>> -> memref<128xi32, #tpu.memory_space<vmem>>
        %dma_start3A_93 = arith.constant 0 : i32
        %dma_start3A_94 = arith.constant 0 : i32
        %dma_start3A_95 = tpu.memref_slice %arg4[%dma_start3A_93, %dma_start3A_94] : memref<10000x128xf32, #tpu.memory_space<hbm>> -> memref<10000x128xf32, #tpu.memory_space<hbm>>
        tpu.enqueue_indirect_dma source(%dma_start3A_95 : memref<10000x128xf32, #tpu.memory_space<hbm>>) target(%arg8 : memref<128x128xf32, #tpu.memory_space<vmem>>) offsets(%dma_start3A_92 : memref<128xi32, #tpu.memory_space<vmem>>) semaphore(%arg11 : memref<!tpu.dma_semaphore, #tpu.memory_space<semaphore_mem>>)
      } else {
      }
      %add3A_71 = arith.constant 1 : i32
      %add3A_72 = arith.addi %mul3A_61, %add3A_71 : i32
      %dma_wait3A_73 = arith.constant 0 : i32
      %dma_wait3A_74 = tpu.memref_slice %arg6[%add3A_72, %dma_wait3A_73] : memref<40x128xi32, #tpu.memory_space<vmem>> -> memref<1x128xi32, #tpu.memory_space<vmem>>
      %dma_wait3A_75 = tpu.memref_squeeze %dma_wait3A_74 : memref<1x128xi32, #tpu.memory_space<vmem>> -> memref<128xi32, #tpu.memory_space<vmem>>
      %dma_wait3A_76 = arith.constant 0 : i32
      %dma_wait3A_77 = arith.constant 0 : i32
      %dma_wait3A_78 = tpu.memref_slice %arg4[%dma_wait3A_76, %dma_wait3A_77] : memref<10000x128xf32, #tpu.memory_space<hbm>> -> memref<10000x128xf32, #tpu.memory_space<hbm>>
      tpu.wait_indirect_dma semaphore(%arg12 : memref<!tpu.dma_semaphore, #tpu.memory_space<semaphore_mem>>) src(%dma_wait3A_78 : memref<10000x128xf32, #tpu.memory_space<hbm>>) dst(%arg9 : memref<128x128xf32, #tpu.memory_space<vmem>>)
      %add3A_79 = arith.constant 1 : i32
      %add3A_80 = arith.addi %mul3A_61, %add3A_79 : i32
      "tpu.region"() ({
        %run_scoped3A = tpu.sem_alloc : memref<!tpu.dma_semaphore, #tpu.memory_space<semaphore_mem>>
        %dma_start3A_88 = arith.constant 0 : i32
        %dma_start3A_89 = tpu.memref_slice %arg7[%add3A_80, %dma_start3A_88] : memref<40x128xi32, #tpu.memory_space<vmem>> -> memref<1x128xi32, #tpu.memory_space<vmem>>
        %dma_start3A_90 = tpu.memref_squeeze %dma_start3A_89 : memref<1x128xi32, #tpu.memory_space<vmem>> -> memref<128xi32, #tpu.memory_space<vmem>>
        %dma_start3A_91 = arith.constant 0 : i32
        %dma_start3A_92 = arith.constant 0 : i32
        %dma_start3A_93 = tpu.memref_slice %arg10[%dma_start3A_91, %dma_start3A_92] : memref<10112x128xf32, #tpu.memory_space<vmem_shared>> -> memref<10112x128xf32, #tpu.memory_space<vmem_shared>>
        tpu.enqueue_indirect_dma source(%arg9 : memref<128x128xf32, #tpu.memory_space<vmem>>) target(%dma_start3A_93 : memref<10112x128xf32, #tpu.memory_space<vmem_shared>>) offsets(%dma_start3A_90 : memref<128xi32, #tpu.memory_space<vmem>>) semaphore(%run_scoped3A : memref<!tpu.dma_semaphore, #tpu.memory_space<semaphore_mem>>) {add = true}
        %dma_wait3A_94 = arith.constant 0 : i32
        %dma_wait3A_95 = tpu.memref_slice %arg7[%add3A_80, %dma_wait3A_94] : memref<40x128xi32, #tpu.memory_space<vmem>> -> memref<1x128xi32, #tpu.memory_space<vmem>>
        %dma_wait3A_96 = tpu.memref_squeeze %dma_wait3A_95 : memref<1x128xi32, #tpu.memory_space<vmem>> -> memref<128xi32, #tpu.memory_space<vmem>>
        %dma_wait3A_97 = arith.constant 0 : i32
        %dma_wait3A_98 = arith.constant 0 : i32
        %dma_wait3A_99 = tpu.memref_slice %arg10[%dma_wait3A_97, %dma_wait3A_98] : memref<10112x128xf32, #tpu.memory_space<vmem_shared>> -> memref<10112x128xf32, #tpu.memory_space<vmem_shared>>
        tpu.wait_indirect_dma semaphore(%run_scoped3A : memref<!tpu.dma_semaphore, #tpu.memory_space<semaphore_mem>>) src(%arg9 : memref<128x128xf32, #tpu.memory_space<vmem>>) dst(%dma_wait3A_99 : memref<10112x128xf32, #tpu.memory_space<vmem_shared>>)
        tpu.yield
      }) : () -> ()
      %add3A_81 = arith.constant 3 : i32
      %add3A_82 = arith.addi %mul3A_61, %add3A_81 : i32
      %lt3A_83 = arith.constant 40 : i32
      %lt3A_84 = arith.cmpi slt, %add3A_82, %lt3A_83 : i32
      %convert_element_type3A_85 = arith.extui %lt3A_84 : i1 to i32
      %cond3A_86 = arith.constant 0 : i32
      %cond3A_87 = arith.cmpi ne, %convert_element_type3A_85, %cond3A_86 : i32
      scf.if %cond3A_87 {
        %add3A_88 = arith.constant 3 : i32
        %add3A_89 = arith.addi %mul3A_61, %add3A_88 : i32
        %dma_start3A_90 = arith.constant 0 : i32
        %dma_start3A_91 = tpu.memref_slice %arg6[%add3A_89, %dma_start3A_90] : memref<40x128xi32, #tpu.memory_space<vmem>> -> memref<1x128xi32, #tpu.memory_space<vmem>>
        %dma_start3A_92 = tpu.memref_squeeze %dma_start3A_91 : memref<1x128xi32, #tpu.memory_space<vmem>> -> memref<128xi32, #tpu.memory_space<vmem>>
        %dma_start3A_93 = arith.constant 0 : i32
        %dma_start3A_94 = arith.constant 0 : i32
        %dma_start3A_95 = tpu.memref_slice %arg4[%dma_start3A_93, %dma_start3A_94] : memref<10000x128xf32, #tpu.memory_space<hbm>> -> memref<10000x128xf32, #tpu.memory_space<hbm>>
        tpu.enqueue_indirect_dma source(%dma_start3A_95 : memref<10000x128xf32, #tpu.memory_space<hbm>>) target(%arg9 : memref<128x128xf32, #tpu.memory_space<vmem>>) offsets(%dma_start3A_92 : memref<128xi32, #tpu.memory_space<vmem>>) semaphore(%arg12 : memref<!tpu.dma_semaphore, #tpu.memory_space<semaphore_mem>>)
      } else {
      }
    }
    %scan3A_57 = arith.constant 20 : i32
    %barrier3A_58 = arith.constant 0 : index
    tpu.barrier barrier_id(%barrier3A_58)
    "tpu.region"() ({
      %run_scoped3A = tpu.sem_alloc : memref<!tpu.dma_semaphore, #tpu.memory_space<semaphore_mem>>
      %dma_start3A_59 = arith.constant 0 : i32
      %dma_start3A_60 = arith.constant 0 : i32
      %dma_start3A_61 = tpu.memref_slice %arg5[%arg0, %dma_start3A_59, %dma_start3A_60] : memref<2x10112x128xf32, #tpu.memory_space<hbm>> -> memref<1x10112x128xf32, #tpu.memory_space<hbm>>
      %dma_start3A_62 = tpu.memref_squeeze %dma_start3A_61 : memref<1x10112x128xf32, #tpu.memory_space<hbm>> -> memref<10112x128xf32, #tpu.memory_space<hbm>>
      %dma_start3A_63 = arith.constant 0 : i32
      %dma_start3A_64 = tpu.memref_slice %dma_start3A_62[%mul3A_2, %dma_start3A_63] : memref<10112x128xf32, #tpu.memory_space<hbm>> -> memref<632x128xf32, #tpu.memory_space<hbm>>
      %dma_start3A_65 = arith.constant 0 : i32
      %dma_start3A_66 = tpu.memref_slice %arg10[%mul3A_2, %dma_start3A_65] : memref<10112x128xf32, #tpu.memory_space<vmem_shared>> -> memref<632x128xf32, #tpu.memory_space<vmem_shared>>
      tpu.enqueue_dma source(%dma_start3A_66 : memref<632x128xf32, #tpu.memory_space<vmem_shared>>) target(%dma_start3A_64 : memref<632x128xf32, #tpu.memory_space<hbm>>) target_semaphore(%run_scoped3A : memref<!tpu.dma_semaphore, #tpu.memory_space<semaphore_mem>>)
      %dma_wait3A = arith.constant 0 : i32
      %dma_wait3A_67 = arith.constant 0 : i32
      %dma_wait3A_68 = tpu.memref_slice %arg5[%arg0, %dma_wait3A, %dma_wait3A_67] : memref<2x10112x128xf32, #tpu.memory_space<hbm>> -> memref<1x10112x128xf32, #tpu.memory_space<hbm>>
      %dma_wait3A_69 = tpu.memref_squeeze %dma_wait3A_68 : memref<1x10112x128xf32, #tpu.memory_space<hbm>> -> memref<10112x128xf32, #tpu.memory_space<hbm>>
      %dma_wait3A_70 = arith.constant 0 : i32
      %dma_wait3A_71 = tpu.memref_slice %dma_wait3A_69[%mul3A_2, %dma_wait3A_70] : memref<10112x128xf32, #tpu.memory_space<hbm>> -> memref<632x128xf32, #tpu.memory_space<hbm>>
      %dma_wait3A_72 = arith.constant 0 : i32
      %dma_wait3A_73 = tpu.memref_slice %arg10[%mul3A_2, %dma_wait3A_72] : memref<10112x128xf32, #tpu.memory_space<vmem_shared>> -> memref<632x128xf32, #tpu.memory_space<vmem_shared>>
      tpu.wait_dma2 semaphore(%run_scoped3A : memref<!tpu.dma_semaphore, #tpu.memory_space<semaphore_mem>>) src(%dma_wait3A_73 : memref<632x128xf32, #tpu.memory_space<vmem_shared>>) dst(%dma_wait3A_71 : memref<632x128xf32, #tpu.memory_space<hbm>>)
      tpu.yield
    }) : () -> ()
    return
  }
}

#map = affine_map<(d0, d1) -> (0, 0, 0)>
#map1 = affine_map<(d0, d1) -> (0, 0)>
module attributes {stable_mosaic.version = 14 : i64} {
  func.func @_sc_scatter(%arg0: i32, %arg1: i32, %arg2: memref<32x80x128xi32, #tpu.memory_space<hbm>>, %arg3: memref<32x80x128xi32, #tpu.memory_space<hbm>>, %arg4: memref<10000x128xf32, #tpu.memory_space<hbm>>, %arg5: memref<2x10112x128xf32, #tpu.memory_space<hbm>>, %arg6: memref<40x128xi32, #tpu.memory_space<vmem>>, %arg7: memref<40x128xi32, #tpu.memory_space<vmem>>, %arg8: memref<128x128xf32, #tpu.memory_space<vmem>>, %arg9: memref<128x128xf32, #tpu.memory_space<vmem>>, %arg10: memref<10112x128xf32, #tpu.memory_space<vmem_shared>>, %arg11: memref<!tpu.dma_semaphore, #tpu.memory_space<semaphore_mem>>, %arg12: memref<!tpu.dma_semaphore, #tpu.memory_space<semaphore_mem>>, %arg13: memref<!tpu.dma_semaphore, #tpu.memory_space<semaphore_mem>>, %arg14: memref<!tpu.dma_semaphore, #tpu.memory_space<semaphore_mem>>) attributes {dimension_semantics = [#tpu.dimension_semantics<core_parallel>, #tpu.dimension_semantics<subcore_parallel>], iteration_bounds = array<i64: 2, 16>, scalar_prefetch = 0 : i64, scratch_operands = 9 : i64, tpu.core_type = #tpu.core_type<sc_vector_subcore>, window_params = [{transform_indices = #map}, {transform_indices = #map}, {transform_indices = #map1}, {transform_indices = #map}]} {
    %mul3A = arith.constant 16 : i32
    %mul3A_0 = arith.muli %arg0, %mul3A : i32
    %add3A = arith.addi %mul3A_0, %arg1 : i32
    %mul3A_1 = arith.constant 632 : i32
    %mul3A_2 = arith.muli %arg1, %mul3A_1 : i32
    %broadcast_in_dim3A = arith.constant 0.000000e+00 : f32
    %broadcast_in_dim3A_3 = vector.broadcast %broadcast_in_dim3A : f32 to vector<16xf32>
    %scan3A = arith.constant 0 : i32
    %scan3A_4 = arith.constant 0 : i32
    %scan3A_5 = arith.constant 1024 : i32
    %scan3A_6 = arith.addi %scan3A_4, %scan3A_5 : i32
    %scan3A_7 = arith.constant 1 : i32
    scf.for %scan3A_59 = %scan3A_4 to %scan3A_6 step %scan3A_7  : i32 {
      %shift_right_logical3A = arith.constant 3 : i32
      %shift_right_logical3A_60 = arith.shrui %scan3A_59, %shift_right_logical3A : i32
      %and3A = arith.constant 7 : i32
      %and3A_61 = arith.andi %scan3A_59, %and3A : i32
      %mul3A_62 = arith.constant 16 : i32
      %mul3A_63 = arith.muli %and3A_61, %mul3A_62 : i32
      %swap3A = arith.index_cast %shift_right_logical3A_60 : i32 to index
      %swap3A_64 = arith.index_cast %mul3A_63 : i32 to index
      %swap3A_65 = tpu.vector_load %arg9[%swap3A, %swap3A_64] {strides = array<i32>} : memref<128x128xf32, #tpu.memory_space<vmem>>, vector<1x16xf32>,
      %swap3A_66 = vector.shape_cast %swap3A_65 : vector<1x16xf32> to vector<16xf32>
      %swap3A_67 = vector.shape_cast %broadcast_in_dim3A_3 : vector<16xf32> to vector<1x16xf32>
      tpu.vector_store %arg9[%swap3A, %swap3A_64], %swap3A_67 {strides = array<i32>} : memref<128x128xf32, #tpu.memory_space<vmem>>, vector<1x16xf32>,
    }
    %scan3A_8 = arith.constant 1024 : i32
    "tpu.region"() ({
      %run_scoped3A = tpu.sem_alloc : memref<!tpu.dma_semaphore, #tpu.memory_space<semaphore_mem>>
      %dma_start3A_59 = arith.constant 0 : i32
      %dma_start3A_60 = arith.constant 0 : i32
      %dma_start3A_61 = tpu.memref_slice %arg2[%add3A, %dma_start3A_59, %dma_start3A_60] : memref<32x80x128xi32, #tpu.memory_space<hbm>> -> memref<1x80x128xi32, #tpu.memory_space<hbm>>
      %dma_start3A_62 = tpu.memref_squeeze %dma_start3A_61 : memref<1x80x128xi32, #tpu.memory_space<hbm>> -> memref<80x128xi32, #tpu.memory_space<hbm>>
      %dma_start3A_63 = arith.constant 0 : i32
      %dma_start3A_64 = arith.constant 0 : i32
      %dma_start3A_65 = tpu.memref_slice %dma_start3A_62[%dma_start3A_63, %dma_start3A_64] : memref<80x128xi32, #tpu.memory_space<hbm>> -> memref<40x128xi32, #tpu.memory_space<hbm>>
      %dma_start3A_66 = arith.constant 0 : i32
      %dma_start3A_67 = arith.constant 0 : i32
      %dma_start3A_68 = tpu.memref_slice %arg2[%add3A, %dma_start3A_66, %dma_start3A_67] : memref<32x80x128xi32, #tpu.memory_space<hbm>> -> memref<1x80x128xi32, #tpu.memory_space<hbm>>
      %dma_start3A_69 = tpu.memref_squeeze %dma_start3A_68 : memref<1x80x128xi32, #tpu.memory_space<hbm>> -> memref<80x128xi32, #tpu.memory_space<hbm>>
      %dma_start3A_70 = arith.constant 0 : i32
      %dma_start3A_71 = arith.constant 0 : i32
      %dma_start3A_72 = tpu.memref_slice %dma_start3A_69[%dma_start3A_70, %dma_start3A_71] : memref<80x128xi32, #tpu.memory_space<hbm>> -> memref<40x128xi32, #tpu.memory_space<hbm>>
      tpu.enqueue_dma source(%dma_start3A_72 : memref<40x128xi32, #tpu.memory_space<hbm>>) target(%arg6 : memref<40x128xi32, #tpu.memory_space<vmem>>) target_semaphore(%run_scoped3A : memref<!tpu.dma_semaphore, #tpu.memory_space<semaphore_mem>>)
      %dma_wait3A = arith.constant 0 : i32
      %dma_wait3A_73 = arith.constant 0 : i32
      %dma_wait3A_74 = tpu.memref_slice %arg2[%add3A, %dma_wait3A, %dma_wait3A_73] : memref<32x80x128xi32, #tpu.memory_space<hbm>> -> memref<1x80x128xi32, #tpu.memory_space<hbm>>
      %dma_wait3A_75 = tpu.memref_squeeze %dma_wait3A_74 : memref<1x80x128xi32, #tpu.memory_space<hbm>> -> memref<80x128xi32, #tpu.memory_space<hbm>>
      %dma_wait3A_76 = arith.constant 0 : i32
      %dma_wait3A_77 = arith.constant 0 : i32
      %dma_wait3A_78 = tpu.memref_slice %dma_wait3A_75[%dma_wait3A_76, %dma_wait3A_77] : memref<80x128xi32, #tpu.memory_space<hbm>> -> memref<40x128xi32, #tpu.memory_space<hbm>>
      %dma_wait3A_79 = arith.constant 0 : i32
      %dma_wait3A_80 = arith.constant 0 : i32
      %dma_wait3A_81 = tpu.memref_slice %arg2[%add3A, %dma_wait3A_79, %dma_wait3A_80] : memref<32x80x128xi32, #tpu.memory_space<hbm>> -> memref<1x80x128xi32, #tpu.memory_space<hbm>>
      %dma_wait3A_82 = tpu.memref_squeeze %dma_wait3A_81 : memref<1x80x128xi32, #tpu.memory_space<hbm>> -> memref<80x128xi32, #tpu.memory_space<hbm>>
      %dma_wait3A_83 = arith.constant 0 : i32
      %dma_wait3A_84 = arith.constant 0 : i32
      %dma_wait3A_85 = tpu.memref_slice %dma_wait3A_82[%dma_wait3A_83, %dma_wait3A_84] : memref<80x128xi32, #tpu.memory_space<hbm>> -> memref<40x128xi32, #tpu.memory_space<hbm>>
      tpu.wait_dma2 semaphore(%run_scoped3A : memref<!tpu.dma_semaphore, #tpu.memory_space<semaphore_mem>>) src(%dma_wait3A_85 : memref<40x128xi32, #tpu.memory_space<hbm>>) dst(%arg6 : memref<40x128xi32, #tpu.memory_space<vmem>>)
      tpu.yield
    }) : () -> ()
    "tpu.region"() ({
      %run_scoped3A = tpu.sem_alloc : memref<!tpu.dma_semaphore, #tpu.memory_space<semaphore_mem>>
      %dma_start3A_59 = arith.constant 0 : i32
      %dma_start3A_60 = arith.constant 0 : i32
      %dma_start3A_61 = tpu.memref_slice %arg3[%add3A, %dma_start3A_59, %dma_start3A_60] : memref<32x80x128xi32, #tpu.memory_space<hbm>> -> memref<1x80x128xi32, #tpu.memory_space<hbm>>
      %dma_start3A_62 = tpu.memref_squeeze %dma_start3A_61 : memref<1x80x128xi32, #tpu.memory_space<hbm>> -> memref<80x128xi32, #tpu.memory_space<hbm>>
      %dma_start3A_63 = arith.constant 0 : i32
      %dma_start3A_64 = arith.constant 0 : i32
      %dma_start3A_65 = tpu.memref_slice %dma_start3A_62[%dma_start3A_63, %dma_start3A_64] : memref<80x128xi32, #tpu.memory_space<hbm>> -> memref<40x128xi32, #tpu.memory_space<hbm>>
      %dma_start3A_66 = arith.constant 0 : i32
      %dma_start3A_67 = arith.constant 0 : i32
      %dma_start3A_68 = tpu.memref_slice %arg3[%add3A, %dma_start3A_66, %dma_start3A_67] : memref<32x80x128xi32, #tpu.memory_space<hbm>> -> memref<1x80x128xi32, #tpu.memory_space<hbm>>
      %dma_start3A_69 = tpu.memref_squeeze %dma_start3A_68 : memref<1x80x128xi32, #tpu.memory_space<hbm>> -> memref<80x128xi32, #tpu.memory_space<hbm>>
      %dma_start3A_70 = arith.constant 0 : i32
      %dma_start3A_71 = arith.constant 0 : i32
      %dma_start3A_72 = tpu.memref_slice %dma_start3A_69[%dma_start3A_70, %dma_start3A_71] : memref<80x128xi32, #tpu.memory_space<hbm>> -> memref<40x128xi32, #tpu.memory_space<hbm>>
      tpu.enqueue_dma source(%dma_start3A_72 : memref<40x128xi32, #tpu.memory_space<hbm>>) target(%arg7 : memref<40x128xi32, #tpu.memory_space<vmem>>) target_semaphore(%run_scoped3A : memref<!tpu.dma_semaphore, #tpu.memory_space<semaphore_mem>>)
      %dma_wait3A = arith.constant 0 : i32
      %dma_wait3A_73 = arith.constant 0 : i32
      %dma_wait3A_74 = tpu.memref_slice %arg3[%add3A, %dma_wait3A, %dma_wait3A_73] : memref<32x80x128xi32, #tpu.memory_space<hbm>> -> memref<1x80x128xi32, #tpu.memory_space<hbm>>
      %dma_wait3A_75 = tpu.memref_squeeze %dma_wait3A_74 : memref<1x80x128xi32, #tpu.memory_space<hbm>> -> memref<80x128xi32, #tpu.memory_space<hbm>>
      %dma_wait3A_76 = arith.constant 0 : i32
      %dma_wait3A_77 = arith.constant 0 : i32
      %dma_wait3A_78 = tpu.memref_slice %dma_wait3A_75[%dma_wait3A_76, %dma_wait3A_77] : memref<80x128xi32, #tpu.memory_space<hbm>> -> memref<40x128xi32, #tpu.memory_space<hbm>>
      %dma_wait3A_79 = arith.constant 0 : i32
      %dma_wait3A_80 = arith.constant 0 : i32
      %dma_wait3A_81 = tpu.memref_slice %arg3[%add3A, %dma_wait3A_79, %dma_wait3A_80] : memref<32x80x128xi32, #tpu.memory_space<hbm>> -> memref<1x80x128xi32, #tpu.memory_space<hbm>>
      %dma_wait3A_82 = tpu.memref_squeeze %dma_wait3A_81 : memref<1x80x128xi32, #tpu.memory_space<hbm>> -> memref<80x128xi32, #tpu.memory_space<hbm>>
      %dma_wait3A_83 = arith.constant 0 : i32
      %dma_wait3A_84 = arith.constant 0 : i32
      %dma_wait3A_85 = tpu.memref_slice %dma_wait3A_82[%dma_wait3A_83, %dma_wait3A_84] : memref<80x128xi32, #tpu.memory_space<hbm>> -> memref<40x128xi32, #tpu.memory_space<hbm>>
      tpu.wait_dma2 semaphore(%run_scoped3A : memref<!tpu.dma_semaphore, #tpu.memory_space<semaphore_mem>>) src(%dma_wait3A_85 : memref<40x128xi32, #tpu.memory_space<hbm>>) dst(%arg7 : memref<40x128xi32, #tpu.memory_space<vmem>>)
      tpu.yield
    }) : () -> ()
    %dma_start3A = arith.constant 0 : i32
    %dma_start3A_9 = arith.constant 0 : i32
    %dma_start3A_10 = tpu.memref_slice %arg6[%dma_start3A, %dma_start3A_9] : memref<40x128xi32, #tpu.memory_space<vmem>> -> memref<1x128xi32, #tpu.memory_space<vmem>>
    %dma_start3A_11 = tpu.memref_squeeze %dma_start3A_10 : memref<1x128xi32, #tpu.memory_space<vmem>> -> memref<128xi32, #tpu.memory_space<vmem>>
    %dma_start3A_12 = arith.constant 0 : i32
    %dma_start3A_13 = arith.constant 0 : i32
    %dma_start3A_14 = tpu.memref_slice %arg4[%dma_start3A_12, %dma_start3A_13] : memref<10000x128xf32, #tpu.memory_space<hbm>> -> memref<10000x128xf32, #tpu.memory_space<hbm>>
    tpu.enqueue_indirect_dma source(%dma_start3A_14 : memref<10000x128xf32, #tpu.memory_space<hbm>>) target(%arg8 : memref<128x128xf32, #tpu.memory_space<vmem>>) offsets(%dma_start3A_11 : memref<128xi32, #tpu.memory_space<vmem>>) semaphore(%arg11 : memref<!tpu.dma_semaphore, #tpu.memory_space<semaphore_mem>>)
    %add3A_15 = arith.constant 0 : i32
    %add3A_16 = arith.addi %mul3A_2, %add3A_15 : i32
    "tpu.region"() ({
      %run_scoped3A = tpu.sem_alloc : memref<!tpu.dma_semaphore, #tpu.memory_space<semaphore_mem>>
      %dma_start3A_59 = arith.constant 0 : i32
      %dma_start3A_60 = tpu.memref_slice %arg10[%add3A_16, %dma_start3A_59] : memref<10112x128xf32, #tpu.memory_space<vmem_shared>> -> memref<128x128xf32, #tpu.memory_space<vmem_shared>>
      %dma_start3A_61 = arith.constant 0 : i32
      %dma_start3A_62 = tpu.memref_slice %arg10[%add3A_16, %dma_start3A_61] : memref<10112x128xf32, #tpu.memory_space<vmem_shared>> -> memref<128x128xf32, #tpu.memory_space<vmem_shared>>
      tpu.enqueue_dma source(%arg9 : memref<128x128xf32, #tpu.memory_space<vmem>>) target(%dma_start3A_62 : memref<128x128xf32, #tpu.memory_space<vmem_shared>>) target_semaphore(%run_scoped3A : memref<!tpu.dma_semaphore, #tpu.memory_space<semaphore_mem>>)
      %dma_wait3A = arith.constant 0 : i32
      %dma_wait3A_63 = tpu.memref_slice %arg10[%add3A_16, %dma_wait3A] : memref<10112x128xf32, #tpu.memory_space<vmem_shared>> -> memref<128x128xf32, #tpu.memory_space<vmem_shared>>
      %dma_wait3A_64 = arith.constant 0 : i32
      %dma_wait3A_65 = tpu.memref_slice %arg10[%add3A_16, %dma_wait3A_64] : memref<10112x128xf32, #tpu.memory_space<vmem_shared>> -> memref<128x128xf32, #tpu.memory_space<vmem_shared>>
      tpu.wait_dma2 semaphore(%run_scoped3A : memref<!tpu.dma_semaphore, #tpu.memory_space<semaphore_mem>>) src(%arg9 : memref<128x128xf32, #tpu.memory_space<vmem>>) dst(%dma_wait3A_65 : memref<128x128xf32, #tpu.memory_space<vmem_shared>>)
      tpu.yield
    }) : () -> ()
    %add3A_17 = arith.constant 128 : i32
    %add3A_18 = arith.addi %mul3A_2, %add3A_17 : i32
    "tpu.region"() ({
      %run_scoped3A = tpu.sem_alloc : memref<!tpu.dma_semaphore, #tpu.memory_space<semaphore_mem>>
      %dma_start3A_59 = arith.constant 0 : i32
      %dma_start3A_60 = tpu.memref_slice %arg10[%add3A_18, %dma_start3A_59] : memref<10112x128xf32, #tpu.memory_space<vmem_shared>> -> memref<128x128xf32, #tpu.memory_space<vmem_shared>>
      %dma_start3A_61 = arith.constant 0 : i32
      %dma_start3A_62 = tpu.memref_slice %arg10[%add3A_18, %dma_start3A_61] : memref<10112x128xf32, #tpu.memory_space<vmem_shared>> -> memref<128x128xf32, #tpu.memory_space<vmem_shared>>
      tpu.enqueue_dma source(%arg9 : memref<128x128xf32, #tpu.memory_space<vmem>>) target(%dma_start3A_62 : memref<128x128xf32, #tpu.memory_space<vmem_shared>>) target_semaphore(%run_scoped3A : memref<!tpu.dma_semaphore, #tpu.memory_space<semaphore_mem>>)
      %dma_wait3A = arith.constant 0 : i32
      %dma_wait3A_63 = tpu.memref_slice %arg10[%add3A_18, %dma_wait3A] : memref<10112x128xf32, #tpu.memory_space<vmem_shared>> -> memref<128x128xf32, #tpu.memory_space<vmem_shared>>
      %dma_wait3A_64 = arith.constant 0 : i32
      %dma_wait3A_65 = tpu.memref_slice %arg10[%add3A_18, %dma_wait3A_64] : memref<10112x128xf32, #tpu.memory_space<vmem_shared>> -> memref<128x128xf32, #tpu.memory_space<vmem_shared>>
      tpu.wait_dma2 semaphore(%run_scoped3A : memref<!tpu.dma_semaphore, #tpu.memory_space<semaphore_mem>>) src(%arg9 : memref<128x128xf32, #tpu.memory_space<vmem>>) dst(%dma_wait3A_65 : memref<128x128xf32, #tpu.memory_space<vmem_shared>>)
      tpu.yield
    }) : () -> ()
    %add3A_19 = arith.constant 256 : i32
    %add3A_20 = arith.addi %mul3A_2, %add3A_19 : i32
    "tpu.region"() ({
      %run_scoped3A = tpu.sem_alloc : memref<!tpu.dma_semaphore, #tpu.memory_space<semaphore_mem>>
      %dma_start3A_59 = arith.constant 0 : i32
      %dma_start3A_60 = tpu.memref_slice %arg10[%add3A_20, %dma_start3A_59] : memref<10112x128xf32, #tpu.memory_space<vmem_shared>> -> memref<128x128xf32, #tpu.memory_space<vmem_shared>>
      %dma_start3A_61 = arith.constant 0 : i32
      %dma_start3A_62 = tpu.memref_slice %arg10[%add3A_20, %dma_start3A_61] : memref<10112x128xf32, #tpu.memory_space<vmem_shared>> -> memref<128x128xf32, #tpu.memory_space<vmem_shared>>
      tpu.enqueue_dma source(%arg9 : memref<128x128xf32, #tpu.memory_space<vmem>>) target(%dma_start3A_62 : memref<128x128xf32, #tpu.memory_space<vmem_shared>>) target_semaphore(%run_scoped3A : memref<!tpu.dma_semaphore, #tpu.memory_space<semaphore_mem>>)
      %dma_wait3A = arith.constant 0 : i32
      %dma_wait3A_63 = tpu.memref_slice %arg10[%add3A_20, %dma_wait3A] : memref<10112x128xf32, #tpu.memory_space<vmem_shared>> -> memref<128x128xf32, #tpu.memory_space<vmem_shared>>
      %dma_wait3A_64 = arith.constant 0 : i32
      %dma_wait3A_65 = tpu.memref_slice %arg10[%add3A_20, %dma_wait3A_64] : memref<10112x128xf32, #tpu.memory_space<vmem_shared>> -> memref<128x128xf32, #tpu.memory_space<vmem_shared>>
      tpu.wait_dma2 semaphore(%run_scoped3A : memref<!tpu.dma_semaphore, #tpu.memory_space<semaphore_mem>>) src(%arg9 : memref<128x128xf32, #tpu.memory_space<vmem>>) dst(%dma_wait3A_65 : memref<128x128xf32, #tpu.memory_space<vmem_shared>>)
      tpu.yield
    }) : () -> ()
    %add3A_21 = arith.constant 384 : i32
    %add3A_22 = arith.addi %mul3A_2, %add3A_21 : i32
    "tpu.region"() ({
      %run_scoped3A = tpu.sem_alloc : memref<!tpu.dma_semaphore, #tpu.memory_space<semaphore_mem>>
      %dma_start3A_59 = arith.constant 0 : i32
      %dma_start3A_60 = tpu.memref_slice %arg10[%add3A_22, %dma_start3A_59] : memref<10112x128xf32, #tpu.memory_space<vmem_shared>> -> memref<128x128xf32, #tpu.memory_space<vmem_shared>>
      %dma_start3A_61 = arith.constant 0 : i32
      %dma_start3A_62 = tpu.memref_slice %arg10[%add3A_22, %dma_start3A_61] : memref<10112x128xf32, #tpu.memory_space<vmem_shared>> -> memref<128x128xf32, #tpu.memory_space<vmem_shared>>
      tpu.enqueue_dma source(%arg9 : memref<128x128xf32, #tpu.memory_space<vmem>>) target(%dma_start3A_62 : memref<128x128xf32, #tpu.memory_space<vmem_shared>>) target_semaphore(%run_scoped3A : memref<!tpu.dma_semaphore, #tpu.memory_space<semaphore_mem>>)
      %dma_wait3A = arith.constant 0 : i32
      %dma_wait3A_63 = tpu.memref_slice %arg10[%add3A_22, %dma_wait3A] : memref<10112x128xf32, #tpu.memory_space<vmem_shared>> -> memref<128x128xf32, #tpu.memory_space<vmem_shared>>
      %dma_wait3A_64 = arith.constant 0 : i32
      %dma_wait3A_65 = tpu.memref_slice %arg10[%add3A_22, %dma_wait3A_64] : memref<10112x128xf32, #tpu.memory_space<vmem_shared>> -> memref<128x128xf32, #tpu.memory_space<vmem_shared>>
      tpu.wait_dma2 semaphore(%run_scoped3A : memref<!tpu.dma_semaphore, #tpu.memory_space<semaphore_mem>>) src(%arg9 : memref<128x128xf32, #tpu.memory_space<vmem>>) dst(%dma_wait3A_65 : memref<128x128xf32, #tpu.memory_space<vmem_shared>>)
      tpu.yield
    }) : () -> ()
    %add3A_23 = arith.constant 512 : i32
    %add3A_24 = arith.addi %mul3A_2, %add3A_23 : i32
    "tpu.region"() ({
      %run_scoped3A = tpu.sem_alloc : memref<!tpu.dma_semaphore, #tpu.memory_space<semaphore_mem>>
      %dma_start3A_59 = arith.constant 0 : i32
      %dma_start3A_60 = arith.constant 0 : i32
      %dma_start3A_61 = tpu.memref_slice %arg9[%dma_start3A_59, %dma_start3A_60] : memref<128x128xf32, #tpu.memory_space<vmem>> -> memref<120x128xf32, #tpu.memory_space<vmem>>
      %dma_start3A_62 = arith.constant 0 : i32
      %dma_start3A_63 = tpu.memref_slice %arg10[%add3A_24, %dma_start3A_62] : memref<10112x128xf32, #tpu.memory_space<vmem_shared>> -> memref<120x128xf32, #tpu.memory_space<vmem_shared>>
      %dma_start3A_64 = arith.constant 0 : i32
      %dma_start3A_65 = tpu.memref_slice %arg10[%add3A_24, %dma_start3A_64] : memref<10112x128xf32, #tpu.memory_space<vmem_shared>> -> memref<120x128xf32, #tpu.memory_space<vmem_shared>>
      %dma_start3A_66 = arith.constant 0 : i32
      %dma_start3A_67 = arith.constant 0 : i32
      %dma_start3A_68 = tpu.memref_slice %arg9[%dma_start3A_66, %dma_start3A_67] : memref<128x128xf32, #tpu.memory_space<vmem>> -> memref<120x128xf32, #tpu.memory_space<vmem>>
      tpu.enqueue_dma source(%dma_start3A_68 : memref<120x128xf32, #tpu.memory_space<vmem>>) target(%dma_start3A_65 : memref<120x128xf32, #tpu.memory_space<vmem_shared>>) target_semaphore(%run_scoped3A : memref<!tpu.dma_semaphore, #tpu.memory_space<semaphore_mem>>)
      %dma_wait3A = arith.constant 0 : i32
      %dma_wait3A_69 = arith.constant 0 : i32
      %dma_wait3A_70 = tpu.memref_slice %arg9[%dma_wait3A, %dma_wait3A_69] : memref<128x128xf32, #tpu.memory_space<vmem>> -> memref<120x128xf32, #tpu.memory_space<vmem>>
      %dma_wait3A_71 = arith.constant 0 : i32
      %dma_wait3A_72 = tpu.memref_slice %arg10[%add3A_24, %dma_wait3A_71] : memref<10112x128xf32, #tpu.memory_space<vmem_shared>> -> memref<120x128xf32, #tpu.memory_space<vmem_shared>>
      %dma_wait3A_73 = arith.constant 0 : i32
      %dma_wait3A_74 = tpu.memref_slice %arg10[%add3A_24, %dma_wait3A_73] : memref<10112x128xf32, #tpu.memory_space<vmem_shared>> -> memref<120x128xf32, #tpu.memory_space<vmem_shared>>
      %dma_wait3A_75 = arith.constant 0 : i32
      %dma_wait3A_76 = arith.constant 0 : i32
      %dma_wait3A_77 = tpu.memref_slice %arg9[%dma_wait3A_75, %dma_wait3A_76] : memref<128x128xf32, #tpu.memory_space<vmem>> -> memref<120x128xf32, #tpu.memory_space<vmem>>
      tpu.wait_dma2 semaphore(%run_scoped3A : memref<!tpu.dma_semaphore, #tpu.memory_space<semaphore_mem>>) src(%dma_wait3A_77 : memref<120x128xf32, #tpu.memory_space<vmem>>) dst(%dma_wait3A_74 : memref<120x128xf32, #tpu.memory_space<vmem_shared>>)
      tpu.yield
    }) : () -> ()
    %dma_start3A_25 = arith.constant 1 : i32
    %dma_start3A_26 = arith.constant 0 : i32
    %dma_start3A_27 = tpu.memref_slice %arg6[%dma_start3A_25, %dma_start3A_26] : memref<40x128xi32, #tpu.memory_space<vmem>> -> memref<1x128xi32, #tpu.memory_space<vmem>>
    %dma_start3A_28 = tpu.memref_squeeze %dma_start3A_27 : memref<1x128xi32, #tpu.memory_space<vmem>> -> memref<128xi32, #tpu.memory_space<vmem>>
    %dma_start3A_29 = arith.constant 0 : i32
    %dma_start3A_30 = arith.constant 0 : i32
    %dma_start3A_31 = tpu.memref_slice %arg4[%dma_start3A_29, %dma_start3A_30] : memref<10000x128xf32, #tpu.memory_space<hbm>> -> memref<10000x128xf32, #tpu.memory_space<hbm>>
    tpu.enqueue_indirect_dma source(%dma_start3A_31 : memref<10000x128xf32, #tpu.memory_space<hbm>>) target(%arg9 : memref<128x128xf32, #tpu.memory_space<vmem>>) offsets(%dma_start3A_28 : memref<128xi32, #tpu.memory_space<vmem>>) semaphore(%arg12 : memref<!tpu.dma_semaphore, #tpu.memory_space<semaphore_mem>>)
    %barrier3A = arith.constant 0 : index
    tpu.barrier barrier_id(%barrier3A)
    %scan3A_32 = arith.constant 0 : i32
    %scan3A_33 = arith.constant 0 : i32
    %scan3A_34 = arith.constant 20 : i32
    %scan3A_35 = arith.addi %scan3A_33, %scan3A_34 : i32
    %scan3A_36 = arith.constant 1 : i32
    scf.for %scan3A_59 = %scan3A_33 to %scan3A_35 step %scan3A_36  : i32 {
      %mul3A_60 = arith.constant 2 : i32
      %mul3A_61 = arith.muli %mul3A_60, %scan3A_59 : i32
      %dma_wait3A = arith.constant 0 : i32
      %dma_wait3A_62 = tpu.memref_slice %arg6[%mul3A_61, %dma_wait3A] : memref<40x128xi32, #tpu.memory_space<vmem>> -> memref<1x128xi32, #tpu.memory_space<vmem>>
      %dma_wait3A_63 = tpu.memref_squeeze %dma_wait3A_62 : memref<1x128xi32, #tpu.memory_space<vmem>> -> memref<128xi32, #tpu.memory_space<vmem>>
      %dma_wait3A_64 = arith.constant 0 : i32
      %dma_wait3A_65 = arith.constant 0 : i32
      %dma_wait3A_66 = tpu.memref_slice %arg4[%dma_wait3A_64, %dma_wait3A_65] : memref<10000x128xf32, #tpu.memory_space<hbm>> -> memref<10000x128xf32, #tpu.memory_space<hbm>>
      tpu.wait_indirect_dma semaphore(%arg11 : memref<!tpu.dma_semaphore, #tpu.memory_space<semaphore_mem>>) src(%dma_wait3A_66 : memref<10000x128xf32, #tpu.memory_space<hbm>>) dst(%arg8 : memref<128x128xf32, #tpu.memory_space<vmem>>)
      "tpu.region"() ({
        %run_scoped3A = tpu.sem_alloc : memref<!tpu.dma_semaphore, #tpu.memory_space<semaphore_mem>>
        %dma_start3A_88 = arith.constant 0 : i32
        %dma_start3A_89 = tpu.memref_slice %arg7[%mul3A_61, %dma_start3A_88] : memref<40x128xi32, #tpu.memory_space<vmem>> -> memref<1x128xi32, #tpu.memory_space<vmem>>
        %dma_start3A_90 = tpu.memref_squeeze %dma_start3A_89 : memref<1x128xi32, #tpu.memory_space<vmem>> -> memref<128xi32, #tpu.memory_space<vmem>>
        %dma_start3A_91 = arith.constant 0 : i32
        %dma_start3A_92 = arith.constant 0 : i32
        %dma_start3A_93 = tpu.memref_slice %arg10[%dma_start3A_91, %dma_start3A_92] : memref<10112x128xf32, #tpu.memory_space<vmem_shared>> -> memref<10112x128xf32, #tpu.memory_space<vmem_shared>>
        tpu.enqueue_indirect_dma source(%arg8 : memref<128x128xf32, #tpu.memory_space<vmem>>) target(%dma_start3A_93 : memref<10112x128xf32, #tpu.memory_space<vmem_shared>>) offsets(%dma_start3A_90 : memref<128xi32, #tpu.memory_space<vmem>>) semaphore(%run_scoped3A : memref<!tpu.dma_semaphore, #tpu.memory_space<semaphore_mem>>) {add = true}
        %dma_wait3A_94 = arith.constant 0 : i32
        %dma_wait3A_95 = tpu.memref_slice %arg7[%mul3A_61, %dma_wait3A_94] : memref<40x128xi32, #tpu.memory_space<vmem>> -> memref<1x128xi32, #tpu.memory_space<vmem>>
        %dma_wait3A_96 = tpu.memref_squeeze %dma_wait3A_95 : memref<1x128xi32, #tpu.memory_space<vmem>> -> memref<128xi32, #tpu.memory_space<vmem>>
        %dma_wait3A_97 = arith.constant 0 : i32
        %dma_wait3A_98 = arith.constant 0 : i32
        %dma_wait3A_99 = tpu.memref_slice %arg10[%dma_wait3A_97, %dma_wait3A_98] : memref<10112x128xf32, #tpu.memory_space<vmem_shared>> -> memref<10112x128xf32, #tpu.memory_space<vmem_shared>>
        tpu.wait_indirect_dma semaphore(%run_scoped3A : memref<!tpu.dma_semaphore, #tpu.memory_space<semaphore_mem>>) src(%arg8 : memref<128x128xf32, #tpu.memory_space<vmem>>) dst(%dma_wait3A_99 : memref<10112x128xf32, #tpu.memory_space<vmem_shared>>)
        tpu.yield
      }) : () -> ()
      %add3A_67 = arith.constant 2 : i32
      %add3A_68 = arith.addi %mul3A_61, %add3A_67 : i32
      %lt3A = arith.constant 40 : i32
      %lt3A_69 = arith.cmpi slt, %add3A_68, %lt3A : i32
      %convert_element_type3A = arith.extui %lt3A_69 : i1 to i32
      %cond3A = arith.constant 0 : i32
      %cond3A_70 = arith.cmpi ne, %convert_element_type3A, %cond3A : i32
      scf.if %cond3A_70 {
        %add3A_88 = arith.constant 2 : i32
        %add3A_89 = arith.addi %mul3A_61, %add3A_88 : i32
        %dma_start3A_90 = arith.constant 0 : i32
        %dma_start3A_91 = tpu.memref_slice %arg6[%add3A_89, %dma_start3A_90] : memref<40x128xi32, #tpu.memory_space<vmem>> -> memref<1x128xi32, #tpu.memory_space<vmem>>
        %dma_start3A_92 = tpu.memref_squeeze %dma_start3A_91 : memref<1x128xi32, #tpu.memory_space<vmem>> -> memref<128xi32, #tpu.memory_space<vmem>>
        %dma_start3A_93 = arith.constant 0 : i32
        %dma_start3A_94 = arith.constant 0 : i32
        %dma_start3A_95 = tpu.memref_slice %arg4[%dma_start3A_93, %dma_start3A_94] : memref<10000x128xf32, #tpu.memory_space<hbm>> -> memref<10000x128xf32, #tpu.memory_space<hbm>>
        tpu.enqueue_indirect_dma source(%dma_start3A_95 : memref<10000x128xf32, #tpu.memory_space<hbm>>) target(%arg8 : memref<128x128xf32, #tpu.memory_space<vmem>>) offsets(%dma_start3A_92 : memref<128xi32, #tpu.memory_space<vmem>>) semaphore(%arg11 : memref<!tpu.dma_semaphore, #tpu.memory_space<semaphore_mem>>)
      } else {
      }
      %add3A_71 = arith.constant 1 : i32
      %add3A_72 = arith.addi %mul3A_61, %add3A_71 : i32
      %dma_wait3A_73 = arith.constant 0 : i32
      %dma_wait3A_74 = tpu.memref_slice %arg6[%add3A_72, %dma_wait3A_73] : memref<40x128xi32, #tpu.memory_space<vmem>> -> memref<1x128xi32, #tpu.memory_space<vmem>>
      %dma_wait3A_75 = tpu.memref_squeeze %dma_wait3A_74 : memref<1x128xi32, #tpu.memory_space<vmem>> -> memref<128xi32, #tpu.memory_space<vmem>>
      %dma_wait3A_76 = arith.constant 0 : i32
      %dma_wait3A_77 = arith.constant 0 : i32
      %dma_wait3A_78 = tpu.memref_slice %arg4[%dma_wait3A_76, %dma_wait3A_77] : memref<10000x128xf32, #tpu.memory_space<hbm>> -> memref<10000x128xf32, #tpu.memory_space<hbm>>
      tpu.wait_indirect_dma semaphore(%arg12 : memref<!tpu.dma_semaphore, #tpu.memory_space<semaphore_mem>>) src(%dma_wait3A_78 : memref<10000x128xf32, #tpu.memory_space<hbm>>) dst(%arg9 : memref<128x128xf32, #tpu.memory_space<vmem>>)
      %add3A_79 = arith.constant 1 : i32
      %add3A_80 = arith.addi %mul3A_61, %add3A_79 : i32
      "tpu.region"() ({
        %run_scoped3A = tpu.sem_alloc : memref<!tpu.dma_semaphore, #tpu.memory_space<semaphore_mem>>
        %dma_start3A_88 = arith.constant 0 : i32
        %dma_start3A_89 = tpu.memref_slice %arg7[%add3A_80, %dma_start3A_88] : memref<40x128xi32, #tpu.memory_space<vmem>> -> memref<1x128xi32, #tpu.memory_space<vmem>>
        %dma_start3A_90 = tpu.memref_squeeze %dma_start3A_89 : memref<1x128xi32, #tpu.memory_space<vmem>> -> memref<128xi32, #tpu.memory_space<vmem>>
        %dma_start3A_91 = arith.constant 0 : i32
        %dma_start3A_92 = arith.constant 0 : i32
        %dma_start3A_93 = tpu.memref_slice %arg10[%dma_start3A_91, %dma_start3A_92] : memref<10112x128xf32, #tpu.memory_space<vmem_shared>> -> memref<10112x128xf32, #tpu.memory_space<vmem_shared>>
        tpu.enqueue_indirect_dma source(%arg9 : memref<128x128xf32, #tpu.memory_space<vmem>>) target(%dma_start3A_93 : memref<10112x128xf32, #tpu.memory_space<vmem_shared>>) offsets(%dma_start3A_90 : memref<128xi32, #tpu.memory_space<vmem>>) semaphore(%run_scoped3A : memref<!tpu.dma_semaphore, #tpu.memory_space<semaphore_mem>>) {add = true}
        %dma_wait3A_94 = arith.constant 0 : i32
        %dma_wait3A_95 = tpu.memref_slice %arg7[%add3A_80, %dma_wait3A_94] : memref<40x128xi32, #tpu.memory_space<vmem>> -> memref<1x128xi32, #tpu.memory_space<vmem>>
        %dma_wait3A_96 = tpu.memref_squeeze %dma_wait3A_95 : memref<1x128xi32, #tpu.memory_space<vmem>> -> memref<128xi32, #tpu.memory_space<vmem>>
        %dma_wait3A_97 = arith.constant 0 : i32
        %dma_wait3A_98 = arith.constant 0 : i32
        %dma_wait3A_99 = tpu.memref_slice %arg10[%dma_wait3A_97, %dma_wait3A_98] : memref<10112x128xf32, #tpu.memory_space<vmem_shared>> -> memref<10112x128xf32, #tpu.memory_space<vmem_shared>>
        tpu.wait_indirect_dma semaphore(%run_scoped3A : memref<!tpu.dma_semaphore, #tpu.memory_space<semaphore_mem>>) src(%arg9 : memref<128x128xf32, #tpu.memory_space<vmem>>) dst(%dma_wait3A_99 : memref<10112x128xf32, #tpu.memory_space<vmem_shared>>)
        tpu.yield
      }) : () -> ()
      %add3A_81 = arith.constant 3 : i32
      %add3A_82 = arith.addi %mul3A_61, %add3A_81 : i32
      %lt3A_83 = arith.constant 40 : i32
      %lt3A_84 = arith.cmpi slt, %add3A_82, %lt3A_83 : i32
      %convert_element_type3A_85 = arith.extui %lt3A_84 : i1 to i32
      %cond3A_86 = arith.constant 0 : i32
      %cond3A_87 = arith.cmpi ne, %convert_element_type3A_85, %cond3A_86 : i32
      scf.if %cond3A_87 {
        %add3A_88 = arith.constant 3 : i32
        %add3A_89 = arith.addi %mul3A_61, %add3A_88 : i32
        %dma_start3A_90 = arith.constant 0 : i32
        %dma_start3A_91 = tpu.memref_slice %arg6[%add3A_89, %dma_start3A_90] : memref<40x128xi32, #tpu.memory_space<vmem>> -> memref<1x128xi32, #tpu.memory_space<vmem>>
        %dma_start3A_92 = tpu.memref_squeeze %dma_start3A_91 : memref<1x128xi32, #tpu.memory_space<vmem>> -> memref<128xi32, #tpu.memory_space<vmem>>
        %dma_start3A_93 = arith.constant 0 : i32
        %dma_start3A_94 = arith.constant 0 : i32
        %dma_start3A_95 = tpu.memref_slice %arg4[%dma_start3A_93, %dma_start3A_94] : memref<10000x128xf32, #tpu.memory_space<hbm>> -> memref<10000x128xf32, #tpu.memory_space<hbm>>
        tpu.enqueue_indirect_dma source(%dma_start3A_95 : memref<10000x128xf32, #tpu.memory_space<hbm>>) target(%arg9 : memref<128x128xf32, #tpu.memory_space<vmem>>) offsets(%dma_start3A_92 : memref<128xi32, #tpu.memory_space<vmem>>) semaphore(%arg12 : memref<!tpu.dma_semaphore, #tpu.memory_space<semaphore_mem>>)
      } else {
      }
    }
    %scan3A_37 = arith.constant 20 : i32
    "tpu.region"() ({
      %run_scoped3A = tpu.sem_alloc : memref<!tpu.dma_semaphore, #tpu.memory_space<semaphore_mem>>
      %dma_start3A_59 = arith.constant 0 : i32
      %dma_start3A_60 = arith.constant 0 : i32
      %dma_start3A_61 = tpu.memref_slice %arg2[%add3A, %dma_start3A_59, %dma_start3A_60] : memref<32x80x128xi32, #tpu.memory_space<hbm>> -> memref<1x80x128xi32, #tpu.memory_space<hbm>>
      %dma_start3A_62 = tpu.memref_squeeze %dma_start3A_61 : memref<1x80x128xi32, #tpu.memory_space<hbm>> -> memref<80x128xi32, #tpu.memory_space<hbm>>
      %dma_start3A_63 = arith.constant 40 : i32
      %dma_start3A_64 = arith.constant 0 : i32
      %dma_start3A_65 = tpu.memref_slice %dma_start3A_62[%dma_start3A_63, %dma_start3A_64] : memref<80x128xi32, #tpu.memory_space<hbm>> -> memref<40x128xi32, #tpu.memory_space<hbm>>
      %dma_start3A_66 = arith.constant 0 : i32
      %dma_start3A_67 = arith.constant 0 : i32
      %dma_start3A_68 = tpu.memref_slice %arg2[%add3A, %dma_start3A_66, %dma_start3A_67] : memref<32x80x128xi32, #tpu.memory_space<hbm>> -> memref<1x80x128xi32, #tpu.memory_space<hbm>>
      %dma_start3A_69 = tpu.memref_squeeze %dma_start3A_68 : memref<1x80x128xi32, #tpu.memory_space<hbm>> -> memref<80x128xi32, #tpu.memory_space<hbm>>
      %dma_start3A_70 = arith.constant 40 : i32
      %dma_start3A_71 = arith.constant 0 : i32
      %dma_start3A_72 = tpu.memref_slice %dma_start3A_69[%dma_start3A_70, %dma_start3A_71] : memref<80x128xi32, #tpu.memory_space<hbm>> -> memref<40x128xi32, #tpu.memory_space<hbm>>
      tpu.enqueue_dma source(%dma_start3A_72 : memref<40x128xi32, #tpu.memory_space<hbm>>) target(%arg6 : memref<40x128xi32, #tpu.memory_space<vmem>>) target_semaphore(%run_scoped3A : memref<!tpu.dma_semaphore, #tpu.memory_space<semaphore_mem>>)
      %dma_wait3A = arith.constant 0 : i32
      %dma_wait3A_73 = arith.constant 0 : i32
      %dma_wait3A_74 = tpu.memref_slice %arg2[%add3A, %dma_wait3A, %dma_wait3A_73] : memref<32x80x128xi32, #tpu.memory_space<hbm>> -> memref<1x80x128xi32, #tpu.memory_space<hbm>>
      %dma_wait3A_75 = tpu.memref_squeeze %dma_wait3A_74 : memref<1x80x128xi32, #tpu.memory_space<hbm>> -> memref<80x128xi32, #tpu.memory_space<hbm>>
      %dma_wait3A_76 = arith.constant 40 : i32
      %dma_wait3A_77 = arith.constant 0 : i32
      %dma_wait3A_78 = tpu.memref_slice %dma_wait3A_75[%dma_wait3A_76, %dma_wait3A_77] : memref<80x128xi32, #tpu.memory_space<hbm>> -> memref<40x128xi32, #tpu.memory_space<hbm>>
      %dma_wait3A_79 = arith.constant 0 : i32
      %dma_wait3A_80 = arith.constant 0 : i32
      %dma_wait3A_81 = tpu.memref_slice %arg2[%add3A, %dma_wait3A_79, %dma_wait3A_80] : memref<32x80x128xi32, #tpu.memory_space<hbm>> -> memref<1x80x128xi32, #tpu.memory_space<hbm>>
      %dma_wait3A_82 = tpu.memref_squeeze %dma_wait3A_81 : memref<1x80x128xi32, #tpu.memory_space<hbm>> -> memref<80x128xi32, #tpu.memory_space<hbm>>
      %dma_wait3A_83 = arith.constant 40 : i32
      %dma_wait3A_84 = arith.constant 0 : i32
      %dma_wait3A_85 = tpu.memref_slice %dma_wait3A_82[%dma_wait3A_83, %dma_wait3A_84] : memref<80x128xi32, #tpu.memory_space<hbm>> -> memref<40x128xi32, #tpu.memory_space<hbm>>
      tpu.wait_dma2 semaphore(%run_scoped3A : memref<!tpu.dma_semaphore, #tpu.memory_space<semaphore_mem>>) src(%dma_wait3A_85 : memref<40x128xi32, #tpu.memory_space<hbm>>) dst(%arg6 : memref<40x128xi32, #tpu.memory_space<vmem>>)
      tpu.yield
    }) : () -> ()
    "tpu.region"() ({
      %run_scoped3A = tpu.sem_alloc : memref<!tpu.dma_semaphore, #tpu.memory_space<semaphore_mem>>
      %dma_start3A_59 = arith.constant 0 : i32
      %dma_start3A_60 = arith.constant 0 : i32
      %dma_start3A_61 = tpu.memref_slice %arg3[%add3A, %dma_start3A_59, %dma_start3A_60] : memref<32x80x128xi32, #tpu.memory_space<hbm>> -> memref<1x80x128xi32, #tpu.memory_space<hbm>>
      %dma_start3A_62 = tpu.memref_squeeze %dma_start3A_61 : memref<1x80x128xi32, #tpu.memory_space<hbm>> -> memref<80x128xi32, #tpu.memory_space<hbm>>
      %dma_start3A_63 = arith.constant 40 : i32
      %dma_start3A_64 = arith.constant 0 : i32
      %dma_start3A_65 = tpu.memref_slice %dma_start3A_62[%dma_start3A_63, %dma_start3A_64] : memref<80x128xi32, #tpu.memory_space<hbm>> -> memref<40x128xi32, #tpu.memory_space<hbm>>
      %dma_start3A_66 = arith.constant 0 : i32
      %dma_start3A_67 = arith.constant 0 : i32
      %dma_start3A_68 = tpu.memref_slice %arg3[%add3A, %dma_start3A_66, %dma_start3A_67] : memref<32x80x128xi32, #tpu.memory_space<hbm>> -> memref<1x80x128xi32, #tpu.memory_space<hbm>>
      %dma_start3A_69 = tpu.memref_squeeze %dma_start3A_68 : memref<1x80x128xi32, #tpu.memory_space<hbm>> -> memref<80x128xi32, #tpu.memory_space<hbm>>
      %dma_start3A_70 = arith.constant 40 : i32
      %dma_start3A_71 = arith.constant 0 : i32
      %dma_start3A_72 = tpu.memref_slice %dma_start3A_69[%dma_start3A_70, %dma_start3A_71] : memref<80x128xi32, #tpu.memory_space<hbm>> -> memref<40x128xi32, #tpu.memory_space<hbm>>
      tpu.enqueue_dma source(%dma_start3A_72 : memref<40x128xi32, #tpu.memory_space<hbm>>) target(%arg7 : memref<40x128xi32, #tpu.memory_space<vmem>>) target_semaphore(%run_scoped3A : memref<!tpu.dma_semaphore, #tpu.memory_space<semaphore_mem>>)
      %dma_wait3A = arith.constant 0 : i32
      %dma_wait3A_73 = arith.constant 0 : i32
      %dma_wait3A_74 = tpu.memref_slice %arg3[%add3A, %dma_wait3A, %dma_wait3A_73] : memref<32x80x128xi32, #tpu.memory_space<hbm>> -> memref<1x80x128xi32, #tpu.memory_space<hbm>>
      %dma_wait3A_75 = tpu.memref_squeeze %dma_wait3A_74 : memref<1x80x128xi32, #tpu.memory_space<hbm>> -> memref<80x128xi32, #tpu.memory_space<hbm>>
      %dma_wait3A_76 = arith.constant 40 : i32
      %dma_wait3A_77 = arith.constant 0 : i32
      %dma_wait3A_78 = tpu.memref_slice %dma_wait3A_75[%dma_wait3A_76, %dma_wait3A_77] : memref<80x128xi32, #tpu.memory_space<hbm>> -> memref<40x128xi32, #tpu.memory_space<hbm>>
      %dma_wait3A_79 = arith.constant 0 : i32
      %dma_wait3A_80 = arith.constant 0 : i32
      %dma_wait3A_81 = tpu.memref_slice %arg3[%add3A, %dma_wait3A_79, %dma_wait3A_80] : memref<32x80x128xi32, #tpu.memory_space<hbm>> -> memref<1x80x128xi32, #tpu.memory_space<hbm>>
      %dma_wait3A_82 = tpu.memref_squeeze %dma_wait3A_81 : memref<1x80x128xi32, #tpu.memory_space<hbm>> -> memref<80x128xi32, #tpu.memory_space<hbm>>
      %dma_wait3A_83 = arith.constant 40 : i32
      %dma_wait3A_84 = arith.constant 0 : i32
      %dma_wait3A_85 = tpu.memref_slice %dma_wait3A_82[%dma_wait3A_83, %dma_wait3A_84] : memref<80x128xi32, #tpu.memory_space<hbm>> -> memref<40x128xi32, #tpu.memory_space<hbm>>
      tpu.wait_dma2 semaphore(%run_scoped3A : memref<!tpu.dma_semaphore, #tpu.memory_space<semaphore_mem>>) src(%dma_wait3A_85 : memref<40x128xi32, #tpu.memory_space<hbm>>) dst(%arg7 : memref<40x128xi32, #tpu.memory_space<vmem>>)
      tpu.yield
    }) : () -> ()
    %dma_start3A_38 = arith.constant 0 : i32
    %dma_start3A_39 = arith.constant 0 : i32
    %dma_start3A_40 = tpu.memref_slice %arg6[%dma_start3A_38, %dma_start3A_39] : memref<40x128xi32, #tpu.memory_space<vmem>> -> memref<1x128xi32, #tpu.memory_space<vmem>>
    %dma_start3A_41 = tpu.memref_squeeze %dma_start3A_40 : memref<1x128xi32, #tpu.memory_space<vmem>> -> memref<128xi32, #tpu.memory_space<vmem>>
    %dma_start3A_42 = arith.constant 0 : i32
    %dma_start3A_43 = arith.constant 0 : i32
    %dma_start3A_44 = tpu.memref_slice %arg4[%dma_start3A_42, %dma_start3A_43] : memref<10000x128xf32, #tpu.memory_space<hbm>> -> memref<10000x128xf32, #tpu.memory_space<hbm>>
    tpu.enqueue_indirect_dma source(%dma_start3A_44 : memref<10000x128xf32, #tpu.memory_space<hbm>>) target(%arg8 : memref<128x128xf32, #tpu.memory_space<vmem>>) offsets(%dma_start3A_41 : memref<128xi32, #tpu.memory_space<vmem>>) semaphore(%arg11 : memref<!tpu.dma_semaphore, #tpu.memory_space<semaphore_mem>>)
    %dma_start3A_45 = arith.constant 1 : i32
    %dma_start3A_46 = arith.constant 0 : i32
    %dma_start3A_47 = tpu.memref_slice %arg6[%dma_start3A_45, %dma_start3A_46] : memref<40x128xi32, #tpu.memory_space<vmem>> -> memref<1x128xi32, #tpu.memory_space<vmem>>
    %dma_start3A_48 = tpu.memref_squeeze %dma_start3A_47 : memref<1x128xi32, #tpu.memory_space<vmem>> -> memref<128xi32, #tpu.memory_space<vmem>>
    %dma_start3A_49 = arith.constant 0 : i32
    %dma_start3A_50 = arith.constant 0 : i32
    %dma_start3A_51 = tpu.memref_slice %arg4[%dma_start3A_49, %dma_start3A_50] : memref<10000x128xf32, #tpu.memory_space<hbm>> -> memref<10000x128xf32, #tpu.memory_space<hbm>>
    tpu.enqueue_indirect_dma source(%dma_start3A_51 : memref<10000x128xf32, #tpu.memory_space<hbm>>) target(%arg9 : memref<128x128xf32, #tpu.memory_space<vmem>>) offsets(%dma_start3A_48 : memref<128xi32, #tpu.memory_space<vmem>>) semaphore(%arg12 : memref<!tpu.dma_semaphore, #tpu.memory_space<semaphore_mem>>)
    %scan3A_52 = arith.constant 0 : i32
    %scan3A_53 = arith.constant 0 : i32
    %scan3A_54 = arith.constant 20 : i32
    %scan3A_55 = arith.addi %scan3A_53, %scan3A_54 : i32
    %scan3A_56 = arith.constant 1 : i32
    scf.for %scan3A_59 = %scan3A_53 to %scan3A_55 step %scan3A_56  : i32 {
      %mul3A_60 = arith.constant 2 : i32
      %mul3A_61 = arith.muli %mul3A_60, %scan3A_59 : i32
      %dma_wait3A = arith.constant 0 : i32
      %dma_wait3A_62 = tpu.memref_slice %arg6[%mul3A_61, %dma_wait3A] : memref<40x128xi32, #tpu.memory_space<vmem>> -> memref<1x128xi32, #tpu.memory_space<vmem>>
      %dma_wait3A_63 = tpu.memref_squeeze %dma_wait3A_62 : memref<1x128xi32, #tpu.memory_space<vmem>> -> memref<128xi32, #tpu.memory_space<vmem>>
      %dma_wait3A_64 = arith.constant 0 : i32
      %dma_wait3A_65 = arith.constant 0 : i32
      %dma_wait3A_66 = tpu.memref_slice %arg4[%dma_wait3A_64, %dma_wait3A_65] : memref<10000x128xf32, #tpu.memory_space<hbm>> -> memref<10000x128xf32, #tpu.memory_space<hbm>>
      tpu.wait_indirect_dma semaphore(%arg11 : memref<!tpu.dma_semaphore, #tpu.memory_space<semaphore_mem>>) src(%dma_wait3A_66 : memref<10000x128xf32, #tpu.memory_space<hbm>>) dst(%arg8 : memref<128x128xf32, #tpu.memory_space<vmem>>)
      "tpu.region"() ({
        %run_scoped3A = tpu.sem_alloc : memref<!tpu.dma_semaphore, #tpu.memory_space<semaphore_mem>>
        %dma_start3A_88 = arith.constant 0 : i32
        %dma_start3A_89 = tpu.memref_slice %arg7[%mul3A_61, %dma_start3A_88] : memref<40x128xi32, #tpu.memory_space<vmem>> -> memref<1x128xi32, #tpu.memory_space<vmem>>
        %dma_start3A_90 = tpu.memref_squeeze %dma_start3A_89 : memref<1x128xi32, #tpu.memory_space<vmem>> -> memref<128xi32, #tpu.memory_space<vmem>>
        %dma_start3A_91 = arith.constant 0 : i32
        %dma_start3A_92 = arith.constant 0 : i32
        %dma_start3A_93 = tpu.memref_slice %arg10[%dma_start3A_91, %dma_start3A_92] : memref<10112x128xf32, #tpu.memory_space<vmem_shared>> -> memref<10112x128xf32, #tpu.memory_space<vmem_shared>>
        tpu.enqueue_indirect_dma source(%arg8 : memref<128x128xf32, #tpu.memory_space<vmem>>) target(%dma_start3A_93 : memref<10112x128xf32, #tpu.memory_space<vmem_shared>>) offsets(%dma_start3A_90 : memref<128xi32, #tpu.memory_space<vmem>>) semaphore(%run_scoped3A : memref<!tpu.dma_semaphore, #tpu.memory_space<semaphore_mem>>) {add = true}
        %dma_wait3A_94 = arith.constant 0 : i32
        %dma_wait3A_95 = tpu.memref_slice %arg7[%mul3A_61, %dma_wait3A_94] : memref<40x128xi32, #tpu.memory_space<vmem>> -> memref<1x128xi32, #tpu.memory_space<vmem>>
        %dma_wait3A_96 = tpu.memref_squeeze %dma_wait3A_95 : memref<1x128xi32, #tpu.memory_space<vmem>> -> memref<128xi32, #tpu.memory_space<vmem>>
        %dma_wait3A_97 = arith.constant 0 : i32
        %dma_wait3A_98 = arith.constant 0 : i32
        %dma_wait3A_99 = tpu.memref_slice %arg10[%dma_wait3A_97, %dma_wait3A_98] : memref<10112x128xf32, #tpu.memory_space<vmem_shared>> -> memref<10112x128xf32, #tpu.memory_space<vmem_shared>>
        tpu.wait_indirect_dma semaphore(%run_scoped3A : memref<!tpu.dma_semaphore, #tpu.memory_space<semaphore_mem>>) src(%arg8 : memref<128x128xf32, #tpu.memory_space<vmem>>) dst(%dma_wait3A_99 : memref<10112x128xf32, #tpu.memory_space<vmem_shared>>)
        tpu.yield
      }) : () -> ()
      %add3A_67 = arith.constant 2 : i32
      %add3A_68 = arith.addi %mul3A_61, %add3A_67 : i32
      %lt3A = arith.constant 40 : i32
      %lt3A_69 = arith.cmpi slt, %add3A_68, %lt3A : i32
      %convert_element_type3A = arith.extui %lt3A_69 : i1 to i32
      %cond3A = arith.constant 0 : i32
      %cond3A_70 = arith.cmpi ne, %convert_element_type3A, %cond3A : i32
      scf.if %cond3A_70 {
        %add3A_88 = arith.constant 2 : i32
        %add3A_89 = arith.addi %mul3A_61, %add3A_88 : i32
        %dma_start3A_90 = arith.constant 0 : i32
        %dma_start3A_91 = tpu.memref_slice %arg6[%add3A_89, %dma_start3A_90] : memref<40x128xi32, #tpu.memory_space<vmem>> -> memref<1x128xi32, #tpu.memory_space<vmem>>
        %dma_start3A_92 = tpu.memref_squeeze %dma_start3A_91 : memref<1x128xi32, #tpu.memory_space<vmem>> -> memref<128xi32, #tpu.memory_space<vmem>>
        %dma_start3A_93 = arith.constant 0 : i32
        %dma_start3A_94 = arith.constant 0 : i32
        %dma_start3A_95 = tpu.memref_slice %arg4[%dma_start3A_93, %dma_start3A_94] : memref<10000x128xf32, #tpu.memory_space<hbm>> -> memref<10000x128xf32, #tpu.memory_space<hbm>>
        tpu.enqueue_indirect_dma source(%dma_start3A_95 : memref<10000x128xf32, #tpu.memory_space<hbm>>) target(%arg8 : memref<128x128xf32, #tpu.memory_space<vmem>>) offsets(%dma_start3A_92 : memref<128xi32, #tpu.memory_space<vmem>>) semaphore(%arg11 : memref<!tpu.dma_semaphore, #tpu.memory_space<semaphore_mem>>)
      } else {
      }
      %add3A_71 = arith.constant 1 : i32
      %add3A_72 = arith.addi %mul3A_61, %add3A_71 : i32
      %dma_wait3A_73 = arith.constant 0 : i32
      %dma_wait3A_74 = tpu.memref_slice %arg6[%add3A_72, %dma_wait3A_73] : memref<40x128xi32, #tpu.memory_space<vmem>> -> memref<1x128xi32, #tpu.memory_space<vmem>>
      %dma_wait3A_75 = tpu.memref_squeeze %dma_wait3A_74 : memref<1x128xi32, #tpu.memory_space<vmem>> -> memref<128xi32, #tpu.memory_space<vmem>>
      %dma_wait3A_76 = arith.constant 0 : i32
      %dma_wait3A_77 = arith.constant 0 : i32
      %dma_wait3A_78 = tpu.memref_slice %arg4[%dma_wait3A_76, %dma_wait3A_77] : memref<10000x128xf32, #tpu.memory_space<hbm>> -> memref<10000x128xf32, #tpu.memory_space<hbm>>
      tpu.wait_indirect_dma semaphore(%arg12 : memref<!tpu.dma_semaphore, #tpu.memory_space<semaphore_mem>>) src(%dma_wait3A_78 : memref<10000x128xf32, #tpu.memory_space<hbm>>) dst(%arg9 : memref<128x128xf32, #tpu.memory_space<vmem>>)
      %add3A_79 = arith.constant 1 : i32
      %add3A_80 = arith.addi %mul3A_61, %add3A_79 : i32
      "tpu.region"() ({
        %run_scoped3A = tpu.sem_alloc : memref<!tpu.dma_semaphore, #tpu.memory_space<semaphore_mem>>
        %dma_start3A_88 = arith.constant 0 : i32
        %dma_start3A_89 = tpu.memref_slice %arg7[%add3A_80, %dma_start3A_88] : memref<40x128xi32, #tpu.memory_space<vmem>> -> memref<1x128xi32, #tpu.memory_space<vmem>>
        %dma_start3A_90 = tpu.memref_squeeze %dma_start3A_89 : memref<1x128xi32, #tpu.memory_space<vmem>> -> memref<128xi32, #tpu.memory_space<vmem>>
        %dma_start3A_91 = arith.constant 0 : i32
        %dma_start3A_92 = arith.constant 0 : i32
        %dma_start3A_93 = tpu.memref_slice %arg10[%dma_start3A_91, %dma_start3A_92] : memref<10112x128xf32, #tpu.memory_space<vmem_shared>> -> memref<10112x128xf32, #tpu.memory_space<vmem_shared>>
        tpu.enqueue_indirect_dma source(%arg9 : memref<128x128xf32, #tpu.memory_space<vmem>>) target(%dma_start3A_93 : memref<10112x128xf32, #tpu.memory_space<vmem_shared>>) offsets(%dma_start3A_90 : memref<128xi32, #tpu.memory_space<vmem>>) semaphore(%run_scoped3A : memref<!tpu.dma_semaphore, #tpu.memory_space<semaphore_mem>>) {add = true}
        %dma_wait3A_94 = arith.constant 0 : i32
        %dma_wait3A_95 = tpu.memref_slice %arg7[%add3A_80, %dma_wait3A_94] : memref<40x128xi32, #tpu.memory_space<vmem>> -> memref<1x128xi32, #tpu.memory_space<vmem>>
        %dma_wait3A_96 = tpu.memref_squeeze %dma_wait3A_95 : memref<1x128xi32, #tpu.memory_space<vmem>> -> memref<128xi32, #tpu.memory_space<vmem>>
        %dma_wait3A_97 = arith.constant 0 : i32
        %dma_wait3A_98 = arith.constant 0 : i32
        %dma_wait3A_99 = tpu.memref_slice %arg10[%dma_wait3A_97, %dma_wait3A_98] : memref<10112x128xf32, #tpu.memory_space<vmem_shared>> -> memref<10112x128xf32, #tpu.memory_space<vmem_shared>>
        tpu.wait_indirect_dma semaphore(%run_scoped3A : memref<!tpu.dma_semaphore, #tpu.memory_space<semaphore_mem>>) src(%arg9 : memref<128x128xf32, #tpu.memory_space<vmem>>) dst(%dma_wait3A_99 : memref<10112x128xf32, #tpu.memory_space<vmem_shared>>)
        tpu.yield
      }) : () -> ()
      %add3A_81 = arith.constant 3 : i32
      %add3A_82 = arith.addi %mul3A_61, %add3A_81 : i32
      %lt3A_83 = arith.constant 40 : i32
      %lt3A_84 = arith.cmpi slt, %add3A_82, %lt3A_83 : i32
      %convert_element_type3A_85 = arith.extui %lt3A_84 : i1 to i32
      %cond3A_86 = arith.constant 0 : i32
      %cond3A_87 = arith.cmpi ne, %convert_element_type3A_85, %cond3A_86 : i32
      scf.if %cond3A_87 {
        %add3A_88 = arith.constant 3 : i32
        %add3A_89 = arith.addi %mul3A_61, %add3A_88 : i32
        %dma_start3A_90 = arith.constant 0 : i32
        %dma_start3A_91 = tpu.memref_slice %arg6[%add3A_89, %dma_start3A_90] : memref<40x128xi32, #tpu.memory_space<vmem>> -> memref<1x128xi32, #tpu.memory_space<vmem>>
        %dma_start3A_92 = tpu.memref_squeeze %dma_start3A_91 : memref<1x128xi32, #tpu.memory_space<vmem>> -> memref<128xi32, #tpu.memory_space<vmem>>
        %dma_start3A_93 = arith.constant 0 : i32
        %dma_start3A_94 = arith.constant 0 : i32
        %dma_start3A_95 = tpu.memref_slice %arg4[%dma_start3A_93, %dma_start3A_94] : memref<10000x128xf32, #tpu.memory_space<hbm>> -> memref<10000x128xf32, #tpu.memory_space<hbm>>
        tpu.enqueue_indirect_dma source(%dma_start3A_95 : memref<10000x128xf32, #tpu.memory_space<hbm>>) target(%arg9 : memref<128x128xf32, #tpu.memory_space<vmem>>) offsets(%dma_start3A_92 : memref<128xi32, #tpu.memory_space<vmem>>) semaphore(%arg12 : memref<!tpu.dma_semaphore, #tpu.memory_space<semaphore_mem>>)
      } else {
      }
    }
    %scan3A_57 = arith.constant 20 : i32
    %barrier3A_58 = arith.constant 0 : index
    tpu.barrier barrier_id(%barrier3A_58)
    "tpu.region"() ({
      %run_scoped3A = tpu.sem_alloc : memref<!tpu.dma_semaphore, #tpu.memory_space<semaphore_mem>>
      %dma_start3A_59 = arith.constant 0 : i32
      %dma_start3A_60 = arith.constant 0 : i32
      %dma_start3A_61 = tpu.memref_slice %arg5[%arg0, %dma_start3A_59, %dma_start3A_60] : memref<2x10112x128xf32, #tpu.memory_space<hbm>> -> memref<1x10112x128xf32, #tpu.memory_space<hbm>>
      %dma_start3A_62 = tpu.memref_squeeze %dma_start3A_61 : memref<1x10112x128xf32, #tpu.memory_space<hbm>> -> memref<10112x128xf32, #tpu.memory_space<hbm>>
      %dma_start3A_63 = arith.constant 0 : i32
      %dma_start3A_64 = tpu.memref_slice %dma_start3A_62[%mul3A_2, %dma_start3A_63] : memref<10112x128xf32, #tpu.memory_space<hbm>> -> memref<632x128xf32, #tpu.memory_space<hbm>>
      %dma_start3A_65 = arith.constant 0 : i32
      %dma_start3A_66 = tpu.memref_slice %arg10[%mul3A_2, %dma_start3A_65] : memref<10112x128xf32, #tpu.memory_space<vmem_shared>> -> memref<632x128xf32, #tpu.memory_space<vmem_shared>>
      tpu.enqueue_dma source(%dma_start3A_66 : memref<632x128xf32, #tpu.memory_space<vmem_shared>>) target(%dma_start3A_64 : memref<632x128xf32, #tpu.memory_space<hbm>>) target_semaphore(%run_scoped3A : memref<!tpu.dma_semaphore, #tpu.memory_space<semaphore_mem>>)
      %dma_wait3A = arith.constant 0 : i32
      %dma_wait3A_67 = arith.constant 0 : i32
      %dma_wait3A_68 = tpu.memref_slice %arg5[%arg0, %dma_wait3A, %dma_wait3A_67] : memref<2x10112x128xf32, #tpu.memory_space<hbm>> -> memref<1x10112x128xf32, #tpu.memory_space<hbm>>
      %dma_wait3A_69 = tpu.memref_squeeze %dma_wait3A_68 : memref<1x10112x128xf32, #tpu.memory_space<hbm>> -> memref<10112x128xf32, #tpu.memory_space<hbm>>
      %dma_wait3A_70 = arith.constant 0 : i32
      %dma_wait3A_71 = tpu.memref_slice %dma_wait3A_69[%mul3A_2, %dma_wait3A_70] : memref<10112x128xf32, #tpu.memory_space<hbm>> -> memref<632x128xf32, #tpu.memory_space<hbm>>
      %dma_wait3A_72 = arith.constant 0 : i32
      %dma_wait3A_73 = tpu.memref_slice %arg10[%mul3A_2, %dma_wait3A_72] : memref<10112x128xf32, #tpu.memory_space<vmem_shared>> -> memref<632x128xf32, #tpu.memory_space<vmem_shared>>
      tpu.wait_dma2 semaphore(%run_scoped3A : memref<!tpu.dma_semaphore, #tpu.memory_space<semaphore_mem>>) src(%dma_wait3A_73 : memref<632x128xf32, #tpu.memory_space<vmem_shared>>) dst(%dma_wait3A_71 : memref<632x128xf32, #tpu.memory_space<hbm>>)
      tpu.yield
    }) : () -> ()
    return
  }
}

#map = affine_map<(d0, d1) -> (0, 0, 0)>
#map1 = affine_map<(d0, d1) -> (0, 0)>
module attributes {stable_mosaic.version = 14 : i64} {
  func.func @_sc_scatter(%arg0: i32, %arg1: i32, %arg2: memref<32x80x128xi32, #tpu.memory_space<hbm>>, %arg3: memref<32x80x128xi32, #tpu.memory_space<hbm>>, %arg4: memref<10000x128xf32, #tpu.memory_space<hbm>>, %arg5: memref<2x10112x128xf32, #tpu.memory_space<hbm>>, %arg6: memref<40x128xi32, #tpu.memory_space<vmem>>, %arg7: memref<40x128xi32, #tpu.memory_space<vmem>>, %arg8: memref<128x128xf32, #tpu.memory_space<vmem>>, %arg9: memref<128x128xf32, #tpu.memory_space<vmem>>, %arg10: memref<10112x128xf32, #tpu.memory_space<vmem_shared>>, %arg11: memref<!tpu.dma_semaphore, #tpu.memory_space<semaphore_mem>>, %arg12: memref<!tpu.dma_semaphore, #tpu.memory_space<semaphore_mem>>, %arg13: memref<!tpu.dma_semaphore, #tpu.memory_space<semaphore_mem>>, %arg14: memref<!tpu.dma_semaphore, #tpu.memory_space<semaphore_mem>>) attributes {dimension_semantics = [#tpu.dimension_semantics<core_parallel>, #tpu.dimension_semantics<subcore_parallel>], iteration_bounds = array<i64: 2, 16>, scalar_prefetch = 0 : i64, scratch_operands = 9 : i64, tpu.core_type = #tpu.core_type<sc_vector_subcore>, window_params = [{transform_indices = #map}, {transform_indices = #map}, {transform_indices = #map1}, {transform_indices = #map}]} {
    %mul3A = arith.constant 16 : i32
    %mul3A_0 = arith.muli %arg0, %mul3A : i32
    %add3A = arith.addi %mul3A_0, %arg1 : i32
    %mul3A_1 = arith.constant 632 : i32
    %mul3A_2 = arith.muli %arg1, %mul3A_1 : i32
    %broadcast_in_dim3A = arith.constant 0.000000e+00 : f32
    %broadcast_in_dim3A_3 = vector.broadcast %broadcast_in_dim3A : f32 to vector<16xf32>
    %scan3A = arith.constant 0 : i32
    %scan3A_4 = arith.constant 0 : i32
    %scan3A_5 = arith.constant 1024 : i32
    %scan3A_6 = arith.addi %scan3A_4, %scan3A_5 : i32
    %scan3A_7 = arith.constant 1 : i32
    scf.for %scan3A_59 = %scan3A_4 to %scan3A_6 step %scan3A_7  : i32 {
      %shift_right_logical3A = arith.constant 3 : i32
      %shift_right_logical3A_60 = arith.shrui %scan3A_59, %shift_right_logical3A : i32
      %and3A = arith.constant 7 : i32
      %and3A_61 = arith.andi %scan3A_59, %and3A : i32
      %mul3A_62 = arith.constant 16 : i32
      %mul3A_63 = arith.muli %and3A_61, %mul3A_62 : i32
      %swap3A = arith.index_cast %shift_right_logical3A_60 : i32 to index
      %swap3A_64 = arith.index_cast %mul3A_63 : i32 to index
      %swap3A_65 = tpu.vector_load %arg9[%swap3A, %swap3A_64] {strides = array<i32>} : memref<128x128xf32, #tpu.memory_space<vmem>>, vector<1x16xf32>,
      %swap3A_66 = vector.shape_cast %swap3A_65 : vector<1x16xf32> to vector<16xf32>
      %swap3A_67 = vector.shape_cast %broadcast_in_dim3A_3 : vector<16xf32> to vector<1x16xf32>
      tpu.vector_store %arg9[%swap3A, %swap3A_64], %swap3A_67 {strides = array<i32>} : memref<128x128xf32, #tpu.memory_space<vmem>>, vector<1x16xf32>,
    }
    %scan3A_8 = arith.constant 1024 : i32
    "tpu.region"() ({
      %run_scoped3A = tpu.sem_alloc : memref<!tpu.dma_semaphore, #tpu.memory_space<semaphore_mem>>
      %dma_start3A_59 = arith.constant 0 : i32
      %dma_start3A_60 = arith.constant 0 : i32
      %dma_start3A_61 = tpu.memref_slice %arg2[%add3A, %dma_start3A_59, %dma_start3A_60] : memref<32x80x128xi32, #tpu.memory_space<hbm>> -> memref<1x80x128xi32, #tpu.memory_space<hbm>>
      %dma_start3A_62 = tpu.memref_squeeze %dma_start3A_61 : memref<1x80x128xi32, #tpu.memory_space<hbm>> -> memref<80x128xi32, #tpu.memory_space<hbm>>
      %dma_start3A_63 = arith.constant 0 : i32
      %dma_start3A_64 = arith.constant 0 : i32
      %dma_start3A_65 = tpu.memref_slice %dma_start3A_62[%dma_start3A_63, %dma_start3A_64] : memref<80x128xi32, #tpu.memory_space<hbm>> -> memref<40x128xi32, #tpu.memory_space<hbm>>
      %dma_start3A_66 = arith.constant 0 : i32
      %dma_start3A_67 = arith.constant 0 : i32
      %dma_start3A_68 = tpu.memref_slice %arg2[%add3A, %dma_start3A_66, %dma_start3A_67] : memref<32x80x128xi32, #tpu.memory_space<hbm>> -> memref<1x80x128xi32, #tpu.memory_space<hbm>>
      %dma_start3A_69 = tpu.memref_squeeze %dma_start3A_68 : memref<1x80x128xi32, #tpu.memory_space<hbm>> -> memref<80x128xi32, #tpu.memory_space<hbm>>
      %dma_start3A_70 = arith.constant 0 : i32
      %dma_start3A_71 = arith.constant 0 : i32
      %dma_start3A_72 = tpu.memref_slice %dma_start3A_69[%dma_start3A_70, %dma_start3A_71] : memref<80x128xi32, #tpu.memory_space<hbm>> -> memref<40x128xi32, #tpu.memory_space<hbm>>
      tpu.enqueue_dma source(%dma_start3A_72 : memref<40x128xi32, #tpu.memory_space<hbm>>) target(%arg6 : memref<40x128xi32, #tpu.memory_space<vmem>>) target_semaphore(%run_scoped3A : memref<!tpu.dma_semaphore, #tpu.memory_space<semaphore_mem>>)
      %dma_wait3A = arith.constant 0 : i32
      %dma_wait3A_73 = arith.constant 0 : i32
      %dma_wait3A_74 = tpu.memref_slice %arg2[%add3A, %dma_wait3A, %dma_wait3A_73] : memref<32x80x128xi32, #tpu.memory_space<hbm>> -> memref<1x80x128xi32, #tpu.memory_space<hbm>>
      %dma_wait3A_75 = tpu.memref_squeeze %dma_wait3A_74 : memref<1x80x128xi32, #tpu.memory_space<hbm>> -> memref<80x128xi32, #tpu.memory_space<hbm>>
      %dma_wait3A_76 = arith.constant 0 : i32
      %dma_wait3A_77 = arith.constant 0 : i32
      %dma_wait3A_78 = tpu.memref_slice %dma_wait3A_75[%dma_wait3A_76, %dma_wait3A_77] : memref<80x128xi32, #tpu.memory_space<hbm>> -> memref<40x128xi32, #tpu.memory_space<hbm>>
      %dma_wait3A_79 = arith.constant 0 : i32
      %dma_wait3A_80 = arith.constant 0 : i32
      %dma_wait3A_81 = tpu.memref_slice %arg2[%add3A, %dma_wait3A_79, %dma_wait3A_80] : memref<32x80x128xi32, #tpu.memory_space<hbm>> -> memref<1x80x128xi32, #tpu.memory_space<hbm>>
      %dma_wait3A_82 = tpu.memref_squeeze %dma_wait3A_81 : memref<1x80x128xi32, #tpu.memory_space<hbm>> -> memref<80x128xi32, #tpu.memory_space<hbm>>
      %dma_wait3A_83 = arith.constant 0 : i32
      %dma_wait3A_84 = arith.constant 0 : i32
      %dma_wait3A_85 = tpu.memref_slice %dma_wait3A_82[%dma_wait3A_83, %dma_wait3A_84] : memref<80x128xi32, #tpu.memory_space<hbm>> -> memref<40x128xi32, #tpu.memory_space<hbm>>
      tpu.wait_dma2 semaphore(%run_scoped3A : memref<!tpu.dma_semaphore, #tpu.memory_space<semaphore_mem>>) src(%dma_wait3A_85 : memref<40x128xi32, #tpu.memory_space<hbm>>) dst(%arg6 : memref<40x128xi32, #tpu.memory_space<vmem>>)
      tpu.yield
    }) : () -> ()
    "tpu.region"() ({
      %run_scoped3A = tpu.sem_alloc : memref<!tpu.dma_semaphore, #tpu.memory_space<semaphore_mem>>
      %dma_start3A_59 = arith.constant 0 : i32
      %dma_start3A_60 = arith.constant 0 : i32
      %dma_start3A_61 = tpu.memref_slice %arg3[%add3A, %dma_start3A_59, %dma_start3A_60] : memref<32x80x128xi32, #tpu.memory_space<hbm>> -> memref<1x80x128xi32, #tpu.memory_space<hbm>>
      %dma_start3A_62 = tpu.memref_squeeze %dma_start3A_61 : memref<1x80x128xi32, #tpu.memory_space<hbm>> -> memref<80x128xi32, #tpu.memory_space<hbm>>
      %dma_start3A_63 = arith.constant 0 : i32
      %dma_start3A_64 = arith.constant 0 : i32
      %dma_start3A_65 = tpu.memref_slice %dma_start3A_62[%dma_start3A_63, %dma_start3A_64] : memref<80x128xi32, #tpu.memory_space<hbm>> -> memref<40x128xi32, #tpu.memory_space<hbm>>
      %dma_start3A_66 = arith.constant 0 : i32
      %dma_start3A_67 = arith.constant 0 : i32
      %dma_start3A_68 = tpu.memref_slice %arg3[%add3A, %dma_start3A_66, %dma_start3A_67] : memref<32x80x128xi32, #tpu.memory_space<hbm>> -> memref<1x80x128xi32, #tpu.memory_space<hbm>>
      %dma_start3A_69 = tpu.memref_squeeze %dma_start3A_68 : memref<1x80x128xi32, #tpu.memory_space<hbm>> -> memref<80x128xi32, #tpu.memory_space<hbm>>
      %dma_start3A_70 = arith.constant 0 : i32
      %dma_start3A_71 = arith.constant 0 : i32
      %dma_start3A_72 = tpu.memref_slice %dma_start3A_69[%dma_start3A_70, %dma_start3A_71] : memref<80x128xi32, #tpu.memory_space<hbm>> -> memref<40x128xi32, #tpu.memory_space<hbm>>
      tpu.enqueue_dma source(%dma_start3A_72 : memref<40x128xi32, #tpu.memory_space<hbm>>) target(%arg7 : memref<40x128xi32, #tpu.memory_space<vmem>>) target_semaphore(%run_scoped3A : memref<!tpu.dma_semaphore, #tpu.memory_space<semaphore_mem>>)
      %dma_wait3A = arith.constant 0 : i32
      %dma_wait3A_73 = arith.constant 0 : i32
      %dma_wait3A_74 = tpu.memref_slice %arg3[%add3A, %dma_wait3A, %dma_wait3A_73] : memref<32x80x128xi32, #tpu.memory_space<hbm>> -> memref<1x80x128xi32, #tpu.memory_space<hbm>>
      %dma_wait3A_75 = tpu.memref_squeeze %dma_wait3A_74 : memref<1x80x128xi32, #tpu.memory_space<hbm>> -> memref<80x128xi32, #tpu.memory_space<hbm>>
      %dma_wait3A_76 = arith.constant 0 : i32
      %dma_wait3A_77 = arith.constant 0 : i32
      %dma_wait3A_78 = tpu.memref_slice %dma_wait3A_75[%dma_wait3A_76, %dma_wait3A_77] : memref<80x128xi32, #tpu.memory_space<hbm>> -> memref<40x128xi32, #tpu.memory_space<hbm>>
      %dma_wait3A_79 = arith.constant 0 : i32
      %dma_wait3A_80 = arith.constant 0 : i32
      %dma_wait3A_81 = tpu.memref_slice %arg3[%add3A, %dma_wait3A_79, %dma_wait3A_80] : memref<32x80x128xi32, #tpu.memory_space<hbm>> -> memref<1x80x128xi32, #tpu.memory_space<hbm>>
      %dma_wait3A_82 = tpu.memref_squeeze %dma_wait3A_81 : memref<1x80x128xi32, #tpu.memory_space<hbm>> -> memref<80x128xi32, #tpu.memory_space<hbm>>
      %dma_wait3A_83 = arith.constant 0 : i32
      %dma_wait3A_84 = arith.constant 0 : i32
      %dma_wait3A_85 = tpu.memref_slice %dma_wait3A_82[%dma_wait3A_83, %dma_wait3A_84] : memref<80x128xi32, #tpu.memory_space<hbm>> -> memref<40x128xi32, #tpu.memory_space<hbm>>
      tpu.wait_dma2 semaphore(%run_scoped3A : memref<!tpu.dma_semaphore, #tpu.memory_space<semaphore_mem>>) src(%dma_wait3A_85 : memref<40x128xi32, #tpu.memory_space<hbm>>) dst(%arg7 : memref<40x128xi32, #tpu.memory_space<vmem>>)
      tpu.yield
    }) : () -> ()
    %dma_start3A = arith.constant 0 : i32
    %dma_start3A_9 = arith.constant 0 : i32
    %dma_start3A_10 = tpu.memref_slice %arg6[%dma_start3A, %dma_start3A_9] : memref<40x128xi32, #tpu.memory_space<vmem>> -> memref<1x128xi32, #tpu.memory_space<vmem>>
    %dma_start3A_11 = tpu.memref_squeeze %dma_start3A_10 : memref<1x128xi32, #tpu.memory_space<vmem>> -> memref<128xi32, #tpu.memory_space<vmem>>
    %dma_start3A_12 = arith.constant 0 : i32
    %dma_start3A_13 = arith.constant 0 : i32
    %dma_start3A_14 = tpu.memref_slice %arg4[%dma_start3A_12, %dma_start3A_13] : memref<10000x128xf32, #tpu.memory_space<hbm>> -> memref<10000x128xf32, #tpu.memory_space<hbm>>
    tpu.enqueue_indirect_dma source(%dma_start3A_14 : memref<10000x128xf32, #tpu.memory_space<hbm>>) target(%arg8 : memref<128x128xf32, #tpu.memory_space<vmem>>) offsets(%dma_start3A_11 : memref<128xi32, #tpu.memory_space<vmem>>) semaphore(%arg11 : memref<!tpu.dma_semaphore, #tpu.memory_space<semaphore_mem>>)
    %add3A_15 = arith.constant 0 : i32
    %add3A_16 = arith.addi %mul3A_2, %add3A_15 : i32
    "tpu.region"() ({
      %run_scoped3A = tpu.sem_alloc : memref<!tpu.dma_semaphore, #tpu.memory_space<semaphore_mem>>
      %dma_start3A_59 = arith.constant 0 : i32
      %dma_start3A_60 = tpu.memref_slice %arg10[%add3A_16, %dma_start3A_59] : memref<10112x128xf32, #tpu.memory_space<vmem_shared>> -> memref<128x128xf32, #tpu.memory_space<vmem_shared>>
      %dma_start3A_61 = arith.constant 0 : i32
      %dma_start3A_62 = tpu.memref_slice %arg10[%add3A_16, %dma_start3A_61] : memref<10112x128xf32, #tpu.memory_space<vmem_shared>> -> memref<128x128xf32, #tpu.memory_space<vmem_shared>>
      tpu.enqueue_dma source(%arg9 : memref<128x128xf32, #tpu.memory_space<vmem>>) target(%dma_start3A_62 : memref<128x128xf32, #tpu.memory_space<vmem_shared>>) target_semaphore(%run_scoped3A : memref<!tpu.dma_semaphore, #tpu.memory_space<semaphore_mem>>)
      %dma_wait3A = arith.constant 0 : i32
      %dma_wait3A_63 = tpu.memref_slice %arg10[%add3A_16, %dma_wait3A] : memref<10112x128xf32, #tpu.memory_space<vmem_shared>> -> memref<128x128xf32, #tpu.memory_space<vmem_shared>>
      %dma_wait3A_64 = arith.constant 0 : i32
      %dma_wait3A_65 = tpu.memref_slice %arg10[%add3A_16, %dma_wait3A_64] : memref<10112x128xf32, #tpu.memory_space<vmem_shared>> -> memref<128x128xf32, #tpu.memory_space<vmem_shared>>
      tpu.wait_dma2 semaphore(%run_scoped3A : memref<!tpu.dma_semaphore, #tpu.memory_space<semaphore_mem>>) src(%arg9 : memref<128x128xf32, #tpu.memory_space<vmem>>) dst(%dma_wait3A_65 : memref<128x128xf32, #tpu.memory_space<vmem_shared>>)
      tpu.yield
    }) : () -> ()
    %add3A_17 = arith.constant 128 : i32
    %add3A_18 = arith.addi %mul3A_2, %add3A_17 : i32
    "tpu.region"() ({
      %run_scoped3A = tpu.sem_alloc : memref<!tpu.dma_semaphore, #tpu.memory_space<semaphore_mem>>
      %dma_start3A_59 = arith.constant 0 : i32
      %dma_start3A_60 = tpu.memref_slice %arg10[%add3A_18, %dma_start3A_59] : memref<10112x128xf32, #tpu.memory_space<vmem_shared>> -> memref<128x128xf32, #tpu.memory_space<vmem_shared>>
      %dma_start3A_61 = arith.constant 0 : i32
      %dma_start3A_62 = tpu.memref_slice %arg10[%add3A_18, %dma_start3A_61] : memref<10112x128xf32, #tpu.memory_space<vmem_shared>> -> memref<128x128xf32, #tpu.memory_space<vmem_shared>>
      tpu.enqueue_dma source(%arg9 : memref<128x128xf32, #tpu.memory_space<vmem>>) target(%dma_start3A_62 : memref<128x128xf32, #tpu.memory_space<vmem_shared>>) target_semaphore(%run_scoped3A : memref<!tpu.dma_semaphore, #tpu.memory_space<semaphore_mem>>)
      %dma_wait3A = arith.constant 0 : i32
      %dma_wait3A_63 = tpu.memref_slice %arg10[%add3A_18, %dma_wait3A] : memref<10112x128xf32, #tpu.memory_space<vmem_shared>> -> memref<128x128xf32, #tpu.memory_space<vmem_shared>>
      %dma_wait3A_64 = arith.constant 0 : i32
      %dma_wait3A_65 = tpu.memref_slice %arg10[%add3A_18, %dma_wait3A_64] : memref<10112x128xf32, #tpu.memory_space<vmem_shared>> -> memref<128x128xf32, #tpu.memory_space<vmem_shared>>
      tpu.wait_dma2 semaphore(%run_scoped3A : memref<!tpu.dma_semaphore, #tpu.memory_space<semaphore_mem>>) src(%arg9 : memref<128x128xf32, #tpu.memory_space<vmem>>) dst(%dma_wait3A_65 : memref<128x128xf32, #tpu.memory_space<vmem_shared>>)
      tpu.yield
    }) : () -> ()
    %add3A_19 = arith.constant 256 : i32
    %add3A_20 = arith.addi %mul3A_2, %add3A_19 : i32
    "tpu.region"() ({
      %run_scoped3A = tpu.sem_alloc : memref<!tpu.dma_semaphore, #tpu.memory_space<semaphore_mem>>
      %dma_start3A_59 = arith.constant 0 : i32
      %dma_start3A_60 = tpu.memref_slice %arg10[%add3A_20, %dma_start3A_59] : memref<10112x128xf32, #tpu.memory_space<vmem_shared>> -> memref<128x128xf32, #tpu.memory_space<vmem_shared>>
      %dma_start3A_61 = arith.constant 0 : i32
      %dma_start3A_62 = tpu.memref_slice %arg10[%add3A_20, %dma_start3A_61] : memref<10112x128xf32, #tpu.memory_space<vmem_shared>> -> memref<128x128xf32, #tpu.memory_space<vmem_shared>>
      tpu.enqueue_dma source(%arg9 : memref<128x128xf32, #tpu.memory_space<vmem>>) target(%dma_start3A_62 : memref<128x128xf32, #tpu.memory_space<vmem_shared>>) target_semaphore(%run_scoped3A : memref<!tpu.dma_semaphore, #tpu.memory_space<semaphore_mem>>)
      %dma_wait3A = arith.constant 0 : i32
      %dma_wait3A_63 = tpu.memref_slice %arg10[%add3A_20, %dma_wait3A] : memref<10112x128xf32, #tpu.memory_space<vmem_shared>> -> memref<128x128xf32, #tpu.memory_space<vmem_shared>>
      %dma_wait3A_64 = arith.constant 0 : i32
      %dma_wait3A_65 = tpu.memref_slice %arg10[%add3A_20, %dma_wait3A_64] : memref<10112x128xf32, #tpu.memory_space<vmem_shared>> -> memref<128x128xf32, #tpu.memory_space<vmem_shared>>
      tpu.wait_dma2 semaphore(%run_scoped3A : memref<!tpu.dma_semaphore, #tpu.memory_space<semaphore_mem>>) src(%arg9 : memref<128x128xf32, #tpu.memory_space<vmem>>) dst(%dma_wait3A_65 : memref<128x128xf32, #tpu.memory_space<vmem_shared>>)
      tpu.yield
    }) : () -> ()
    %add3A_21 = arith.constant 384 : i32
    %add3A_22 = arith.addi %mul3A_2, %add3A_21 : i32
    "tpu.region"() ({
      %run_scoped3A = tpu.sem_alloc : memref<!tpu.dma_semaphore, #tpu.memory_space<semaphore_mem>>
      %dma_start3A_59 = arith.constant 0 : i32
      %dma_start3A_60 = tpu.memref_slice %arg10[%add3A_22, %dma_start3A_59] : memref<10112x128xf32, #tpu.memory_space<vmem_shared>> -> memref<128x128xf32, #tpu.memory_space<vmem_shared>>
      %dma_start3A_61 = arith.constant 0 : i32
      %dma_start3A_62 = tpu.memref_slice %arg10[%add3A_22, %dma_start3A_61] : memref<10112x128xf32, #tpu.memory_space<vmem_shared>> -> memref<128x128xf32, #tpu.memory_space<vmem_shared>>
      tpu.enqueue_dma source(%arg9 : memref<128x128xf32, #tpu.memory_space<vmem>>) target(%dma_start3A_62 : memref<128x128xf32, #tpu.memory_space<vmem_shared>>) target_semaphore(%run_scoped3A : memref<!tpu.dma_semaphore, #tpu.memory_space<semaphore_mem>>)
      %dma_wait3A = arith.constant 0 : i32
      %dma_wait3A_63 = tpu.memref_slice %arg10[%add3A_22, %dma_wait3A] : memref<10112x128xf32, #tpu.memory_space<vmem_shared>> -> memref<128x128xf32, #tpu.memory_space<vmem_shared>>
      %dma_wait3A_64 = arith.constant 0 : i32
      %dma_wait3A_65 = tpu.memref_slice %arg10[%add3A_22, %dma_wait3A_64] : memref<10112x128xf32, #tpu.memory_space<vmem_shared>> -> memref<128x128xf32, #tpu.memory_space<vmem_shared>>
      tpu.wait_dma2 semaphore(%run_scoped3A : memref<!tpu.dma_semaphore, #tpu.memory_space<semaphore_mem>>) src(%arg9 : memref<128x128xf32, #tpu.memory_space<vmem>>) dst(%dma_wait3A_65 : memref<128x128xf32, #tpu.memory_space<vmem_shared>>)
      tpu.yield
    }) : () -> ()
    %add3A_23 = arith.constant 512 : i32
    %add3A_24 = arith.addi %mul3A_2, %add3A_23 : i32
    "tpu.region"() ({
      %run_scoped3A = tpu.sem_alloc : memref<!tpu.dma_semaphore, #tpu.memory_space<semaphore_mem>>
      %dma_start3A_59 = arith.constant 0 : i32
      %dma_start3A_60 = arith.constant 0 : i32
      %dma_start3A_61 = tpu.memref_slice %arg9[%dma_start3A_59, %dma_start3A_60] : memref<128x128xf32, #tpu.memory_space<vmem>> -> memref<120x128xf32, #tpu.memory_space<vmem>>
      %dma_start3A_62 = arith.constant 0 : i32
      %dma_start3A_63 = tpu.memref_slice %arg10[%add3A_24, %dma_start3A_62] : memref<10112x128xf32, #tpu.memory_space<vmem_shared>> -> memref<120x128xf32, #tpu.memory_space<vmem_shared>>
      %dma_start3A_64 = arith.constant 0 : i32
      %dma_start3A_65 = tpu.memref_slice %arg10[%add3A_24, %dma_start3A_64] : memref<10112x128xf32, #tpu.memory_space<vmem_shared>> -> memref<120x128xf32, #tpu.memory_space<vmem_shared>>
      %dma_start3A_66 = arith.constant 0 : i32
      %dma_start3A_67 = arith.constant 0 : i32
      %dma_start3A_68 = tpu.memref_slice %arg9[%dma_start3A_66, %dma_start3A_67] : memref<128x128xf32, #tpu.memory_space<vmem>> -> memref<120x128xf32, #tpu.memory_space<vmem>>
      tpu.enqueue_dma source(%dma_start3A_68 : memref<120x128xf32, #tpu.memory_space<vmem>>) target(%dma_start3A_65 : memref<120x128xf32, #tpu.memory_space<vmem_shared>>) target_semaphore(%run_scoped3A : memref<!tpu.dma_semaphore, #tpu.memory_space<semaphore_mem>>)
      %dma_wait3A = arith.constant 0 : i32
      %dma_wait3A_69 = arith.constant 0 : i32
      %dma_wait3A_70 = tpu.memref_slice %arg9[%dma_wait3A, %dma_wait3A_69] : memref<128x128xf32, #tpu.memory_space<vmem>> -> memref<120x128xf32, #tpu.memory_space<vmem>>
      %dma_wait3A_71 = arith.constant 0 : i32
      %dma_wait3A_72 = tpu.memref_slice %arg10[%add3A_24, %dma_wait3A_71] : memref<10112x128xf32, #tpu.memory_space<vmem_shared>> -> memref<120x128xf32, #tpu.memory_space<vmem_shared>>
      %dma_wait3A_73 = arith.constant 0 : i32
      %dma_wait3A_74 = tpu.memref_slice %arg10[%add3A_24, %dma_wait3A_73] : memref<10112x128xf32, #tpu.memory_space<vmem_shared>> -> memref<120x128xf32, #tpu.memory_space<vmem_shared>>
      %dma_wait3A_75 = arith.constant 0 : i32
      %dma_wait3A_76 = arith.constant 0 : i32
      %dma_wait3A_77 = tpu.memref_slice %arg9[%dma_wait3A_75, %dma_wait3A_76] : memref<128x128xf32, #tpu.memory_space<vmem>> -> memref<120x128xf32, #tpu.memory_space<vmem>>
      tpu.wait_dma2 semaphore(%run_scoped3A : memref<!tpu.dma_semaphore, #tpu.memory_space<semaphore_mem>>) src(%dma_wait3A_77 : memref<120x128xf32, #tpu.memory_space<vmem>>) dst(%dma_wait3A_74 : memref<120x128xf32, #tpu.memory_space<vmem_shared>>)
      tpu.yield
    }) : () -> ()
    %dma_start3A_25 = arith.constant 1 : i32
    %dma_start3A_26 = arith.constant 0 : i32
    %dma_start3A_27 = tpu.memref_slice %arg6[%dma_start3A_25, %dma_start3A_26] : memref<40x128xi32, #tpu.memory_space<vmem>> -> memref<1x128xi32, #tpu.memory_space<vmem>>
    %dma_start3A_28 = tpu.memref_squeeze %dma_start3A_27 : memref<1x128xi32, #tpu.memory_space<vmem>> -> memref<128xi32, #tpu.memory_space<vmem>>
    %dma_start3A_29 = arith.constant 0 : i32
    %dma_start3A_30 = arith.constant 0 : i32
    %dma_start3A_31 = tpu.memref_slice %arg4[%dma_start3A_29, %dma_start3A_30] : memref<10000x128xf32, #tpu.memory_space<hbm>> -> memref<10000x128xf32, #tpu.memory_space<hbm>>
    tpu.enqueue_indirect_dma source(%dma_start3A_31 : memref<10000x128xf32, #tpu.memory_space<hbm>>) target(%arg9 : memref<128x128xf32, #tpu.memory_space<vmem>>) offsets(%dma_start3A_28 : memref<128xi32, #tpu.memory_space<vmem>>) semaphore(%arg12 : memref<!tpu.dma_semaphore, #tpu.memory_space<semaphore_mem>>)
    %barrier3A = arith.constant 0 : index
    tpu.barrier barrier_id(%barrier3A)
    %scan3A_32 = arith.constant 0 : i32
    %scan3A_33 = arith.constant 0 : i32
    %scan3A_34 = arith.constant 20 : i32
    %scan3A_35 = arith.addi %scan3A_33, %scan3A_34 : i32
    %scan3A_36 = arith.constant 1 : i32
    scf.for %scan3A_59 = %scan3A_33 to %scan3A_35 step %scan3A_36  : i32 {
      %mul3A_60 = arith.constant 2 : i32
      %mul3A_61 = arith.muli %mul3A_60, %scan3A_59 : i32
      %dma_wait3A = arith.constant 0 : i32
      %dma_wait3A_62 = tpu.memref_slice %arg6[%mul3A_61, %dma_wait3A] : memref<40x128xi32, #tpu.memory_space<vmem>> -> memref<1x128xi32, #tpu.memory_space<vmem>>
      %dma_wait3A_63 = tpu.memref_squeeze %dma_wait3A_62 : memref<1x128xi32, #tpu.memory_space<vmem>> -> memref<128xi32, #tpu.memory_space<vmem>>
      %dma_wait3A_64 = arith.constant 0 : i32
      %dma_wait3A_65 = arith.constant 0 : i32
      %dma_wait3A_66 = tpu.memref_slice %arg4[%dma_wait3A_64, %dma_wait3A_65] : memref<10000x128xf32, #tpu.memory_space<hbm>> -> memref<10000x128xf32, #tpu.memory_space<hbm>>
      tpu.wait_indirect_dma semaphore(%arg11 : memref<!tpu.dma_semaphore, #tpu.memory_space<semaphore_mem>>) src(%dma_wait3A_66 : memref<10000x128xf32, #tpu.memory_space<hbm>>) dst(%arg8 : memref<128x128xf32, #tpu.memory_space<vmem>>)
      "tpu.region"() ({
        %run_scoped3A = tpu.sem_alloc : memref<!tpu.dma_semaphore, #tpu.memory_space<semaphore_mem>>
        %dma_start3A_88 = arith.constant 0 : i32
        %dma_start3A_89 = tpu.memref_slice %arg7[%mul3A_61, %dma_start3A_88] : memref<40x128xi32, #tpu.memory_space<vmem>> -> memref<1x128xi32, #tpu.memory_space<vmem>>
        %dma_start3A_90 = tpu.memref_squeeze %dma_start3A_89 : memref<1x128xi32, #tpu.memory_space<vmem>> -> memref<128xi32, #tpu.memory_space<vmem>>
        %dma_start3A_91 = arith.constant 0 : i32
        %dma_start3A_92 = arith.constant 0 : i32
        %dma_start3A_93 = tpu.memref_slice %arg10[%dma_start3A_91, %dma_start3A_92] : memref<10112x128xf32, #tpu.memory_space<vmem_shared>> -> memref<10112x128xf32, #tpu.memory_space<vmem_shared>>
        tpu.enqueue_indirect_dma source(%arg8 : memref<128x128xf32, #tpu.memory_space<vmem>>) target(%dma_start3A_93 : memref<10112x128xf32, #tpu.memory_space<vmem_shared>>) offsets(%dma_start3A_90 : memref<128xi32, #tpu.memory_space<vmem>>) semaphore(%run_scoped3A : memref<!tpu.dma_semaphore, #tpu.memory_space<semaphore_mem>>) {add = true}
        %dma_wait3A_94 = arith.constant 0 : i32
        %dma_wait3A_95 = tpu.memref_slice %arg7[%mul3A_61, %dma_wait3A_94] : memref<40x128xi32, #tpu.memory_space<vmem>> -> memref<1x128xi32, #tpu.memory_space<vmem>>
        %dma_wait3A_96 = tpu.memref_squeeze %dma_wait3A_95 : memref<1x128xi32, #tpu.memory_space<vmem>> -> memref<128xi32, #tpu.memory_space<vmem>>
        %dma_wait3A_97 = arith.constant 0 : i32
        %dma_wait3A_98 = arith.constant 0 : i32
        %dma_wait3A_99 = tpu.memref_slice %arg10[%dma_wait3A_97, %dma_wait3A_98] : memref<10112x128xf32, #tpu.memory_space<vmem_shared>> -> memref<10112x128xf32, #tpu.memory_space<vmem_shared>>
        tpu.wait_indirect_dma semaphore(%run_scoped3A : memref<!tpu.dma_semaphore, #tpu.memory_space<semaphore_mem>>) src(%arg8 : memref<128x128xf32, #tpu.memory_space<vmem>>) dst(%dma_wait3A_99 : memref<10112x128xf32, #tpu.memory_space<vmem_shared>>)
        tpu.yield
      }) : () -> ()
      %add3A_67 = arith.constant 2 : i32
      %add3A_68 = arith.addi %mul3A_61, %add3A_67 : i32
      %lt3A = arith.constant 40 : i32
      %lt3A_69 = arith.cmpi slt, %add3A_68, %lt3A : i32
      %convert_element_type3A = arith.extui %lt3A_69 : i1 to i32
      %cond3A = arith.constant 0 : i32
      %cond3A_70 = arith.cmpi ne, %convert_element_type3A, %cond3A : i32
      scf.if %cond3A_70 {
        %add3A_88 = arith.constant 2 : i32
        %add3A_89 = arith.addi %mul3A_61, %add3A_88 : i32
        %dma_start3A_90 = arith.constant 0 : i32
        %dma_start3A_91 = tpu.memref_slice %arg6[%add3A_89, %dma_start3A_90] : memref<40x128xi32, #tpu.memory_space<vmem>> -> memref<1x128xi32, #tpu.memory_space<vmem>>
        %dma_start3A_92 = tpu.memref_squeeze %dma_start3A_91 : memref<1x128xi32, #tpu.memory_space<vmem>> -> memref<128xi32, #tpu.memory_space<vmem>>
        %dma_start3A_93 = arith.constant 0 : i32
        %dma_start3A_94 = arith.constant 0 : i32
        %dma_start3A_95 = tpu.memref_slice %arg4[%dma_start3A_93, %dma_start3A_94] : memref<10000x128xf32, #tpu.memory_space<hbm>> -> memref<10000x128xf32, #tpu.memory_space<hbm>>
        tpu.enqueue_indirect_dma source(%dma_start3A_95 : memref<10000x128xf32, #tpu.memory_space<hbm>>) target(%arg8 : memref<128x128xf32, #tpu.memory_space<vmem>>) offsets(%dma_start3A_92 : memref<128xi32, #tpu.memory_space<vmem>>) semaphore(%arg11 : memref<!tpu.dma_semaphore, #tpu.memory_space<semaphore_mem>>)
      } else {
      }
      %add3A_71 = arith.constant 1 : i32
      %add3A_72 = arith.addi %mul3A_61, %add3A_71 : i32
      %dma_wait3A_73 = arith.constant 0 : i32
      %dma_wait3A_74 = tpu.memref_slice %arg6[%add3A_72, %dma_wait3A_73] : memref<40x128xi32, #tpu.memory_space<vmem>> -> memref<1x128xi32, #tpu.memory_space<vmem>>
      %dma_wait3A_75 = tpu.memref_squeeze %dma_wait3A_74 : memref<1x128xi32, #tpu.memory_space<vmem>> -> memref<128xi32, #tpu.memory_space<vmem>>
      %dma_wait3A_76 = arith.constant 0 : i32
      %dma_wait3A_77 = arith.constant 0 : i32
      %dma_wait3A_78 = tpu.memref_slice %arg4[%dma_wait3A_76, %dma_wait3A_77] : memref<10000x128xf32, #tpu.memory_space<hbm>> -> memref<10000x128xf32, #tpu.memory_space<hbm>>
      tpu.wait_indirect_dma semaphore(%arg12 : memref<!tpu.dma_semaphore, #tpu.memory_space<semaphore_mem>>) src(%dma_wait3A_78 : memref<10000x128xf32, #tpu.memory_space<hbm>>) dst(%arg9 : memref<128x128xf32, #tpu.memory_space<vmem>>)
      %add3A_79 = arith.constant 1 : i32
      %add3A_80 = arith.addi %mul3A_61, %add3A_79 : i32
      "tpu.region"() ({
        %run_scoped3A = tpu.sem_alloc : memref<!tpu.dma_semaphore, #tpu.memory_space<semaphore_mem>>
        %dma_start3A_88 = arith.constant 0 : i32
        %dma_start3A_89 = tpu.memref_slice %arg7[%add3A_80, %dma_start3A_88] : memref<40x128xi32, #tpu.memory_space<vmem>> -> memref<1x128xi32, #tpu.memory_space<vmem>>
        %dma_start3A_90 = tpu.memref_squeeze %dma_start3A_89 : memref<1x128xi32, #tpu.memory_space<vmem>> -> memref<128xi32, #tpu.memory_space<vmem>>
        %dma_start3A_91 = arith.constant 0 : i32
        %dma_start3A_92 = arith.constant 0 : i32
        %dma_start3A_93 = tpu.memref_slice %arg10[%dma_start3A_91, %dma_start3A_92] : memref<10112x128xf32, #tpu.memory_space<vmem_shared>> -> memref<10112x128xf32, #tpu.memory_space<vmem_shared>>
        tpu.enqueue_indirect_dma source(%arg9 : memref<128x128xf32, #tpu.memory_space<vmem>>) target(%dma_start3A_93 : memref<10112x128xf32, #tpu.memory_space<vmem_shared>>) offsets(%dma_start3A_90 : memref<128xi32, #tpu.memory_space<vmem>>) semaphore(%run_scoped3A : memref<!tpu.dma_semaphore, #tpu.memory_space<semaphore_mem>>) {add = true}
        %dma_wait3A_94 = arith.constant 0 : i32
        %dma_wait3A_95 = tpu.memref_slice %arg7[%add3A_80, %dma_wait3A_94] : memref<40x128xi32, #tpu.memory_space<vmem>> -> memref<1x128xi32, #tpu.memory_space<vmem>>
        %dma_wait3A_96 = tpu.memref_squeeze %dma_wait3A_95 : memref<1x128xi32, #tpu.memory_space<vmem>> -> memref<128xi32, #tpu.memory_space<vmem>>
        %dma_wait3A_97 = arith.constant 0 : i32
        %dma_wait3A_98 = arith.constant 0 : i32
        %dma_wait3A_99 = tpu.memref_slice %arg10[%dma_wait3A_97, %dma_wait3A_98] : memref<10112x128xf32, #tpu.memory_space<vmem_shared>> -> memref<10112x128xf32, #tpu.memory_space<vmem_shared>>
        tpu.wait_indirect_dma semaphore(%run_scoped3A : memref<!tpu.dma_semaphore, #tpu.memory_space<semaphore_mem>>) src(%arg9 : memref<128x128xf32, #tpu.memory_space<vmem>>) dst(%dma_wait3A_99 : memref<10112x128xf32, #tpu.memory_space<vmem_shared>>)
        tpu.yield
      }) : () -> ()
      %add3A_81 = arith.constant 3 : i32
      %add3A_82 = arith.addi %mul3A_61, %add3A_81 : i32
      %lt3A_83 = arith.constant 40 : i32
      %lt3A_84 = arith.cmpi slt, %add3A_82, %lt3A_83 : i32
      %convert_element_type3A_85 = arith.extui %lt3A_84 : i1 to i32
      %cond3A_86 = arith.constant 0 : i32
      %cond3A_87 = arith.cmpi ne, %convert_element_type3A_85, %cond3A_86 : i32
      scf.if %cond3A_87 {
        %add3A_88 = arith.constant 3 : i32
        %add3A_89 = arith.addi %mul3A_61, %add3A_88 : i32
        %dma_start3A_90 = arith.constant 0 : i32
        %dma_start3A_91 = tpu.memref_slice %arg6[%add3A_89, %dma_start3A_90] : memref<40x128xi32, #tpu.memory_space<vmem>> -> memref<1x128xi32, #tpu.memory_space<vmem>>
        %dma_start3A_92 = tpu.memref_squeeze %dma_start3A_91 : memref<1x128xi32, #tpu.memory_space<vmem>> -> memref<128xi32, #tpu.memory_space<vmem>>
        %dma_start3A_93 = arith.constant 0 : i32
        %dma_start3A_94 = arith.constant 0 : i32
        %dma_start3A_95 = tpu.memref_slice %arg4[%dma_start3A_93, %dma_start3A_94] : memref<10000x128xf32, #tpu.memory_space<hbm>> -> memref<10000x128xf32, #tpu.memory_space<hbm>>
        tpu.enqueue_indirect_dma source(%dma_start3A_95 : memref<10000x128xf32, #tpu.memory_space<hbm>>) target(%arg9 : memref<128x128xf32, #tpu.memory_space<vmem>>) offsets(%dma_start3A_92 : memref<128xi32, #tpu.memory_space<vmem>>) semaphore(%arg12 : memref<!tpu.dma_semaphore, #tpu.memory_space<semaphore_mem>>)
      } else {
      }
    }
    %scan3A_37 = arith.constant 20 : i32
    "tpu.region"() ({
      %run_scoped3A = tpu.sem_alloc : memref<!tpu.dma_semaphore, #tpu.memory_space<semaphore_mem>>
      %dma_start3A_59 = arith.constant 0 : i32
      %dma_start3A_60 = arith.constant 0 : i32
      %dma_start3A_61 = tpu.memref_slice %arg2[%add3A, %dma_start3A_59, %dma_start3A_60] : memref<32x80x128xi32, #tpu.memory_space<hbm>> -> memref<1x80x128xi32, #tpu.memory_space<hbm>>
      %dma_start3A_62 = tpu.memref_squeeze %dma_start3A_61 : memref<1x80x128xi32, #tpu.memory_space<hbm>> -> memref<80x128xi32, #tpu.memory_space<hbm>>
      %dma_start3A_63 = arith.constant 40 : i32
      %dma_start3A_64 = arith.constant 0 : i32
      %dma_start3A_65 = tpu.memref_slice %dma_start3A_62[%dma_start3A_63, %dma_start3A_64] : memref<80x128xi32, #tpu.memory_space<hbm>> -> memref<40x128xi32, #tpu.memory_space<hbm>>
      %dma_start3A_66 = arith.constant 0 : i32
      %dma_start3A_67 = arith.constant 0 : i32
      %dma_start3A_68 = tpu.memref_slice %arg2[%add3A, %dma_start3A_66, %dma_start3A_67] : memref<32x80x128xi32, #tpu.memory_space<hbm>> -> memref<1x80x128xi32, #tpu.memory_space<hbm>>
      %dma_start3A_69 = tpu.memref_squeeze %dma_start3A_68 : memref<1x80x128xi32, #tpu.memory_space<hbm>> -> memref<80x128xi32, #tpu.memory_space<hbm>>
      %dma_start3A_70 = arith.constant 40 : i32
      %dma_start3A_71 = arith.constant 0 : i32
      %dma_start3A_72 = tpu.memref_slice %dma_start3A_69[%dma_start3A_70, %dma_start3A_71] : memref<80x128xi32, #tpu.memory_space<hbm>> -> memref<40x128xi32, #tpu.memory_space<hbm>>
      tpu.enqueue_dma source(%dma_start3A_72 : memref<40x128xi32, #tpu.memory_space<hbm>>) target(%arg6 : memref<40x128xi32, #tpu.memory_space<vmem>>) target_semaphore(%run_scoped3A : memref<!tpu.dma_semaphore, #tpu.memory_space<semaphore_mem>>)
      %dma_wait3A = arith.constant 0 : i32
      %dma_wait3A_73 = arith.constant 0 : i32
      %dma_wait3A_74 = tpu.memref_slice %arg2[%add3A, %dma_wait3A, %dma_wait3A_73] : memref<32x80x128xi32, #tpu.memory_space<hbm>> -> memref<1x80x128xi32, #tpu.memory_space<hbm>>
      %dma_wait3A_75 = tpu.memref_squeeze %dma_wait3A_74 : memref<1x80x128xi32, #tpu.memory_space<hbm>> -> memref<80x128xi32, #tpu.memory_space<hbm>>
      %dma_wait3A_76 = arith.constant 40 : i32
      %dma_wait3A_77 = arith.constant 0 : i32
      %dma_wait3A_78 = tpu.memref_slice %dma_wait3A_75[%dma_wait3A_76, %dma_wait3A_77] : memref<80x128xi32, #tpu.memory_space<hbm>> -> memref<40x128xi32, #tpu.memory_space<hbm>>
      %dma_wait3A_79 = arith.constant 0 : i32
      %dma_wait3A_80 = arith.constant 0 : i32
      %dma_wait3A_81 = tpu.memref_slice %arg2[%add3A, %dma_wait3A_79, %dma_wait3A_80] : memref<32x80x128xi32, #tpu.memory_space<hbm>> -> memref<1x80x128xi32, #tpu.memory_space<hbm>>
      %dma_wait3A_82 = tpu.memref_squeeze %dma_wait3A_81 : memref<1x80x128xi32, #tpu.memory_space<hbm>> -> memref<80x128xi32, #tpu.memory_space<hbm>>
      %dma_wait3A_83 = arith.constant 40 : i32
      %dma_wait3A_84 = arith.constant 0 : i32
      %dma_wait3A_85 = tpu.memref_slice %dma_wait3A_82[%dma_wait3A_83, %dma_wait3A_84] : memref<80x128xi32, #tpu.memory_space<hbm>> -> memref<40x128xi32, #tpu.memory_space<hbm>>
      tpu.wait_dma2 semaphore(%run_scoped3A : memref<!tpu.dma_semaphore, #tpu.memory_space<semaphore_mem>>) src(%dma_wait3A_85 : memref<40x128xi32, #tpu.memory_space<hbm>>) dst(%arg6 : memref<40x128xi32, #tpu.memory_space<vmem>>)
      tpu.yield
    }) : () -> ()
    "tpu.region"() ({
      %run_scoped3A = tpu.sem_alloc : memref<!tpu.dma_semaphore, #tpu.memory_space<semaphore_mem>>
      %dma_start3A_59 = arith.constant 0 : i32
      %dma_start3A_60 = arith.constant 0 : i32
      %dma_start3A_61 = tpu.memref_slice %arg3[%add3A, %dma_start3A_59, %dma_start3A_60] : memref<32x80x128xi32, #tpu.memory_space<hbm>> -> memref<1x80x128xi32, #tpu.memory_space<hbm>>
      %dma_start3A_62 = tpu.memref_squeeze %dma_start3A_61 : memref<1x80x128xi32, #tpu.memory_space<hbm>> -> memref<80x128xi32, #tpu.memory_space<hbm>>
      %dma_start3A_63 = arith.constant 40 : i32
      %dma_start3A_64 = arith.constant 0 : i32
      %dma_start3A_65 = tpu.memref_slice %dma_start3A_62[%dma_start3A_63, %dma_start3A_64] : memref<80x128xi32, #tpu.memory_space<hbm>> -> memref<40x128xi32, #tpu.memory_space<hbm>>
      %dma_start3A_66 = arith.constant 0 : i32
      %dma_start3A_67 = arith.constant 0 : i32
      %dma_start3A_68 = tpu.memref_slice %arg3[%add3A, %dma_start3A_66, %dma_start3A_67] : memref<32x80x128xi32, #tpu.memory_space<hbm>> -> memref<1x80x128xi32, #tpu.memory_space<hbm>>
      %dma_start3A_69 = tpu.memref_squeeze %dma_start3A_68 : memref<1x80x128xi32, #tpu.memory_space<hbm>> -> memref<80x128xi32, #tpu.memory_space<hbm>>
      %dma_start3A_70 = arith.constant 40 : i32
      %dma_start3A_71 = arith.constant 0 : i32
      %dma_start3A_72 = tpu.memref_slice %dma_start3A_69[%dma_start3A_70, %dma_start3A_71] : memref<80x128xi32, #tpu.memory_space<hbm>> -> memref<40x128xi32, #tpu.memory_space<hbm>>
      tpu.enqueue_dma source(%dma_start3A_72 : memref<40x128xi32, #tpu.memory_space<hbm>>) target(%arg7 : memref<40x128xi32, #tpu.memory_space<vmem>>) target_semaphore(%run_scoped3A : memref<!tpu.dma_semaphore, #tpu.memory_space<semaphore_mem>>)
      %dma_wait3A = arith.constant 0 : i32
      %dma_wait3A_73 = arith.constant 0 : i32
      %dma_wait3A_74 = tpu.memref_slice %arg3[%add3A, %dma_wait3A, %dma_wait3A_73] : memref<32x80x128xi32, #tpu.memory_space<hbm>> -> memref<1x80x128xi32, #tpu.memory_space<hbm>>
      %dma_wait3A_75 = tpu.memref_squeeze %dma_wait3A_74 : memref<1x80x128xi32, #tpu.memory_space<hbm>> -> memref<80x128xi32, #tpu.memory_space<hbm>>
      %dma_wait3A_76 = arith.constant 40 : i32
      %dma_wait3A_77 = arith.constant 0 : i32
      %dma_wait3A_78 = tpu.memref_slice %dma_wait3A_75[%dma_wait3A_76, %dma_wait3A_77] : memref<80x128xi32, #tpu.memory_space<hbm>> -> memref<40x128xi32, #tpu.memory_space<hbm>>
      %dma_wait3A_79 = arith.constant 0 : i32
      %dma_wait3A_80 = arith.constant 0 : i32
      %dma_wait3A_81 = tpu.memref_slice %arg3[%add3A, %dma_wait3A_79, %dma_wait3A_80] : memref<32x80x128xi32, #tpu.memory_space<hbm>> -> memref<1x80x128xi32, #tpu.memory_space<hbm>>
      %dma_wait3A_82 = tpu.memref_squeeze %dma_wait3A_81 : memref<1x80x128xi32, #tpu.memory_space<hbm>> -> memref<80x128xi32, #tpu.memory_space<hbm>>
      %dma_wait3A_83 = arith.constant 40 : i32
      %dma_wait3A_84 = arith.constant 0 : i32
      %dma_wait3A_85 = tpu.memref_slice %dma_wait3A_82[%dma_wait3A_83, %dma_wait3A_84] : memref<80x128xi32, #tpu.memory_space<hbm>> -> memref<40x128xi32, #tpu.memory_space<hbm>>
      tpu.wait_dma2 semaphore(%run_scoped3A : memref<!tpu.dma_semaphore, #tpu.memory_space<semaphore_mem>>) src(%dma_wait3A_85 : memref<40x128xi32, #tpu.memory_space<hbm>>) dst(%arg7 : memref<40x128xi32, #tpu.memory_space<vmem>>)
      tpu.yield
    }) : () -> ()
    %dma_start3A_38 = arith.constant 0 : i32
    %dma_start3A_39 = arith.constant 0 : i32
    %dma_start3A_40 = tpu.memref_slice %arg6[%dma_start3A_38, %dma_start3A_39] : memref<40x128xi32, #tpu.memory_space<vmem>> -> memref<1x128xi32, #tpu.memory_space<vmem>>
    %dma_start3A_41 = tpu.memref_squeeze %dma_start3A_40 : memref<1x128xi32, #tpu.memory_space<vmem>> -> memref<128xi32, #tpu.memory_space<vmem>>
    %dma_start3A_42 = arith.constant 0 : i32
    %dma_start3A_43 = arith.constant 0 : i32
    %dma_start3A_44 = tpu.memref_slice %arg4[%dma_start3A_42, %dma_start3A_43] : memref<10000x128xf32, #tpu.memory_space<hbm>> -> memref<10000x128xf32, #tpu.memory_space<hbm>>
    tpu.enqueue_indirect_dma source(%dma_start3A_44 : memref<10000x128xf32, #tpu.memory_space<hbm>>) target(%arg8 : memref<128x128xf32, #tpu.memory_space<vmem>>) offsets(%dma_start3A_41 : memref<128xi32, #tpu.memory_space<vmem>>) semaphore(%arg11 : memref<!tpu.dma_semaphore, #tpu.memory_space<semaphore_mem>>)
    %dma_start3A_45 = arith.constant 1 : i32
    %dma_start3A_46 = arith.constant 0 : i32
    %dma_start3A_47 = tpu.memref_slice %arg6[%dma_start3A_45, %dma_start3A_46] : memref<40x128xi32, #tpu.memory_space<vmem>> -> memref<1x128xi32, #tpu.memory_space<vmem>>
    %dma_start3A_48 = tpu.memref_squeeze %dma_start3A_47 : memref<1x128xi32, #tpu.memory_space<vmem>> -> memref<128xi32, #tpu.memory_space<vmem>>
    %dma_start3A_49 = arith.constant 0 : i32
    %dma_start3A_50 = arith.constant 0 : i32
    %dma_start3A_51 = tpu.memref_slice %arg4[%dma_start3A_49, %dma_start3A_50] : memref<10000x128xf32, #tpu.memory_space<hbm>> -> memref<10000x128xf32, #tpu.memory_space<hbm>>
    tpu.enqueue_indirect_dma source(%dma_start3A_51 : memref<10000x128xf32, #tpu.memory_space<hbm>>) target(%arg9 : memref<128x128xf32, #tpu.memory_space<vmem>>) offsets(%dma_start3A_48 : memref<128xi32, #tpu.memory_space<vmem>>) semaphore(%arg12 : memref<!tpu.dma_semaphore, #tpu.memory_space<semaphore_mem>>)
    %scan3A_52 = arith.constant 0 : i32
    %scan3A_53 = arith.constant 0 : i32
    %scan3A_54 = arith.constant 20 : i32
    %scan3A_55 = arith.addi %scan3A_53, %scan3A_54 : i32
    %scan3A_56 = arith.constant 1 : i32
    scf.for %scan3A_59 = %scan3A_53 to %scan3A_55 step %scan3A_56  : i32 {
      %mul3A_60 = arith.constant 2 : i32
      %mul3A_61 = arith.muli %mul3A_60, %scan3A_59 : i32
      %dma_wait3A = arith.constant 0 : i32
      %dma_wait3A_62 = tpu.memref_slice %arg6[%mul3A_61, %dma_wait3A] : memref<40x128xi32, #tpu.memory_space<vmem>> -> memref<1x128xi32, #tpu.memory_space<vmem>>
      %dma_wait3A_63 = tpu.memref_squeeze %dma_wait3A_62 : memref<1x128xi32, #tpu.memory_space<vmem>> -> memref<128xi32, #tpu.memory_space<vmem>>
      %dma_wait3A_64 = arith.constant 0 : i32
      %dma_wait3A_65 = arith.constant 0 : i32
      %dma_wait3A_66 = tpu.memref_slice %arg4[%dma_wait3A_64, %dma_wait3A_65] : memref<10000x128xf32, #tpu.memory_space<hbm>> -> memref<10000x128xf32, #tpu.memory_space<hbm>>
      tpu.wait_indirect_dma semaphore(%arg11 : memref<!tpu.dma_semaphore, #tpu.memory_space<semaphore_mem>>) src(%dma_wait3A_66 : memref<10000x128xf32, #tpu.memory_space<hbm>>) dst(%arg8 : memref<128x128xf32, #tpu.memory_space<vmem>>)
      "tpu.region"() ({
        %run_scoped3A = tpu.sem_alloc : memref<!tpu.dma_semaphore, #tpu.memory_space<semaphore_mem>>
        %dma_start3A_88 = arith.constant 0 : i32
        %dma_start3A_89 = tpu.memref_slice %arg7[%mul3A_61, %dma_start3A_88] : memref<40x128xi32, #tpu.memory_space<vmem>> -> memref<1x128xi32, #tpu.memory_space<vmem>>
        %dma_start3A_90 = tpu.memref_squeeze %dma_start3A_89 : memref<1x128xi32, #tpu.memory_space<vmem>> -> memref<128xi32, #tpu.memory_space<vmem>>
        %dma_start3A_91 = arith.constant 0 : i32
        %dma_start3A_92 = arith.constant 0 : i32
        %dma_start3A_93 = tpu.memref_slice %arg10[%dma_start3A_91, %dma_start3A_92] : memref<10112x128xf32, #tpu.memory_space<vmem_shared>> -> memref<10112x128xf32, #tpu.memory_space<vmem_shared>>
        tpu.enqueue_indirect_dma source(%arg8 : memref<128x128xf32, #tpu.memory_space<vmem>>) target(%dma_start3A_93 : memref<10112x128xf32, #tpu.memory_space<vmem_shared>>) offsets(%dma_start3A_90 : memref<128xi32, #tpu.memory_space<vmem>>) semaphore(%run_scoped3A : memref<!tpu.dma_semaphore, #tpu.memory_space<semaphore_mem>>) {add = true}
        %dma_wait3A_94 = arith.constant 0 : i32
        %dma_wait3A_95 = tpu.memref_slice %arg7[%mul3A_61, %dma_wait3A_94] : memref<40x128xi32, #tpu.memory_space<vmem>> -> memref<1x128xi32, #tpu.memory_space<vmem>>
        %dma_wait3A_96 = tpu.memref_squeeze %dma_wait3A_95 : memref<1x128xi32, #tpu.memory_space<vmem>> -> memref<128xi32, #tpu.memory_space<vmem>>
        %dma_wait3A_97 = arith.constant 0 : i32
        %dma_wait3A_98 = arith.constant 0 : i32
        %dma_wait3A_99 = tpu.memref_slice %arg10[%dma_wait3A_97, %dma_wait3A_98] : memref<10112x128xf32, #tpu.memory_space<vmem_shared>> -> memref<10112x128xf32, #tpu.memory_space<vmem_shared>>
        tpu.wait_indirect_dma semaphore(%run_scoped3A : memref<!tpu.dma_semaphore, #tpu.memory_space<semaphore_mem>>) src(%arg8 : memref<128x128xf32, #tpu.memory_space<vmem>>) dst(%dma_wait3A_99 : memref<10112x128xf32, #tpu.memory_space<vmem_shared>>)
        tpu.yield
      }) : () -> ()
      %add3A_67 = arith.constant 2 : i32
      %add3A_68 = arith.addi %mul3A_61, %add3A_67 : i32
      %lt3A = arith.constant 40 : i32
      %lt3A_69 = arith.cmpi slt, %add3A_68, %lt3A : i32
      %convert_element_type3A = arith.extui %lt3A_69 : i1 to i32
      %cond3A = arith.constant 0 : i32
      %cond3A_70 = arith.cmpi ne, %convert_element_type3A, %cond3A : i32
      scf.if %cond3A_70 {
        %add3A_88 = arith.constant 2 : i32
        %add3A_89 = arith.addi %mul3A_61, %add3A_88 : i32
        %dma_start3A_90 = arith.constant 0 : i32
        %dma_start3A_91 = tpu.memref_slice %arg6[%add3A_89, %dma_start3A_90] : memref<40x128xi32, #tpu.memory_space<vmem>> -> memref<1x128xi32, #tpu.memory_space<vmem>>
        %dma_start3A_92 = tpu.memref_squeeze %dma_start3A_91 : memref<1x128xi32, #tpu.memory_space<vmem>> -> memref<128xi32, #tpu.memory_space<vmem>>
        %dma_start3A_93 = arith.constant 0 : i32
        %dma_start3A_94 = arith.constant 0 : i32
        %dma_start3A_95 = tpu.memref_slice %arg4[%dma_start3A_93, %dma_start3A_94] : memref<10000x128xf32, #tpu.memory_space<hbm>> -> memref<10000x128xf32, #tpu.memory_space<hbm>>
        tpu.enqueue_indirect_dma source(%dma_start3A_95 : memref<10000x128xf32, #tpu.memory_space<hbm>>) target(%arg8 : memref<128x128xf32, #tpu.memory_space<vmem>>) offsets(%dma_start3A_92 : memref<128xi32, #tpu.memory_space<vmem>>) semaphore(%arg11 : memref<!tpu.dma_semaphore, #tpu.memory_space<semaphore_mem>>)
      } else {
      }
      %add3A_71 = arith.constant 1 : i32
      %add3A_72 = arith.addi %mul3A_61, %add3A_71 : i32
      %dma_wait3A_73 = arith.constant 0 : i32
      %dma_wait3A_74 = tpu.memref_slice %arg6[%add3A_72, %dma_wait3A_73] : memref<40x128xi32, #tpu.memory_space<vmem>> -> memref<1x128xi32, #tpu.memory_space<vmem>>
      %dma_wait3A_75 = tpu.memref_squeeze %dma_wait3A_74 : memref<1x128xi32, #tpu.memory_space<vmem>> -> memref<128xi32, #tpu.memory_space<vmem>>
      %dma_wait3A_76 = arith.constant 0 : i32
      %dma_wait3A_77 = arith.constant 0 : i32
      %dma_wait3A_78 = tpu.memref_slice %arg4[%dma_wait3A_76, %dma_wait3A_77] : memref<10000x128xf32, #tpu.memory_space<hbm>> -> memref<10000x128xf32, #tpu.memory_space<hbm>>
      tpu.wait_indirect_dma semaphore(%arg12 : memref<!tpu.dma_semaphore, #tpu.memory_space<semaphore_mem>>) src(%dma_wait3A_78 : memref<10000x128xf32, #tpu.memory_space<hbm>>) dst(%arg9 : memref<128x128xf32, #tpu.memory_space<vmem>>)
      %add3A_79 = arith.constant 1 : i32
      %add3A_80 = arith.addi %mul3A_61, %add3A_79 : i32
      "tpu.region"() ({
        %run_scoped3A = tpu.sem_alloc : memref<!tpu.dma_semaphore, #tpu.memory_space<semaphore_mem>>
        %dma_start3A_88 = arith.constant 0 : i32
        %dma_start3A_89 = tpu.memref_slice %arg7[%add3A_80, %dma_start3A_88] : memref<40x128xi32, #tpu.memory_space<vmem>> -> memref<1x128xi32, #tpu.memory_space<vmem>>
        %dma_start3A_90 = tpu.memref_squeeze %dma_start3A_89 : memref<1x128xi32, #tpu.memory_space<vmem>> -> memref<128xi32, #tpu.memory_space<vmem>>
        %dma_start3A_91 = arith.constant 0 : i32
        %dma_start3A_92 = arith.constant 0 : i32
        %dma_start3A_93 = tpu.memref_slice %arg10[%dma_start3A_91, %dma_start3A_92] : memref<10112x128xf32, #tpu.memory_space<vmem_shared>> -> memref<10112x128xf32, #tpu.memory_space<vmem_shared>>
        tpu.enqueue_indirect_dma source(%arg9 : memref<128x128xf32, #tpu.memory_space<vmem>>) target(%dma_start3A_93 : memref<10112x128xf32, #tpu.memory_space<vmem_shared>>) offsets(%dma_start3A_90 : memref<128xi32, #tpu.memory_space<vmem>>) semaphore(%run_scoped3A : memref<!tpu.dma_semaphore, #tpu.memory_space<semaphore_mem>>) {add = true}
        %dma_wait3A_94 = arith.constant 0 : i32
        %dma_wait3A_95 = tpu.memref_slice %arg7[%add3A_80, %dma_wait3A_94] : memref<40x128xi32, #tpu.memory_space<vmem>> -> memref<1x128xi32, #tpu.memory_space<vmem>>
        %dma_wait3A_96 = tpu.memref_squeeze %dma_wait3A_95 : memref<1x128xi32, #tpu.memory_space<vmem>> -> memref<128xi32, #tpu.memory_space<vmem>>
        %dma_wait3A_97 = arith.constant 0 : i32
        %dma_wait3A_98 = arith.constant 0 : i32
        %dma_wait3A_99 = tpu.memref_slice %arg10[%dma_wait3A_97, %dma_wait3A_98] : memref<10112x128xf32, #tpu.memory_space<vmem_shared>> -> memref<10112x128xf32, #tpu.memory_space<vmem_shared>>
        tpu.wait_indirect_dma semaphore(%run_scoped3A : memref<!tpu.dma_semaphore, #tpu.memory_space<semaphore_mem>>) src(%arg9 : memref<128x128xf32, #tpu.memory_space<vmem>>) dst(%dma_wait3A_99 : memref<10112x128xf32, #tpu.memory_space<vmem_shared>>)
        tpu.yield
      }) : () -> ()
      %add3A_81 = arith.constant 3 : i32
      %add3A_82 = arith.addi %mul3A_61, %add3A_81 : i32
      %lt3A_83 = arith.constant 40 : i32
      %lt3A_84 = arith.cmpi slt, %add3A_82, %lt3A_83 : i32
      %convert_element_type3A_85 = arith.extui %lt3A_84 : i1 to i32
      %cond3A_86 = arith.constant 0 : i32
      %cond3A_87 = arith.cmpi ne, %convert_element_type3A_85, %cond3A_86 : i32
      scf.if %cond3A_87 {
        %add3A_88 = arith.constant 3 : i32
        %add3A_89 = arith.addi %mul3A_61, %add3A_88 : i32
        %dma_start3A_90 = arith.constant 0 : i32
        %dma_start3A_91 = tpu.memref_slice %arg6[%add3A_89, %dma_start3A_90] : memref<40x128xi32, #tpu.memory_space<vmem>> -> memref<1x128xi32, #tpu.memory_space<vmem>>
        %dma_start3A_92 = tpu.memref_squeeze %dma_start3A_91 : memref<1x128xi32, #tpu.memory_space<vmem>> -> memref<128xi32, #tpu.memory_space<vmem>>
        %dma_start3A_93 = arith.constant 0 : i32
        %dma_start3A_94 = arith.constant 0 : i32
        %dma_start3A_95 = tpu.memref_slice %arg4[%dma_start3A_93, %dma_start3A_94] : memref<10000x128xf32, #tpu.memory_space<hbm>> -> memref<10000x128xf32, #tpu.memory_space<hbm>>
        tpu.enqueue_indirect_dma source(%dma_start3A_95 : memref<10000x128xf32, #tpu.memory_space<hbm>>) target(%arg9 : memref<128x128xf32, #tpu.memory_space<vmem>>) offsets(%dma_start3A_92 : memref<128xi32, #tpu.memory_space<vmem>>) semaphore(%arg12 : memref<!tpu.dma_semaphore, #tpu.memory_space<semaphore_mem>>)
      } else {
      }
    }
    %scan3A_57 = arith.constant 20 : i32
    %barrier3A_58 = arith.constant 0 : index
    tpu.barrier barrier_id(%barrier3A_58)
    "tpu.region"() ({
      %run_scoped3A = tpu.sem_alloc : memref<!tpu.dma_semaphore, #tpu.memory_space<semaphore_mem>>
      %dma_start3A_59 = arith.constant 0 : i32
      %dma_start3A_60 = arith.constant 0 : i32
      %dma_start3A_61 = tpu.memref_slice %arg5[%arg0, %dma_start3A_59, %dma_start3A_60] : memref<2x10112x128xf32, #tpu.memory_space<hbm>> -> memref<1x10112x128xf32, #tpu.memory_space<hbm>>
      %dma_start3A_62 = tpu.memref_squeeze %dma_start3A_61 : memref<1x10112x128xf32, #tpu.memory_space<hbm>> -> memref<10112x128xf32, #tpu.memory_space<hbm>>
      %dma_start3A_63 = arith.constant 0 : i32
      %dma_start3A_64 = tpu.memref_slice %dma_start3A_62[%mul3A_2, %dma_start3A_63] : memref<10112x128xf32, #tpu.memory_space<hbm>> -> memref<632x128xf32, #tpu.memory_space<hbm>>
      %dma_start3A_65 = arith.constant 0 : i32
      %dma_start3A_66 = tpu.memref_slice %arg10[%mul3A_2, %dma_start3A_65] : memref<10112x128xf32, #tpu.memory_space<vmem_shared>> -> memref<632x128xf32, #tpu.memory_space<vmem_shared>>
      tpu.enqueue_dma source(%dma_start3A_66 : memref<632x128xf32, #tpu.memory_space<vmem_shared>>) target(%dma_start3A_64 : memref<632x128xf32, #tpu.memory_space<hbm>>) target_semaphore(%run_scoped3A : memref<!tpu.dma_semaphore, #tpu.memory_space<semaphore_mem>>)
      %dma_wait3A = arith.constant 0 : i32
      %dma_wait3A_67 = arith.constant 0 : i32
      %dma_wait3A_68 = tpu.memref_slice %arg5[%arg0, %dma_wait3A, %dma_wait3A_67] : memref<2x10112x128xf32, #tpu.memory_space<hbm>> -> memref<1x10112x128xf32, #tpu.memory_space<hbm>>
      %dma_wait3A_69 = tpu.memref_squeeze %dma_wait3A_68 : memref<1x10112x128xf32, #tpu.memory_space<hbm>> -> memref<10112x128xf32, #tpu.memory_space<hbm>>
      %dma_wait3A_70 = arith.constant 0 : i32
      %dma_wait3A_71 = tpu.memref_slice %dma_wait3A_69[%mul3A_2, %dma_wait3A_70] : memref<10112x128xf32, #tpu.memory_space<hbm>> -> memref<632x128xf32, #tpu.memory_space<hbm>>
      %dma_wait3A_72 = arith.constant 0 : i32
      %dma_wait3A_73 = tpu.memref_slice %arg10[%mul3A_2, %dma_wait3A_72] : memref<10112x128xf32, #tpu.memory_space<vmem_shared>> -> memref<632x128xf32, #tpu.memory_space<vmem_shared>>
      tpu.wait_dma2 semaphore(%run_scoped3A : memref<!tpu.dma_semaphore, #tpu.memory_space<semaphore_mem>>) src(%dma_wait3A_73 : memref<632x128xf32, #tpu.memory_space<vmem_shared>>) dst(%dma_wait3A_71 : memref<632x128xf32, #tpu.memory_space<hbm>>)
      tpu.yield
    }) : () -> ()
    return
  }
}

module attributes {stable_mosaic.version = 14 : i64} {
  func.func @_k1a_body(%arg0: i32, %arg1: memref<1000x128xf32, #tpu.memory_space<vmem>>, %arg2: memref<128x128xf32, #tpu.memory_space<vmem>>, %arg3: memref<1000x128xf32, #tpu.memory_space<vmem>>) attributes {dimension_semantics = [#tpu.dimension_semantics<arbitrary>], iteration_bounds = array<i64: 10>, scalar_prefetch = 0 : i64, scratch_operands = 0 : i64, tpu.core_type = #tpu.core_type<tc>, window_params = [{transform_indices = @transform_0, window_bounds = array<i64: 1000, 128>}, {pipeline_mode = #tpu.pipeline_mode<synchronous>, transform_indices = @transform_1, window_bounds = array<i64: 128, 128>}, {transform_indices = @transform_2, window_bounds = array<i64: 1000, 128>}]} {
    %get3A = arith.constant 0 : index
    %get3A_0 = arith.constant 0 : index
    %get3A_1 = vector.load %arg1[%get3A, %get3A_0] : memref<1000x128xf32, #tpu.memory_space<vmem>>, vector<1000x128xf32>
    %get3A_2 = arith.constant 0 : index
    %get3A_3 = arith.constant 0 : index
    %get3A_4 = vector.load %arg2[%get3A_2, %get3A_3] : memref<128x128xf32, #tpu.memory_space<vmem>>, vector<128x128xf32>
    %dot_general3A = arith.constant dense<0.000000e+00> : vector<1000x128xf32>
    %dot_general3A_5 = tpu.matmul %get3A_1, %get3A_4, %dot_general3A {dimension_numbers = #tpu.dot_dimension_numbers<[1], [0], [0], [1], [0, 0, 1, 1], [], []>, transpose_lhs_hint = false} : vector<1000x128xf32>, vector<128x128xf32>, vector<1000x128xf32> -> vector<1000x128xf32>
    %swap3A = arith.constant 0 : index
    %swap3A_6 = arith.constant 0 : index
    %swap3A_7 = vector.load %arg3[%swap3A, %swap3A_6] : memref<1000x128xf32, #tpu.memory_space<vmem>>, vector<1000x128xf32>
    tpu.vector_store %arg3[%swap3A, %swap3A_6], %dot_general3A_5 {strides = array<i32>} : memref<1000x128xf32, #tpu.memory_space<vmem>>, vector<1000x128xf32>,
    return
  }
  func.func @transform_0(%arg0: i32) -> (i32, i32) {
    %c0_i32 = arith.constant 0 : i32
    %c0_i32_0 = arith.constant 0 : i32
    return %arg0, %c0_i32 : i32, i32
  }
  func.func @transform_1(%arg0: i32) -> (i32, i32) {
    %c0_i32 = arith.constant 0 : i32
    %c0_i32_0 = arith.constant 0 : i32
    %c0_i32_1 = arith.constant 0 : i32
    return %c0_i32, %c0_i32_0 : i32, i32
  }
  func.func @transform_2(%arg0: i32) -> (i32, i32) {
    %c0_i32 = arith.constant 0 : i32
    %c0_i32_0 = arith.constant 0 : i32
    return %arg0, %c0_i32 : i32, i32
  }
}

module attributes {stable_mosaic.version = 14 : i64} {
  func.func @_k1b_body(%arg0: i32, %arg1: memref<1000x128xf32, #tpu.memory_space<vmem>>, %arg2: memref<1000x32xf32, #tpu.memory_space<vmem>>, %arg3: memref<1000x128xf32, #tpu.memory_space<vmem>>, %arg4: memref<1000x1xf32, #tpu.memory_space<vmem>>) attributes {dimension_semantics = [#tpu.dimension_semantics<arbitrary>], iteration_bounds = array<i64: 10>, scalar_prefetch = 0 : i64, scratch_operands = 0 : i64, tpu.core_type = #tpu.core_type<tc>, window_params = [{transform_indices = @transform_0, window_bounds = array<i64: 1000, 128>}, {transform_indices = @transform_1, window_bounds = array<i64: 1000, 32>}, {transform_indices = @transform_2, window_bounds = array<i64: 1000, 128>}, {transform_indices = @transform_3, window_bounds = array<i64: 1000, 1>}]} {
    %get3A = arith.constant 0 : index
    %get3A_0 = arith.constant 0 : index
    %get3A_1 = vector.load %arg2[%get3A, %get3A_0] : memref<1000x32xf32, #tpu.memory_space<vmem>>, vector<1000x32xf32>
    %reduce_sum3A = arith.constant dense<0.000000e+00> : vector<1000xf32>
    %reduce_sum3A_2 = vector.multi_reduction <add>, %get3A_1, %reduce_sum3A [1] : vector<1000x32xf32> to vector<1000xf32>
    %add3A = arith.constant 1.000000e+00 : f32
    %add3A_3 = vector.broadcast %add3A : f32 to vector<1000xf32>
    %add3A_4 = arith.addf %reduce_sum3A_2, %add3A_3 : vector<1000xf32>
    %rsqrt3A = math.rsqrt %add3A_4 : vector<1000xf32>
    %mul3A = arith.constant 5.000000e-01 : f32
    %mul3A_5 = vector.broadcast %mul3A : f32 to vector<1000xf32>
    %mul3A_6 = arith.mulf %mul3A_5, %add3A_4 : vector<1000xf32>
    %mul3A_7 = arith.mulf %mul3A_6, %rsqrt3A : vector<1000xf32>
    %mul3A_8 = arith.mulf %mul3A_7, %rsqrt3A : vector<1000xf32>
    %sub3A = arith.constant 1.500000e+00 : f32
    %sub3A_9 = vector.broadcast %sub3A : f32 to vector<1000xf32>
    %sub3A_10 = arith.subf %sub3A_9, %mul3A_8 : vector<1000xf32>
    %mul3A_11 = arith.mulf %rsqrt3A, %sub3A_10 : vector<1000xf32>
    %broadcast_in_dim3A = vector.shape_cast %mul3A_11 : vector<1000xf32> to vector<1000x1xf32>
    %get3A_12 = arith.constant 0 : index
    %get3A_13 = arith.constant 0 : index
    %get3A_14 = vector.load %arg1[%get3A_12, %get3A_13] : memref<1000x128xf32, #tpu.memory_space<vmem>>, vector<1000x128xf32>
    %mul3A_15 = vector.broadcast %broadcast_in_dim3A : vector<1000x1xf32> to vector<1000x128xf32>
    %mul3A_16 = arith.mulf %get3A_14, %mul3A_15 : vector<1000x128xf32>
    %swap3A = arith.constant 0 : index
    %swap3A_17 = arith.constant 0 : index
    %swap3A_18 = vector.load %arg3[%swap3A, %swap3A_17] : memref<1000x128xf32, #tpu.memory_space<vmem>>, vector<1000x128xf32>
    tpu.vector_store %arg3[%swap3A, %swap3A_17], %mul3A_16 {strides = array<i32>} : memref<1000x128xf32, #tpu.memory_space<vmem>>, vector<1000x128xf32>,
    %swap3A_19 = arith.constant 0 : index
    %swap3A_20 = arith.constant 0 : index
    %swap3A_21 = vector.load %arg4[%swap3A_19, %swap3A_20] : memref<1000x1xf32, #tpu.memory_space<vmem>>, vector<1000x1xf32>
    tpu.vector_store %arg4[%swap3A_19, %swap3A_20], %broadcast_in_dim3A {strides = array<i32>} : memref<1000x1xf32, #tpu.memory_space<vmem>>, vector<1000x1xf32>,
    return
  }
  func.func @transform_0(%arg0: i32) -> (i32, i32) {
    %c0_i32 = arith.constant 0 : i32
    %c0_i32_0 = arith.constant 0 : i32
    return %arg0, %c0_i32 : i32, i32
  }
  func.func @transform_1(%arg0: i32) -> (i32, i32) {
    %c0_i32 = arith.constant 0 : i32
    %c0_i32_0 = arith.constant 0 : i32
    return %arg0, %c0_i32 : i32, i32
  }
  func.func @transform_2(%arg0: i32) -> (i32, i32) {
    %c0_i32 = arith.constant 0 : i32
    %c0_i32_0 = arith.constant 0 : i32
    return %arg0, %c0_i32 : i32, i32
  }
  func.func @transform_3(%arg0: i32) -> (i32, i32) {
    %c0_i32 = arith.constant 0 : i32
    %c0_i32_0 = arith.constant 0 : i32
    return %arg0, %c0_i32 : i32, i32
  }
}

module attributes {stable_mosaic.version = 14 : i64} {
  func.func @_kmid_body(%arg0: i32, %arg1: memref<2x1000x128xf32, #tpu.memory_space<vmem>>, %arg2: memref<1000x128xf32, #tpu.memory_space<vmem>>, %arg3: memref<1000x1xf32, #tpu.memory_space<vmem>>, %arg4: memref<1x128xf32, #tpu.memory_space<vmem>>, %arg5: memref<128x128xf32, #tpu.memory_space<vmem>>, %arg6: memref<1000x128xf32, #tpu.memory_space<vmem>>) attributes {dimension_semantics = [#tpu.dimension_semantics<arbitrary>], iteration_bounds = array<i64: 10>, scalar_prefetch = 0 : i64, scratch_operands = 0 : i64, tpu.core_type = #tpu.core_type<tc>, window_params = [{transform_indices = @transform_0, window_bounds = array<i64: 2, 1000, 128>}, {transform_indices = @transform_1, window_bounds = array<i64: 1000, 128>}, {transform_indices = @transform_2, window_bounds = array<i64: 1000, 1>}, {pipeline_mode = #tpu.pipeline_mode<synchronous>, transform_indices = @transform_3, window_bounds = array<i64: 1, 128>}, {pipeline_mode = #tpu.pipeline_mode<synchronous>, transform_indices = @transform_4, window_bounds = array<i64: 128, 128>}, {transform_indices = @transform_5, window_bounds = array<i64: 1000, 128>}]} {
    %get3A = arith.constant 0 : index
    %get3A_0 = arith.constant 0 : index
    %get3A_1 = vector.load %arg3[%get3A, %get3A_0] : memref<1000x1xf32, #tpu.memory_space<vmem>>, vector<1000x1xf32>
    %get3A_2 = arith.constant 0 : index
    %get3A_3 = arith.constant 0 : index
    %get3A_4 = arith.constant 0 : index
    %get3A_5 = vector.load %arg1[%get3A_2, %get3A_3, %get3A_4] : memref<2x1000x128xf32, #tpu.memory_space<vmem>>, vector<1x1000x128xf32>
    %get3A_6 = vector.shape_cast %get3A_5 : vector<1x1000x128xf32> to vector<1000x128xf32>
    %get3A_7 = arith.constant 1 : index
    %get3A_8 = arith.constant 0 : index
    %get3A_9 = arith.constant 0 : index
    %get3A_10 = vector.load %arg1[%get3A_7, %get3A_8, %get3A_9] : memref<2x1000x128xf32, #tpu.memory_space<vmem>>, vector<1x1000x128xf32>
    %get3A_11 = vector.shape_cast %get3A_10 : vector<1x1000x128xf32> to vector<1000x128xf32>
    %add3A = arith.addf %get3A_6, %get3A_11 : vector<1000x128xf32>
    %get3A_12 = arith.constant 0 : index
    %get3A_13 = arith.constant 0 : index
    %get3A_14 = vector.load %arg2[%get3A_12, %get3A_13] : memref<1000x128xf32, #tpu.memory_space<vmem>>, vector<1000x128xf32>
    %add3A_15 = arith.addf %add3A, %get3A_14 : vector<1000x128xf32>
    %mul3A = vector.broadcast %get3A_1 : vector<1000x1xf32> to vector<1000x128xf32>
    %mul3A_16 = arith.mulf %mul3A, %add3A_15 : vector<1000x128xf32>
    %get3A_17 = arith.constant 0 : index
    %get3A_18 = arith.constant 0 : index
    %get3A_19 = vector.load %arg4[%get3A_17, %get3A_18] : memref<1x128xf32, #tpu.memory_space<vmem>>, vector<1x128xf32>
    %add3A_20 = vector.broadcast %get3A_19 : vector<1x128xf32> to vector<1000x128xf32>
    %add3A_21 = arith.addf %mul3A_16, %add3A_20 : vector<1000x128xf32>
    %min3A = arith.constant 0.000000e+00 : f32
    %min3A_22 = vector.broadcast %min3A : f32 to vector<1000x128xf32>
    %min3A_23 = arith.minimumf %add3A_21, %min3A_22 : vector<1000x128xf32>
    %div3A = arith.constant 1.200000e+02 : f32
    %div3A_24 = vector.broadcast %div3A : f32 to vector<1000x128xf32>
    %div3A_25 = arith.divf %min3A_23, %div3A_24 : vector<1000x128xf32>
    %add3A_26 = arith.constant 0.0416666679 : f32
    %add3A_27 = vector.broadcast %add3A_26 : f32 to vector<1000x128xf32>
    %add3A_28 = arith.addf %add3A_27, %div3A_25 : vector<1000x128xf32>
    %mul3A_29 = arith.mulf %min3A_23, %add3A_28 : vector<1000x128xf32>
    %add3A_30 = arith.constant 0.166666672 : f32
    %add3A_31 = vector.broadcast %add3A_30 : f32 to vector<1000x128xf32>
    %add3A_32 = arith.addf %add3A_31, %mul3A_29 : vector<1000x128xf32>
    %mul3A_33 = arith.mulf %min3A_23, %add3A_32 : vector<1000x128xf32>
    %add3A_34 = arith.constant 5.000000e-01 : f32
    %add3A_35 = vector.broadcast %add3A_34 : f32 to vector<1000x128xf32>
    %add3A_36 = arith.addf %add3A_35, %mul3A_33 : vector<1000x128xf32>
    %mul3A_37 = arith.mulf %min3A_23, %add3A_36 : vector<1000x128xf32>
    %add3A_38 = arith.constant 1.000000e+00 : f32
    %add3A_39 = vector.broadcast %add3A_38 : f32 to vector<1000x128xf32>
    %add3A_40 = arith.addf %add3A_39, %mul3A_37 : vector<1000x128xf32>
    %mul3A_41 = arith.mulf %min3A_23, %add3A_40 : vector<1000x128xf32>
    %gt3A = arith.constant -1.250000e-01 : f32
    %gt3A_42 = vector.broadcast %gt3A : f32 to vector<1000x128xf32>
    %gt3A_43 = arith.cmpf ogt, %min3A_23, %gt3A_42 : vector<1000x128xf32>
    %exp3A = math.exp %min3A_23 : vector<1000x128xf32>
    %sub3A = arith.constant 1.000000e+00 : f32
    %sub3A_44 = vector.broadcast %sub3A : f32 to vector<1000x128xf32>
    %sub3A_45 = arith.subf %exp3A, %sub3A_44 : vector<1000x128xf32>
    %select_n3A = arith.select %gt3A_43, %mul3A_41, %sub3A_45 : vector<1000x128xi1>, vector<1000x128xf32>
    %gt3A_46 = arith.constant 0.000000e+00 : f32
    %gt3A_47 = vector.broadcast %gt3A_46 : f32 to vector<1000x128xf32>
    %gt3A_48 = arith.cmpf ogt, %add3A_21, %gt3A_47 : vector<1000x128xf32>
    %select_n3A_49 = arith.select %gt3A_48, %add3A_21, %select_n3A : vector<1000x128xi1>, vector<1000x128xf32>
    %get3A_50 = arith.constant 0 : index
    %get3A_51 = arith.constant 0 : index
    %get3A_52 = vector.load %arg5[%get3A_50, %get3A_51] : memref<128x128xf32, #tpu.memory_space<vmem>>, vector<128x128xf32>
    %dot_general3A = arith.constant dense<0.000000e+00> : vector<1000x128xf32>
    %dot_general3A_53 = tpu.matmul %select_n3A_49, %get3A_52, %dot_general3A {dimension_numbers = #tpu.dot_dimension_numbers<[1], [0], [0], [1], [0, 0, 1, 1], [], []>, transpose_lhs_hint = false} : vector<1000x128xf32>, vector<128x128xf32>, vector<1000x128xf32> -> vector<1000x128xf32>
    %mul3A_54 = vector.broadcast %get3A_1 : vector<1000x1xf32> to vector<1000x128xf32>
    %mul3A_55 = arith.mulf %dot_general3A_53, %mul3A_54 : vector<1000x128xf32>
    %swap3A = arith.constant 0 : index
    %swap3A_56 = arith.constant 0 : index
    %swap3A_57 = vector.load %arg6[%swap3A, %swap3A_56] : memref<1000x128xf32, #tpu.memory_space<vmem>>, vector<1000x128xf32>
    tpu.vector_store %arg6[%swap3A, %swap3A_56], %mul3A_55 {strides = array<i32>} : memref<1000x128xf32, #tpu.memory_space<vmem>>, vector<1000x128xf32>,
    return
  }
  func.func @transform_0(%arg0: i32) -> (i32, i32, i32) {
    %c0_i32 = arith.constant 0 : i32
    %c0_i32_0 = arith.constant 0 : i32
    %c0_i32_1 = arith.constant 0 : i32
    return %c0_i32, %arg0, %c0_i32_0 : i32, i32, i32
  }
  func.func @transform_1(%arg0: i32) -> (i32, i32) {
    %c0_i32 = arith.constant 0 : i32
    %c0_i32_0 = arith.constant 0 : i32
    return %arg0, %c0_i32 : i32, i32
  }
  func.func @transform_2(%arg0: i32) -> (i32, i32) {
    %c0_i32 = arith.constant 0 : i32
    %c0_i32_0 = arith.constant 0 : i32
    return %arg0, %c0_i32 : i32, i32
  }
  func.func @transform_3(%arg0: i32) -> (i32, i32) {
    %c0_i32 = arith.constant 0 : i32
    %c0_i32_0 = arith.constant 0 : i32
    %c0_i32_1 = arith.constant 0 : i32
    return %c0_i32, %c0_i32_0 : i32, i32
  }
  func.func @transform_4(%arg0: i32) -> (i32, i32) {
    %c0_i32 = arith.constant 0 : i32
    %c0_i32_0 = arith.constant 0 : i32
    %c0_i32_1 = arith.constant 0 : i32
    return %c0_i32, %c0_i32_0 : i32, i32
  }
  func.func @transform_5(%arg0: i32) -> (i32, i32) {
    %c0_i32 = arith.constant 0 : i32
    %c0_i32_0 = arith.constant 0 : i32
    return %arg0, %c0_i32 : i32, i32
  }
}

module attributes {stable_mosaic.version = 14 : i64} {
  func.func @_khead_body(%arg0: i32, %arg1: memref<2x1000x128xf32, #tpu.memory_space<vmem>>, %arg2: memref<1000x128xf32, #tpu.memory_space<vmem>>, %arg3: memref<1000x1xf32, #tpu.memory_space<vmem>>, %arg4: memref<1x128xf32, #tpu.memory_space<vmem>>, %arg5: memref<1000x1xi32, #tpu.memory_space<vmem>>, %arg6: memref<128x1xf32, #tpu.memory_space<vmem>>, %arg7: memref<1x1xf32, #tpu.memory_space<vmem>>, %arg8: memref<64x1xf32, #tpu.memory_space<vmem>>, %arg9: memref<64x128xf32, #tpu.memory_space<vmem>>) attributes {dimension_semantics = [#tpu.dimension_semantics<arbitrary>], iteration_bounds = array<i64: 10>, scalar_prefetch = 0 : i64, scratch_operands = 1 : i64, tpu.core_type = #tpu.core_type<tc>, window_params = [{transform_indices = @transform_0, window_bounds = array<i64: 2, 1000, 128>}, {transform_indices = @transform_1, window_bounds = array<i64: 1000, 128>}, {transform_indices = @transform_2, window_bounds = array<i64: 1000, 1>}, {pipeline_mode = #tpu.pipeline_mode<synchronous>, transform_indices = @transform_3, window_bounds = array<i64: 1, 128>}, {transform_indices = @transform_4, window_bounds = array<i64: 1000, 1>}, {pipeline_mode = #tpu.pipeline_mode<synchronous>, transform_indices = @transform_5, window_bounds = array<i64: 128, 1>}, {pipeline_mode = #tpu.pipeline_mode<synchronous>, transform_indices = @transform_6, window_bounds = array<i64: 1, 1>}, {pipeline_mode = #tpu.pipeline_mode<synchronous>, transform_indices = @transform_7, window_bounds = array<i64: 64, 1>}]} {
    %eq3A = arith.constant 0 : i32
    %eq3A_0 = arith.cmpi eq, %arg0, %eq3A : i32
    %convert_element_type3A = arith.extui %eq3A_0 : i1 to i32
    %cond3A = arith.constant 0 : i32
    %cond3A_1 = arith.cmpi ne, %convert_element_type3A, %cond3A : i32
    scf.if %cond3A_1 {
      %broadcast_in_dim3A = arith.constant 0.000000e+00 : f32
      %broadcast_in_dim3A_72 = vector.broadcast %broadcast_in_dim3A : f32 to vector<64x128xf32>
      %swap3A_73 = arith.constant 0 : index
      %swap3A_74 = arith.constant 0 : index
      %swap3A_75 = vector.load %arg9[%swap3A_73, %swap3A_74] : memref<64x128xf32, #tpu.memory_space<vmem>>, vector<64x128xf32>
      tpu.vector_store %arg9[%swap3A_73, %swap3A_74], %broadcast_in_dim3A_72 {strides = array<i32>} : memref<64x128xf32, #tpu.memory_space<vmem>>, vector<64x128xf32>,
    } else {
    }
    %get3A = arith.constant 0 : index
    %get3A_2 = arith.constant 0 : index
    %get3A_3 = vector.load %arg3[%get3A, %get3A_2] : memref<1000x1xf32, #tpu.memory_space<vmem>>, vector<1000x1xf32>
    %get3A_4 = arith.constant 0 : index
    %get3A_5 = arith.constant 0 : index
    %get3A_6 = arith.constant 0 : index
    %get3A_7 = vector.load %arg1[%get3A_4, %get3A_5, %get3A_6] : memref<2x1000x128xf32, #tpu.memory_space<vmem>>, vector<1x1000x128xf32>
    %get3A_8 = vector.shape_cast %get3A_7 : vector<1x1000x128xf32> to vector<1000x128xf32>
    %get3A_9 = arith.constant 1 : index
    %get3A_10 = arith.constant 0 : index
    %get3A_11 = arith.constant 0 : index
    %get3A_12 = vector.load %arg1[%get3A_9, %get3A_10, %get3A_11] : memref<2x1000x128xf32, #tpu.memory_space<vmem>>, vector<1x1000x128xf32>
    %get3A_13 = vector.shape_cast %get3A_12 : vector<1x1000x128xf32> to vector<1000x128xf32>
    %add3A = arith.addf %get3A_8, %get3A_13 : vector<1000x128xf32>
    %get3A_14 = arith.constant 0 : index
    %get3A_15 = arith.constant 0 : index
    %get3A_16 = vector.load %arg2[%get3A_14, %get3A_15] : memref<1000x128xf32, #tpu.memory_space<vmem>>, vector<1000x128xf32>
    %add3A_17 = arith.addf %add3A, %get3A_16 : vector<1000x128xf32>
    %mul3A = vector.broadcast %get3A_3 : vector<1000x1xf32> to vector<1000x128xf32>
    %mul3A_18 = arith.mulf %mul3A, %add3A_17 : vector<1000x128xf32>
    %get3A_19 = arith.constant 0 : index
    %get3A_20 = arith.constant 0 : index
    %get3A_21 = vector.load %arg4[%get3A_19, %get3A_20] : memref<1x128xf32, #tpu.memory_space<vmem>>, vector<1x128xf32>
    %add3A_22 = vector.broadcast %get3A_21 : vector<1x128xf32> to vector<1000x128xf32>
    %add3A_23 = arith.addf %mul3A_18, %add3A_22 : vector<1000x128xf32>
    %min3A = arith.constant 0.000000e+00 : f32
    %min3A_24 = vector.broadcast %min3A : f32 to vector<1000x128xf32>
    %min3A_25 = arith.minimumf %add3A_23, %min3A_24 : vector<1000x128xf32>
    %div3A = arith.constant 1.200000e+02 : f32
    %div3A_26 = vector.broadcast %div3A : f32 to vector<1000x128xf32>
    %div3A_27 = arith.divf %min3A_25, %div3A_26 : vector<1000x128xf32>
    %add3A_28 = arith.constant 0.0416666679 : f32
    %add3A_29 = vector.broadcast %add3A_28 : f32 to vector<1000x128xf32>
    %add3A_30 = arith.addf %add3A_29, %div3A_27 : vector<1000x128xf32>
    %mul3A_31 = arith.mulf %min3A_25, %add3A_30 : vector<1000x128xf32>
    %add3A_32 = arith.constant 0.166666672 : f32
    %add3A_33 = vector.broadcast %add3A_32 : f32 to vector<1000x128xf32>
    %add3A_34 = arith.addf %add3A_33, %mul3A_31 : vector<1000x128xf32>
    %mul3A_35 = arith.mulf %min3A_25, %add3A_34 : vector<1000x128xf32>
    %add3A_36 = arith.constant 5.000000e-01 : f32
    %add3A_37 = vector.broadcast %add3A_36 : f32 to vector<1000x128xf32>
    %add3A_38 = arith.addf %add3A_37, %mul3A_35 : vector<1000x128xf32>
    %mul3A_39 = arith.mulf %min3A_25, %add3A_38 : vector<1000x128xf32>
    %add3A_40 = arith.constant 1.000000e+00 : f32
    %add3A_41 = vector.broadcast %add3A_40 : f32 to vector<1000x128xf32>
    %add3A_42 = arith.addf %add3A_41, %mul3A_39 : vector<1000x128xf32>
    %mul3A_43 = arith.mulf %min3A_25, %add3A_42 : vector<1000x128xf32>
    %gt3A = arith.constant -1.250000e-01 : f32
    %gt3A_44 = vector.broadcast %gt3A : f32 to vector<1000x128xf32>
    %gt3A_45 = arith.cmpf ogt, %min3A_25, %gt3A_44 : vector<1000x128xf32>
    %exp3A = math.exp %min3A_25 : vector<1000x128xf32>
    %sub3A = arith.constant 1.000000e+00 : f32
    %sub3A_46 = vector.broadcast %sub3A : f32 to vector<1000x128xf32>
    %sub3A_47 = arith.subf %exp3A, %sub3A_46 : vector<1000x128xf32>
    %select_n3A = arith.select %gt3A_45, %mul3A_43, %sub3A_47 : vector<1000x128xi1>, vector<1000x128xf32>
    %gt3A_48 = arith.constant 0.000000e+00 : f32
    %gt3A_49 = vector.broadcast %gt3A_48 : f32 to vector<1000x128xf32>
    %gt3A_50 = arith.cmpf ogt, %add3A_23, %gt3A_49 : vector<1000x128xf32>
    %select_n3A_51 = arith.select %gt3A_50, %add3A_23, %select_n3A : vector<1000x128xi1>, vector<1000x128xf32>
    %get3A_52 = arith.constant 0 : index
    %get3A_53 = arith.constant 0 : index
    %get3A_54 = vector.load %arg5[%get3A_52, %get3A_53] : memref<1000x1xi32, #tpu.memory_space<vmem>>, vector<1000x1xi32>
    %iota3A = tpu.iota {dimensions = array<i32: 1>} : vector<1x64xi32>
    %eq3A_55 = vector.broadcast %get3A_54 : vector<1000x1xi32> to vector<1000x64xi32>
    %eq3A_56 = vector.broadcast %iota3A : vector<1x64xi32> to vector<1000x64xi32>
    %eq3A_57 = arith.cmpi eq, %eq3A_55, %eq3A_56 : vector<1000x64xi32>
    %convert_element_type3A_58 = arith.extui %eq3A_57 : vector<1000x64xi1> to vector<1000x64xi32>
    %convert_element_type3A_59 = arith.sitofp %convert_element_type3A_58 : vector<1000x64xi32> to vector<1000x64xf32>
    %get3A_60 = arith.constant 0 : index
    %get3A_61 = arith.constant 0 : index
    %get3A_62 = vector.load %arg9[%get3A_60, %get3A_61] : memref<64x128xf32, #tpu.memory_space<vmem>>, vector<64x128xf32>
    %dot_general3A = arith.constant dense<0.000000e+00> : vector<64x128xf32>
    %dot_general3A_63 = tpu.matmul %convert_element_type3A_59, %select_n3A_51, %dot_general3A {dimension_numbers = #tpu.dot_dimension_numbers<[0], [0], [1], [1], [0, 1, 1, 1], [], []>, transpose_lhs_hint = false} : vector<1000x64xf32>, vector<1000x128xf32>, vector<64x128xf32> -> vector<64x128xf32>
    %add3A_64 = arith.addf %get3A_62, %dot_general3A_63 : vector<64x128xf32>
    %swap3A = arith.constant 0 : index
    %swap3A_65 = arith.constant 0 : index
    %swap3A_66 = vector.load %arg9[%swap3A, %swap3A_65] : memref<64x128xf32, #tpu.memory_space<vmem>>, vector<64x128xf32>
    tpu.vector_store %arg9[%swap3A, %swap3A_65], %add3A_64 {strides = array<i32>} : memref<64x128xf32, #tpu.memory_space<vmem>>, vector<64x128xf32>,
    %eq3A_67 = arith.constant 9 : i32
    %eq3A_68 = arith.cmpi eq, %arg0, %eq3A_67 : i32
    %convert_element_type3A_69 = arith.extui %eq3A_68 : i1 to i32
    %cond3A_70 = arith.constant 0 : i32
    %cond3A_71 = arith.cmpi ne, %convert_element_type3A_69, %cond3A_70 : i32
    scf.if %cond3A_71 {
      %get3A_72 = arith.constant 0 : index
      %get3A_73 = arith.constant 0 : index
      %get3A_74 = vector.load %arg9[%get3A_72, %get3A_73] : memref<64x128xf32, #tpu.memory_space<vmem>>, vector<64x128xf32>
      %get3A_75 = arith.constant 0 : index
      %get3A_76 = arith.constant 0 : index
      %get3A_77 = vector.load %arg6[%get3A_75, %get3A_76] : memref<128x1xf32, #tpu.memory_space<vmem>>, vector<128x1xf32>
      %dot_general3A_78 = arith.constant dense<0.000000e+00> : vector<64x1xf32>
      %dot_general3A_79 = tpu.matmul %get3A_74, %get3A_77, %dot_general3A_78 {dimension_numbers = #tpu.dot_dimension_numbers<[1], [0], [0], [1], [0, 0, 1, 1], [], []>, transpose_lhs_hint = false} : vector<64x128xf32>, vector<128x1xf32>, vector<64x1xf32> -> vector<64x1xf32>
      %get3A_80 = arith.constant 0 : index
      %get3A_81 = arith.constant 0 : index
      %get3A_82 = vector.load %arg7[%get3A_80, %get3A_81] : memref<1x1xf32, #tpu.memory_space<vmem>>, vector<1x1xf32>
      %add3A_83 = vector.broadcast %get3A_82 : vector<1x1xf32> to vector<64x1xf32>
      %add3A_84 = arith.addf %dot_general3A_79, %add3A_83 : vector<64x1xf32>
      %swap3A_85 = arith.constant 0 : index
      %swap3A_86 = arith.constant 0 : index
      %swap3A_87 = vector.load %arg8[%swap3A_85, %swap3A_86] : memref<64x1xf32, #tpu.memory_space<vmem>>, vector<64x1xf32>
      tpu.vector_store %arg8[%swap3A_85, %swap3A_86], %add3A_84 {strides = array<i32>} : memref<64x1xf32, #tpu.memory_space<vmem>>, vector<64x1xf32>,
    } else {
    }
    return
  }
  func.func @transform_0(%arg0: i32) -> (i32, i32, i32) {
    %c0_i32 = arith.constant 0 : i32
    %c0_i32_0 = arith.constant 0 : i32
    %c0_i32_1 = arith.constant 0 : i32
    return %c0_i32, %arg0, %c0_i32_0 : i32, i32, i32
  }
  func.func @transform_1(%arg0: i32) -> (i32, i32) {
    %c0_i32 = arith.constant 0 : i32
    %c0_i32_0 = arith.constant 0 : i32
    return %arg0, %c0_i32 : i32, i32
  }
  func.func @transform_2(%arg0: i32) -> (i32, i32) {
    %c0_i32 = arith.constant 0 : i32
    %c0_i32_0 = arith.constant 0 : i32
    return %arg0, %c0_i32 : i32, i32
  }
  func.func @transform_3(%arg0: i32) -> (i32, i32) {
    %c0_i32 = arith.constant 0 : i32
    %c0_i32_0 = arith.constant 0 : i32
    %c0_i32_1 = arith.constant 0 : i32
    return %c0_i32, %c0_i32_0 : i32, i32
  }
  func.func @transform_4(%arg0: i32) -> (i32, i32) {
    %c0_i32 = arith.constant 0 : i32
    %c0_i32_0 = arith.constant 0 : i32
    return %arg0, %c0_i32 : i32, i32
  }
  func.func @transform_5(%arg0: i32) -> (i32, i32) {
    %c0_i32 = arith.constant 0 : i32
    %c0_i32_0 = arith.constant 0 : i32
    %c0_i32_1 = arith.constant 0 : i32
    return %c0_i32, %c0_i32_0 : i32, i32
  }
  func.func @transform_6(%arg0: i32) -> (i32, i32) {
    %c0_i32 = arith.constant 0 : i32
    %c0_i32_0 = arith.constant 0 : i32
    %c0_i32_1 = arith.constant 0 : i32
    return %c0_i32, %c0_i32_0 : i32, i32
  }
  func.func @transform_7(%arg0: i32) -> (i32, i32) {
    %c0_i32 = arith.constant 0 : i32
    %c0_i32_0 = arith.constant 0 : i32
    %c0_i32_1 = arith.constant 0 : i32
    return %c0_i32, %c0_i32_0 : i32, i32
  }
}

</mosaic_0001>

<sc_bundles>
// kernel: kernel.11.cloned.1.call-start
scs
__scs_entry_jumppad:
0x0: {  	(pc) =	sbr.rel $0x88, $3  }
0x1: {  	(tag) =	ssettag $0x0;
	lr =	simm.s32 $0x1  }
0x2: {  	[smem:$0x3F96] =	sst lr;
	_ =	strace $0xD0000000  }
0x3: {  	_ = 	snop  }
0x4: {  	_ = 	snop  }
0x5: {  	_ = 	snop  }
0x6: {  	_ = 	snop  }
0x7: {  	_ = 	snop  }
__scs_overlays_trampoline_lowered:
0x8: {  	[smem:$0x3FA5] =	sst s0  }
0x9: {  	[smem:$0x3FA6] =	sst s1  }
0xa: {  	[smem:$0x3FA7] =	sst s2  }
0xb: {  	[smem:$0x3FA8] =	sst s3  }
0xc: {  	[smem:$0x3FA9] =	sst s4  }
0xd: {  	[smem:$0x3FAA] =	sst s5  }
0xe: {  	[smem:$0x3FAB] =	sst s6  }
0xf: {  	[smem:$0x3FAC] =	sst s7  }
0x10: {  	[smem:$0x3FAD] =	sst s8  }
0x11: {  	[smem:$0x3FAE] =	sst s9;
	s0 =	simm.s32 @!p0 $0x0  }
0x12: {  	s1 =	sld [smem:$0x3F94];
	s0 =	simm.s32 @p0 $0x1  }
0x13: {  	[smem:$0x3FAF] =	sst s0;
	s0 =	simm.s32 @!p1 $0x0  }
0x14: {  	s2 =	sld [smem:$0x3F93];
	s0 =	simm.s32 @p1 $0x1  }
0x15: {  	[smem:$0x3FB0] =	sst s0;
	s0 =	simm.s32 @!p2 $0x0  }
0x16: {  	s3 =	sld [smem:$0x3FDB];
	s0 =	simm.s32 @p2 $0x1  }
0x17: {  	s4 =	simm.s32 $0x1BF5;
	[smem:$0x3FB2] =	sst s0  }
0x18: {  	s0 =	sld [smem:$0x3F95];
	_ =	swait.ge [sflag:s4], $0x0  }
0x19: {  	s7 =	sld [smem:$0x3F96]  }
0x1a: {  	s8 =	sadd.s32 $0xFFFFE003, lr  }
0x1b: {  	s9 =	sadd.s32 $0xFFFFFEF7, lr;
	s5 =	simm.s32 $0xFFFFFFFF;
	p2 =	slt.u32 s8, $0xFFFFF086  }
0x1c: {  	p1 =	slt.u32 s9, $0xF7A;
	s5 =	simm.s32 @!p2 $0x0  }
0x1d: {  	s5 =	simm.s32 @p1 $0x1;
	p0 =	seq.s32 s7, s2  }
0x1e: {  	s7 =	smul.u32 @!p0 $0xF7A, s2;
	p2 =	seq.s32 @!p0 s5, $0x0  }
0x1f: {  	s9 =	smul.u32 $0xF7A, s1;
	s8 =	simm.s32 @!p0 $0x1BF5;
	p2 =	por !p2, p0  }
0x20: {  	[sflag:s8] =	ssyncset.s32 @!p0 $0xFFFFF086;
	s6 =	sadd.s32 @!p0 s3, s7;
	s7 =	simm.s32 @!p0 $0x108  }
0x21: {  	s3 =	sadd.s32 s3, s9;
	s6 =	sadd.s32 @!p0 $0x88, s6;
	s7 =	simm.s32 @p2 $0x1082  }
0x22: {  	[simem:s7], [sflag:s8] =	dma.local @!p0 [hbm:s6], $0xF7A  }
0x23: {  	s9 =	sor.u32 $0xD0000000, s2;
	s6 =	simm.s32 $0x108;
	_ =	swait.ge @!p0 [sflag:s8], $0x0  }
0x24: {  	s3 =	sadd.s32 $0x88, s3;
	s6 =	simm.s32 @!p1 $0x1082;
	[sflag:s4] =	ssyncset.s32 $0xFFFFF086  }
0x25: {  	[simem:s6], [sflag:s4] =	dma.local [hbm:s3], $0xF7A  }
0x26: {  	[smem:$0x3F96] =	sst s1;
	(tag) =	ssettag s2;
	_ =	strace s9  }
0x27: {  	s1 =	sld [smem:$0x3FA6]  }
0x28: {  	s2 =	sld [smem:$0x3FA7]  }
0x29: {  	s4 =	sld [smem:$0x3FA9]  }
0x2a: {  	p0 =	seq.s32 s5, $0x0;
	s5 =	sld [smem:$0x3FAA]  }
0x2b: {  	s6 =	sld [smem:$0x3FAB]  }
0x2c: {  	s7 =	sld [smem:$0x3FAC]  }
0x2d: {  	s3 =	simm.s32 $0x108;
	s8 =	sld [smem:$0x3FAD]  }
0x2e: {  	s3 =	simm.s32 @!p0 $0x1082;
	s9 =	sld [smem:$0x3FAE]  }
0x2f: {  	lr =	sadd.s32 s0, s3;
	s0 =	sld [smem:$0x3FA5]  }
0x30: {  	s3 =	sld [smem:$0x3FA8]  }
0x31: {  	[smem:$0x3FB1] =	sst s10  }
0x32: {  	s10 =	sld [smem:$0x3FAF];
	_ =	sdelay $0x3  }
0x33: {  	p0 =	seq.s32 s10, $0x1;
	s10 =	sld [smem:$0x3FB1];
	_ =	sdelay $0x3  }
0x34: {  	[smem:$0x3FB1] =	sst s10  }
0x35: {  	s10 =	sld [smem:$0x3FB0];
	_ =	sdelay $0x3  }
0x36: {  	p1 =	seq.s32 s10, $0x1;
	s10 =	sld [smem:$0x3FB1];
	_ =	sdelay $0x3  }
0x37: {  	[smem:$0x3FB1] =	sst s10  }
0x38: {  	s10 =	sld [smem:$0x3FB2]  }
0x39: {  	_ = 	snop;
	(pc) =	sbr.ind lr, $3  }
0x3a: {  	_ = 	snop  }
0x3b: {  	_ = 	snop  }
0x3c: {  	p2 =	seq.s32 s10, $0x1;
	s10 =	sld [smem:$0x3FB1]  }
0x3d: {  	_ =	shalt  }
0x3e: {  	_ =	shalt  }
0x3f: {  	_ =	shalt  }
0x40: {  	_ =	shalt  }
0x41: {  	_ =	shalt  }
0x42: {  	_ =	shalt  }
0x43: {  	_ =	shalt  }
0x44: {  	_ =	shalt  }
0x45: {  	_ =	shalt  }
0x46: {  	_ =	shalt  }
0x47: {  	_ =	shalt  }
0x48: {  	_ =	shalt  }
0x49: {  	_ =	shalt  }
0x4a: {  	_ =	shalt  }
0x4b: {  	_ =	shalt  }
0x4c: {  	_ =	shalt  }
0x4d: {  	_ =	shalt  }
0x4e: {  	_ =	shalt  }
0x4f: {  	_ =	shalt  }
0x50: {  	_ =	shalt  }
0x51: {  	_ =	shalt  }
0x52: {  	_ =	shalt  }
0x53: {  	_ =	shalt  }
0x54: {  	_ =	shalt  }
0x55: {  	_ =	shalt  }
0x56: {  	_ =	shalt  }
0x57: {  	_ =	shalt  }
0x58: {  	_ =	shalt  }
0x59: {  	_ =	shalt  }
0x5a: {  	_ =	shalt  }
0x5b: {  	_ =	shalt  }
0x5c: {  	_ =	shalt  }
0x5d: {  	_ =	shalt  }
0x5e: {  	_ =	shalt  }
0x5f: {  	_ =	shalt  }
0x60: {  	_ =	shalt  }
0x61: {  	_ =	shalt  }
0x62: {  	_ =	shalt  }
0x63: {  	_ =	shalt  }
0x64: {  	_ =	shalt  }
0x65: {  	_ =	shalt  }
0x66: {  	_ =	shalt  }
0x67: {  	_ =	shalt  }
0x68: {  	_ =	shalt  }
0x69: {  	_ =	shalt  }
0x6a: {  	_ =	shalt  }
0x6b: {  	_ =	shalt  }
0x6c: {  	_ =	shalt  }
0x6d: {  	_ =	shalt  }
0x6e: {  	_ =	shalt  }
0x6f: {  	_ =	shalt  }
0x70: {  	_ =	shalt  }
0x71: {  	_ =	shalt  }
0x72: {  	_ =	shalt  }
0x73: {  	_ =	shalt  }
0x74: {  	_ =	shalt  }
0x75: {  	_ =	shalt  }
0x76: {  	_ =	shalt  }
0x77: {  	_ =	shalt  }
0x78: {  	_ =	shalt  }
0x79: {  	_ =	shalt  }
0x7a: {  	_ =	shalt  }
0x7b: {  	_ =	shalt  }
0x7c: {  	_ =	shalt  }
0x7d: {  	_ =	shalt  }
0x7e: {  	_ =	shalt  }
0x7f: {  	_ =	shalt  }
0x80: {  	_ =	shalt  }
0x81: {  	_ =	shalt  }
0x82: {  	_ =	shalt  }
0x83: {  	_ =	shalt  }
0x84: {  	_ =	shalt  }
0x85: {  	_ =	shalt  }
0x86: {  	_ =	shalt  }
0x87: {  	_ =	shalt  }
.Lfunc_end0:
.L_simem_size_0:
called_computation_lowered:
.L_overlay_start_0:
0x88: {  	s2 =	sld [smem:$0x3FD9]  }
0x89: {  	s3 =	sld [smem:$0x3FFE];
	_ =	sdelay $0x1  }
0x8a: {  	s1 =	srdreg.scid  }
0x8b: {  	s0 =	sand.u32 $0x1, s1  }
0x8c: {  	s16 =	sshll.u32 s0, $0xA;
	s2 =	sadd.s32 s3, s2  }
0x8d: {  	s2 =	sadd.s32 s2, s16  }
0x8e: {  	[smem:$0x3FBD] =	sst s2  }
0x8f: {  	_ = 	snop  }
0x90: {  	(tm) =	ssettm $0x1  }
0x91: {  	s17 =	sld [smem:$0x3FFB];
	_ =	sdelay $0x3  }
0x92: {  	_ =	strace s17  }
0x93: {  	s2 =	sld [smem:$0x3FFC];
	_ =	sdelay $0x3  }
0x94: {  	_ =	strace s2  }
0x95: {  	s2 =	sld [smem:$0x3FFD];
	_ =	sdelay $0x3  }
0x96: {  	_ =	strace s2  }
0x97: {  	_ =	strace $0x8FFFFFFF  }
0x98: {  	s18 =	sld [smem:$0x3FDB];
	_ =	sdelay $0x1  }
0x99: {  	s19 =	simm.s32 $_scs_section_size  }
0x9a: {  	s4 =	simm.s32 $_size__tile_overlayer_lowered;
	s5 =	simm.s32 $_tile_overlayer_lowered  }
0x9b: {  	s22 =	simm.s32 $0x1BFF;
	s21 =	sshll.u32 s5, $0x1;
	s2 =	sadd.s32 s19, s18  }
0x9c: {  	s6 =	simm.s32 $0x0;
	s20 =	sshll.u32 s4, $0x1;
	s4 =	sadd.s32 s21, s2  }
0x9d: {  	[timem:s6], [sflag:s22] =	dma.local [hbm:s4], s20  }
0x9e: {  	_ =	swait.ge [sflag:s22], s20  }
0x9f: {  	s3 =	ssub.s32 $0x0, s20;
	[sflag:s22] =	ssyncset.done $0x0  }
0xa0: {  	[sflag:s22] =	ssyncadd.s32 s3;
	_ =	sdelay $0x1  }
0xa1: {  	s23 =	simm.s32 $0x1B8B  }
0xa2: {  	_ =	swait.ge [sflag:s23], $0x1  }
0xa3: {  	[sflag:s23] =	ssyncset.done $0x0  }
0xa4: {  	s25 =	simm.s32 $0x1B8E;
	s24 =	sld [smem:$0x3FFE];
	[sflag:s23] =	ssyncadd.s32 $0xFFFFFFFF  }
0xa5: {  	s26 =	simm.s32 $execute0_lowered;
	[smem:$0x3FD2] =	sst s25  }
0xa6: {  	s4 =	sshll.u32 s26, $0x1;
	_ =	strace $0x80000046;
	[dreg:$0x1] =	wrdreg $0xFFFFFFFF  }
0xa7: {  	s28 =	simm.s32 $_size_execute0_lowered;
	s2 =	sadd.s32 s2, s4;
	[dreg:$0x0] =	wrdreg $0x0  }
0xa8: {  	s4 =	sshll.u32 s28, $0x1;
	[dreg:$0x2] =	wrdreg s2  }
0xa9: {  	[dreg:$0x3] =	wrdreg s4  }
0xaa: {  	[dreg:$0x4] =	wrdreg $0xC0  }
0xab: {  	_ =	task [dreg:s6], $0x5FFFF  }
0xac: {  	[dreg:$0x1] =	wrdreg $0xFFFFFFFF  }
0xad: {  	[dreg:$0x0] =	wrdreg $0x60  }
0xae: {  	[dreg:$0x2] =	wrdreg s24  }
0xaf: {  	[dreg:$0x3] =	wrdreg $0x9  }
0xb0: {  	_ =	task.clear_ibuf [dreg:s6], $0x4FFFF;
	_ =	strace $0x90000046  }
0xb1: {  	s29 =	simm.s32 $0x9;
	_ =	strace $0x80000048  }
0xb2: {  	_ =	swait.ge [sflag:s29], $0x1  }
0xb3: {  	[sflag:s29] =	ssyncadd.s32 $0xFFFFFFFF  }
0xb4: {  	_ =	strace $0x90000048  }
0xb5: {  	_ =	sfence  }
0xb6: {  	s30 =	sld [smem:$0x0];
	_ =	sdelay $0x2  }
0xb7: {  	s31 =	sshll.u32 s1, $0xD;
	s1 =	sshrl.u32 s1, $0x2  }
0xb8: {  	s3 =	sand.u32 $0x4000, s31;
	s1 =	sadd.s32 s1, s30  }
0xb9: {  	s0 =	sor.u32 s3, s0;
	s1 =	sshll.u32 s1, $0x11  }
0xba: {  	s0 =	sor.u32 s1, s0  }
0xbb: {  	s0 =	sadd.s32 $0x8F2B, s0  }
0xbc: {  	[sflag:s0] =	ssyncadd.remote.s32 $0x1  }
0xbd: {  	_ =	sfence.sel $0xFFFF  }
0xbe: {  	[dreg:$0x0] =	wrdreg $0xFFFFFFFF;
	(pc) =	sbr.abs _section_cstart, $3  }
0xbf: {  	[dreg:$0x1] =	wrdreg $0xFFFFFFFF  }
0xc0: {  	_ =	task.clear_ibuf [dreg:s6], $0x2FFFF;
	_ =	strace $0x9FFFFFFF  }
0xc1: {  	(tm) =	ssettm $0x7FFFFFFF  }
tec
execute0_lowered:
.L_overlay_start_1:
0x0: {  	(tag) =	ssettag $0x1  }
0x1: {  	s0 =	srdreg.scid  }
0x2: {  	s4 =	rddreg [dreg:$0x0];
	s3 =	sand.u32 $0x1, s0  }
0x3: {  	s1 =	stileid.u32;
	s7 =	simm.s32 $0x2800;
	s2 =	sshll.u32 s3, $0x4  }
0x4: {  	s0 =	rddreg [dreg:$0x1];
	s3 =	ssub.s32 $0x2, s3;
	s5 =	sor.u32 s1, s2  }
0x5: {  	s2 =	simm.s32 $0x0;
	s6 =	sshrl.u32 s3, $0x1;
	s5 =	smul.u32 $0x500, s5  }
0x6: {  	s8 =	simm.s32 $0x0;
	[smem:$0x7FF] =	sst s2;
	s31 =	ssub.s32 s3, s6  }
0x7: {  	s6 =	simm.s32 $0x1;
	_ =	strace $0x80000047;
	s4 =	sadd.s32 s5, s4  }
0x8: {  	v0 =	vimm.f32 $0.0e+00;
	v1 =	vimm.f32 $1.000000000e+00;
	s5 =	smax.u32 s31, $0x1;
	s3 =	sadd.s32 $0x3400, s4;
	s4 =	sadd.s32 $0xD400, s4  }
.LBB2_1:
0x9: {  	[tilespmem:s2], [sflag:$0x1] =	stream.linear.gather [hbm4b:s3+s2], $0x2780, $0x38;
	[tilespmem:$0x5000] =	vst v63  }
0xa: {  	_ =	swait.ge [sflag:s6], $0x2780  }
0xb: {  	[sflag:s6] =	ssyncset.done $0x0  }
0xc: {  	s9 =	simm.s32 $0x0;
	[sflag:s6] =	ssyncadd.s32 $0xFFFFD880  }
.LBB2_2:
0xd: {  	p0 =	sne.s32 s9, $0x2770  }
.Ltmp0:
0xe: {  	_ = 	snop;
	(pc) =	sbr.rel @p0 .LBB2_2-.Ltmp0, $3  }
0xf: {  	_ =	sdelay $0x1  }
0x10: {  	s10 =	sand.u32 $0x3FF0, s9  }
0x11: {  	s9 =	sadd.s32 $0x10, s9;
	[tilespmem:s10+$0x2800] =	vst v0  }
0x12: {  	s9 =	simm.s32 $0x0  }
0x13: {  	s10 =	sand.u32 $0x3FF0, s9;
	s9 =	simm.s32 $0x10  }
.LBB2_4:
0x14: {  	p0 =	sne.s32 s9, $0x2700;
	v2 =	vld [tilespmem:s10+$0x0];
	_ =	sdelay $0x3  }
.Ltmp1:
0x15: {  	(pc) =	sbr.rel @p0 .LBB2_4-.Ltmp1, $2  }
0x16: {  	_ =	sdelay $0x2  }
0x17: {  	s10 =	sand.u32 $0x3FF0, s9;
	s9 =	sadd.s32 $0x10, s9;
	[tilespmem:v2+s7+$0x0] =	vst.idx.add.f32.msk $0xffff, v1  }
0x18: {  	v2 =	vld [tilespmem:s10+$0x0];
	_ =	sdelay $0x5  }
0x19: {  	s8 =	sadd.s32 $0x1, s8  }
0x1a: {  	p0 =	sne.s32 s8, s5  }
.Ltmp2:
0x1b: {  	[tilespmem:v2+s7+$0x0] =	vst.idx.add.f32.msk $0xffff, v1;
	(pc) =	sbr.rel @p0 .LBB2_1-.Ltmp2, $4  }
0x1c: {  	[hbm4b:s4+s2] =	stream.linear.scatter [tilespmem:s7], [sflag:$0x1], $0x2780, $0x38;
	[tilespmem:$0x5000] =	vst v63  }
0x1d: {  	_ =	swait.ge [sflag:s6], $0x2780  }
0x1e: {  	[sflag:s6] =	ssyncset.done $0x0  }
0x1f: {  	[sflag:s6] =	ssyncadd.s32 $0xFFFFD880  }
0x20: {  	_ =	sfence.sel $0x180000  }
0x21: {  	[bflag:$0x0] =	sbarrier.arrive $0xFFFF  }
0x22: {  	p0 =	sne.s32 s1, $0x0;
	_ =	strace $0x90000047  }
0x23: {  	s0 =	sadd.s32 @!p0 $0x100000, s0;
	[bflag:$0x2] =	sbarrier.arrive $0xFFFF  }
0x24: {  	[sflag:s0] =	ssyncadd.tile.s32 @!p0 $0x1;
	_ =	shalt  }
.Lfunc_end2:
_tile_overlayer_lowered:
.L_overlay_start_2:
0x25: {  	(tag) =	ssettag $0x2  }
0x26: {  	s0 =	rddreg [dreg:$0x0];
	s2 =	stileid.u32  }
0x27: {  	s1 =	rddreg [dreg:$0x1];
	p0 =	sne.s32 s2, $0x0  }
0x28: {  	s3 =	rddreg [dreg:$0x2];
	[bflag:$0x3] =	sbarrier.arrive $0xFFFF;
	s2 =	simm.s32 @!p0 $0x1C01  }
0x29: {  	[timem:s3], [sflag:s2] =	dma.local @!p0 [hbm:s0], s1  }
0x2a: {  	s0 =	simm.s32 @!p0 $0x1  }
0x2b: {  	_ =	swait.ge @!p0 [sflag:s0], s1  }
0x2c: {  	s1 =	ssub.s32 @!p0 $0x0, s1;
	[sflag:s0] =	ssyncset.done @!p0 $0x0  }
0x2d: {  	[sflag:s0] =	ssyncadd.s32 @!p0 s1  }
0x2e: {  	[bflag:$0x3] =	sbarrier.arrive $0xFFFF  }
0x2f: {  	_ =	shalt  }

// kernel: kernel.14.cloned.1.call-start
scs
__scs_entry_jumppad:
0x0: {  	(pc) =	sbr.rel $0x88, $3  }
0x1: {  	(tag) =	ssettag $0x0;
	lr =	simm.s32 $0x1  }
0x2: {  	[smem:$0x3F96] =	sst lr;
	_ =	strace $0xD0000000  }
0x3: {  	_ = 	snop  }
0x4: {  	_ = 	snop  }
0x5: {  	_ = 	snop  }
0x6: {  	_ = 	snop  }
0x7: {  	_ = 	snop  }
__scs_overlays_trampoline_lowered:
0x8: {  	[smem:$0x3FA5] =	sst s0  }
0x9: {  	[smem:$0x3FA6] =	sst s1  }
0xa: {  	[smem:$0x3FA7] =	sst s2  }
0xb: {  	[smem:$0x3FA8] =	sst s3  }
0xc: {  	[smem:$0x3FA9] =	sst s4  }
0xd: {  	[smem:$0x3FAA] =	sst s5  }
0xe: {  	[smem:$0x3FAB] =	sst s6  }
0xf: {  	[smem:$0x3FAC] =	sst s7  }
0x10: {  	[smem:$0x3FAD] =	sst s8  }
0x11: {  	[smem:$0x3FAE] =	sst s9;
	s0 =	simm.s32 @!p0 $0x0  }
0x12: {  	s1 =	sld [smem:$0x3F94];
	s0 =	simm.s32 @p0 $0x1  }
0x13: {  	[smem:$0x3FAF] =	sst s0;
	s0 =	simm.s32 @!p1 $0x0  }
0x14: {  	s2 =	sld [smem:$0x3F93];
	s0 =	simm.s32 @p1 $0x1  }
0x15: {  	[smem:$0x3FB0] =	sst s0;
	s0 =	simm.s32 @!p2 $0x0  }
0x16: {  	s3 =	sld [smem:$0x3FDB];
	s0 =	simm.s32 @p2 $0x1  }
0x17: {  	s4 =	simm.s32 $0x1BF5;
	[smem:$0x3FB2] =	sst s0  }
0x18: {  	s0 =	sld [smem:$0x3F95];
	_ =	swait.ge [sflag:s4], $0x0  }
0x19: {  	s7 =	sld [smem:$0x3F96]  }
0x1a: {  	s8 =	sadd.s32 $0xFFFFE003, lr  }
0x1b: {  	s9 =	sadd.s32 $0xFFFFFEF7, lr;
	s5 =	simm.s32 $0xFFFFFFFF;
	p2 =	slt.u32 s8, $0xFFFFF086  }
0x1c: {  	p1 =	slt.u32 s9, $0xF7A;
	s5 =	simm.s32 @!p2 $0x0  }
0x1d: {  	s5 =	simm.s32 @p1 $0x1;
	p0 =	seq.s32 s7, s2  }
0x1e: {  	s7 =	smul.u32 @!p0 $0xF7A, s2;
	p2 =	seq.s32 @!p0 s5, $0x0  }
0x1f: {  	s9 =	smul.u32 $0xF7A, s1;
	s8 =	simm.s32 @!p0 $0x1BF5;
	p2 =	por !p2, p0  }
0x20: {  	[sflag:s8] =	ssyncset.s32 @!p0 $0xFFFFF086;
	s6 =	sadd.s32 @!p0 s3, s7;
	s7 =	simm.s32 @!p0 $0x108  }
0x21: {  	s3 =	sadd.s32 s3, s9;
	s6 =	sadd.s32 @!p0 $0x88, s6;
	s7 =	simm.s32 @p2 $0x1082  }
0x22: {  	[simem:s7], [sflag:s8] =	dma.local @!p0 [hbm:s6], $0xF7A  }
0x23: {  	s9 =	sor.u32 $0xD0000000, s2;
	s6 =	simm.s32 $0x108;
	_ =	swait.ge @!p0 [sflag:s8], $0x0  }
0x24: {  	s3 =	sadd.s32 $0x88, s3;
	s6 =	simm.s32 @!p1 $0x1082;
	[sflag:s4] =	ssyncset.s32 $0xFFFFF086  }
0x25: {  	[simem:s6], [sflag:s4] =	dma.local [hbm:s3], $0xF7A  }
0x26: {  	[smem:$0x3F96] =	sst s1;
	(tag) =	ssettag s2;
	_ =	strace s9  }
0x27: {  	s1 =	sld [smem:$0x3FA6]  }
0x28: {  	s2 =	sld [smem:$0x3FA7]  }
0x29: {  	s4 =	sld [smem:$0x3FA9]  }
0x2a: {  	p0 =	seq.s32 s5, $0x0;
	s5 =	sld [smem:$0x3FAA]  }
0x2b: {  	s6 =	sld [smem:$0x3FAB]  }
0x2c: {  	s7 =	sld [smem:$0x3FAC]  }
0x2d: {  	s3 =	simm.s32 $0x108;
	s8 =	sld [smem:$0x3FAD]  }
0x2e: {  	s3 =	simm.s32 @!p0 $0x1082;
	s9 =	sld [smem:$0x3FAE]  }
0x2f: {  	lr =	sadd.s32 s0, s3;
	s0 =	sld [smem:$0x3FA5]  }
0x30: {  	s3 =	sld [smem:$0x3FA8]  }
0x31: {  	[smem:$0x3FB1] =	sst s10  }
0x32: {  	s10 =	sld [smem:$0x3FAF];
	_ =	sdelay $0x3  }
0x33: {  	p0 =	seq.s32 s10, $0x1;
	s10 =	sld [smem:$0x3FB1];
	_ =	sdelay $0x3  }
0x34: {  	[smem:$0x3FB1] =	sst s10  }
0x35: {  	s10 =	sld [smem:$0x3FB0];
	_ =	sdelay $0x3  }
0x36: {  	p1 =	seq.s32 s10, $0x1;
	s10 =	sld [smem:$0x3FB1];
	_ =	sdelay $0x3  }
0x37: {  	[smem:$0x3FB1] =	sst s10  }
0x38: {  	s10 =	sld [smem:$0x3FB2]  }
0x39: {  	_ = 	snop;
	(pc) =	sbr.ind lr, $3  }
0x3a: {  	_ = 	snop  }
0x3b: {  	_ = 	snop  }
0x3c: {  	p2 =	seq.s32 s10, $0x1;
	s10 =	sld [smem:$0x3FB1]  }
0x3d: {  	_ =	shalt  }
0x3e: {  	_ =	shalt  }
0x3f: {  	_ =	shalt  }
0x40: {  	_ =	shalt  }
0x41: {  	_ =	shalt  }
0x42: {  	_ =	shalt  }
0x43: {  	_ =	shalt  }
0x44: {  	_ =	shalt  }
0x45: {  	_ =	shalt  }
0x46: {  	_ =	shalt  }
0x47: {  	_ =	shalt  }
0x48: {  	_ =	shalt  }
0x49: {  	_ =	shalt  }
0x4a: {  	_ =	shalt  }
0x4b: {  	_ =	shalt  }
0x4c: {  	_ =	shalt  }
0x4d: {  	_ =	shalt  }
0x4e: {  	_ =	shalt  }
0x4f: {  	_ =	shalt  }
0x50: {  	_ =	shalt  }
0x51: {  	_ =	shalt  }
0x52: {  	_ =	shalt  }
0x53: {  	_ =	shalt  }
0x54: {  	_ =	shalt  }
0x55: {  	_ =	shalt  }
0x56: {  	_ =	shalt  }
0x57: {  	_ =	shalt  }
0x58: {  	_ =	shalt  }
0x59: {  	_ =	shalt  }
0x5a: {  	_ =	shalt  }
0x5b: {  	_ =	shalt  }
0x5c: {  	_ =	shalt  }
0x5d: {  	_ =	shalt  }
0x5e: {  	_ =	shalt  }
0x5f: {  	_ =	shalt  }
0x60: {  	_ =	shalt  }
0x61: {  	_ =	shalt  }
0x62: {  	_ =	shalt  }
0x63: {  	_ =	shalt  }
0x64: {  	_ =	shalt  }
0x65: {  	_ =	shalt  }
0x66: {  	_ =	shalt  }
0x67: {  	_ =	shalt  }
0x68: {  	_ =	shalt  }
0x69: {  	_ =	shalt  }
0x6a: {  	_ =	shalt  }
0x6b: {  	_ =	shalt  }
0x6c: {  	_ =	shalt  }
0x6d: {  	_ =	shalt  }
0x6e: {  	_ =	shalt  }
0x6f: {  	_ =	shalt  }
0x70: {  	_ =	shalt  }
0x71: {  	_ =	shalt  }
0x72: {  	_ =	shalt  }
0x73: {  	_ =	shalt  }
0x74: {  	_ =	shalt  }
0x75: {  	_ =	shalt  }
0x76: {  	_ =	shalt  }
0x77: {  	_ =	shalt  }
0x78: {  	_ =	shalt  }
0x79: {  	_ =	shalt  }
0x7a: {  	_ =	shalt  }
0x7b: {  	_ =	shalt  }
0x7c: {  	_ =	shalt  }
0x7d: {  	_ =	shalt  }
0x7e: {  	_ =	shalt  }
0x7f: {  	_ =	shalt  }
0x80: {  	_ =	shalt  }
0x81: {  	_ =	shalt  }
0x82: {  	_ =	shalt  }
0x83: {  	_ =	shalt  }
0x84: {  	_ =	shalt  }
0x85: {  	_ =	shalt  }
0x86: {  	_ =	shalt  }
0x87: {  	_ =	shalt  }
.Lfunc_end0:
.L_simem_size_0:
called_computation.1_lowered:
.L_overlay_start_0:
0x88: {  	s2 =	sld [smem:$0x3FD9]  }
0x89: {  	s3 =	sld [smem:$0x3FFE];
	_ =	sdelay $0x1  }
0x8a: {  	s1 =	srdreg.scid  }
0x8b: {  	s0 =	sand.u32 $0x1, s1  }
0x8c: {  	s16 =	sshll.u32 s0, $0xA;
	s2 =	sadd.s32 s3, s2  }
0x8d: {  	s2 =	sadd.s32 s2, s16  }
0x8e: {  	[smem:$0x3FBD] =	sst s2  }
0x8f: {  	_ = 	snop  }
0x90: {  	(tm) =	ssettm $0x1  }
0x91: {  	s17 =	sld [smem:$0x3FFB];
	_ =	sdelay $0x3  }
0x92: {  	_ =	strace s17  }
0x93: {  	s2 =	sld [smem:$0x3FFC];
	_ =	sdelay $0x3  }
0x94: {  	_ =	strace s2  }
0x95: {  	s2 =	sld [smem:$0x3FFD];
	_ =	sdelay $0x3  }
0x96: {  	_ =	strace s2  }
0x97: {  	_ =	strace $0x8FFFFFFF  }
0x98: {  	s18 =	sld [smem:$0x3FDB];
	_ =	sdelay $0x1  }
0x99: {  	s19 =	simm.s32 $_scs_section_size  }
0x9a: {  	s4 =	simm.s32 $_size__tile_overlayer_lowered;
	s5 =	simm.s32 $_tile_overlayer_lowered  }
0x9b: {  	s22 =	simm.s32 $0x1BFF;
	s21 =	sshll.u32 s5, $0x1;
	s2 =	sadd.s32 s19, s18  }
0x9c: {  	s6 =	simm.s32 $0x0;
	s20 =	sshll.u32 s4, $0x1;
	s4 =	sadd.s32 s21, s2  }
0x9d: {  	[timem:s6], [sflag:s22] =	dma.local [hbm:s4], s20  }
0x9e: {  	_ =	swait.ge [sflag:s22], s20  }
0x9f: {  	s3 =	ssub.s32 $0x0, s20;
	[sflag:s22] =	ssyncset.done $0x0  }
0xa0: {  	[sflag:s22] =	ssyncadd.s32 s3;
	_ =	sdelay $0x1  }
0xa1: {  	s23 =	simm.s32 $0x1B8B  }
0xa2: {  	_ =	swait.ge [sflag:s23], $0x1  }
0xa3: {  	[sflag:s23] =	ssyncset.done $0x0  }
0xa4: {  	s25 =	simm.s32 $0x1B8E;
	s24 =	sld [smem:$0x3FFE];
	[sflag:s23] =	ssyncadd.s32 $0xFFFFFFFF  }
0xa5: {  	s26 =	simm.s32 $execute0_lowered;
	[smem:$0x3FD2] =	sst s25  }
0xa6: {  	s4 =	sshll.u32 s26, $0x1;
	_ =	strace $0x80000049;
	[dreg:$0x1] =	wrdreg $0xFFFFFFFF  }
0xa7: {  	s28 =	simm.s32 $_size_execute0_lowered;
	s2 =	sadd.s32 s2, s4;
	[dreg:$0x0] =	wrdreg $0x0  }
0xa8: {  	s4 =	sshll.u32 s28, $0x1;
	[dreg:$0x2] =	wrdreg s2  }
0xa9: {  	[dreg:$0x3] =	wrdreg s4  }
0xaa: {  	[dreg:$0x4] =	wrdreg $0xC0  }
0xab: {  	_ =	task [dreg:s6], $0x5FFFF  }
0xac: {  	[dreg:$0x1] =	wrdreg $0xFFFFFFFF  }
0xad: {  	[dreg:$0x0] =	wrdreg $0x60  }
0xae: {  	[dreg:$0x2] =	wrdreg s24  }
0xaf: {  	[dreg:$0x3] =	wrdreg $0xA8000  }
0xb0: {  	[dreg:$0x4] =	wrdreg $0x9  }
0xb1: {  	_ =	task.clear_ibuf [dreg:s6], $0x5FFFF;
	_ =	strace $0x90000049  }
0xb2: {  	s29 =	simm.s32 $0x9;
	_ =	strace $0x8000004B  }
0xb3: {  	_ =	swait.ge [sflag:s29], $0x1  }
0xb4: {  	[sflag:s29] =	ssyncadd.s32 $0xFFFFFFFF  }
0xb5: {  	_ =	strace $0x9000004B  }
0xb6: {  	_ =	sfence  }
0xb7: {  	s30 =	sld [smem:$0x0];
	_ =	sdelay $0x2  }
0xb8: {  	s31 =	sshll.u32 s1, $0xD;
	s1 =	sshrl.u32 s1, $0x2  }
0xb9: {  	s3 =	sand.u32 $0x4000, s31;
	s1 =	sadd.s32 s1, s30  }
0xba: {  	s0 =	sor.u32 s3, s0;
	s1 =	sshll.u32 s1, $0x11  }
0xbb: {  	s0 =	sor.u32 s1, s0  }
0xbc: {  	s0 =	sadd.s32 $0x8F2B, s0  }
0xbd: {  	[sflag:s0] =	ssyncadd.remote.s32 $0x1  }
0xbe: {  	_ =	sfence.sel $0xFFFF  }
0xbf: {  	[dreg:$0x0] =	wrdreg $0xFFFFFFFF;
	(pc) =	sbr.abs _section_cstart, $3  }
0xc0: {  	[dreg:$0x1] =	wrdreg $0xFFFFFFFF  }
0xc1: {  	_ =	task.clear_ibuf [dreg:s6], $0x2FFFF;
	_ =	strace $0x9FFFFFFF  }
0xc2: {  	(tm) =	ssettm $0x7FFFFFFF  }
0xc3: {  	_ =	shalt  }
tec
execute0_lowered:
.L_overlay_start_1:
0x0: {  	(tag) =	ssettag $0x1  }
0x1: {  	s0 =	srdreg.scid;
	s5 =	rddreg [dreg:$0x0]  }
0x2: {  	s2 =	rddreg [dreg:$0x1];
	s1 =	stileid.u32  }
0x3: {  	s3 =	simm.s32 $0x0;
	s15 =	simm.s32 $0x1400;
	s16 =	simm.s32 $0x80  }
0x4: {  	s17 =	simm.s32 $0x2800;
	s18 =	simm.s32 $0x6800;
	s19 =	simm.s32 $0x1  }
0x5: {  	s20 =	simm.s32 $0x2;
	s21 =	simm.s32 $0x2700;
	s22 =	simm.s32 $0x2780  }
0x6: {  	s4 =	sand.u32 $0x1, s0;
	s0 =	rddreg [dreg:$0x2];
	s7 =	smul.u32 $0x4F000, s1  }
0x7: {  	[smem:$0x7FF] =	sst s3;
	s24 =	smul.u32 $0x2780, s1;
	s6 =	sshll.u32 s4, $0x4  }
0x8: {  	_ =	strace $0x8000004A;
	s31 =	smul.u32 $0x27800, s4;
	s8 =	ssub.s32 $0x2, s4  }
0x9: {  	s4 =	sadd.s32 $0x2B400, s5;
	s6 =	sor.u32 s1, s6;
	s9 =	sshrl.u32 s8, $0x1  }
0xa: {  	s6 =	smul.u32 $0x500, s6;
	s13 =	sadd.s32 s31, s5;
	s14 =	ssub.s32 s8, s9  }
0xb: {  	s7 =	sshrl.u32 s7, $0x2;
	s23 =	sadd.s32 $0x52600, s13;
	s13 =	smax.u32 s14, $0x1  }
0xc: {  	s14 =	simm.s32 $0x3;
	s12 =	sadd.s32 s6, s5;
	s5 =	sadd.s32 s7, s2  }
0xd: {  	s23 =	sadd.s32 s24, s23;
	s24 =	simm.s32 $0x0;
	s6 =	sadd.s32 $0x21400, s12  }
0xe: {  	s7 =	sadd.s32 $0x17400, s12;
	s8 =	sadd.s32 $0x4000, s5;
	s9 =	sadd.s32 $0x8000, s5  }
0xf: {  	v0 =	vimm.f32 $0.0e+00;
	s10 =	sadd.s32 $0xC000, s5;
	s11 =	sadd.s32 $0x10000, s5;
	s12 =	sadd.s32 $0x21680, s12  }
.LBB2_1:
0x10: {  	s25 =	simm.s32 $0x10;
	s26 =	sand.u32 $0x3FF0, s3  }
.LBB2_2:
0x11: {  	p0 =	sne.s32 s25, $0x3FF0;
	[tilespmem:s26+$0x6800] =	vst v0;
	s26 =	smov.u32 s25;
	s25 =	sadd.s32 $0x10, s25  }
.Ltmp0:
0x12: {  	(pc) =	sbr.rel @p0 .LBB2_2-.Ltmp0, $2  }
0x13: {  	_ =	sdelay $0x2  }
0x14: {  	s26 =	sand.u32 $0x3FF0, s26  }
0x15: {  	[tilespmem:s26+$0x6800] =	vst v0;
	s25 =	simm.s32 $0x0  }
0x16: {  	[tilespmem:s25], [sflag:$0x3] =	stream.linear.gather [hbm4b:s6+s25], $0x1400, $0x38;
	[tilespmem:$0x1E400] =	vst v63  }
0x17: {  	_ =	swait.ge [sflag:s14], $0x1400  }
0x18: {  	[sflag:s14] =	ssyncset.done $0x0  }
0x19: {  	[sflag:s14] =	ssyncadd.s32 $0xFFFFEC00  }
0x1a: {  	[tilespmem:s15], [sflag:$0x3] =	stream.linear.gather [hbm4b:s7+s25], $0x1400, $0x38;
	[tilespmem:$0x1E400] =	vst v63  }
0x1b: {  	_ =	swait.ge [sflag:s14], $0x1400  }
0x1c: {  	[sflag:s14] =	ssyncset.done $0x0  }
0x1d: {  	[sflag:s14] =	ssyncadd.s32 $0xFFFFEC00  }
0x1e: {  	[tilespmem:s17], [sflag:$0x1] =	stream.indirect.gather [hbm4b:s4+s16], $0x80, s25, s16, $0xb8;
	[tilespmem:$0x1E400] =	vst v63  }
0x1f: {  	_ = 	snop  }
0x20: {  	[spmem:s5] =	stream.linear.scatter [tilespmem:s18], [sflag:$0x3], $0x4000, $0x38;
	[tilespmem:$0x1E400] =	vst v63  }
0x21: {  	_ =	swait.ge [sflag:s14], $0x4000  }
0x22: {  	[sflag:s14] =	ssyncset.done $0x0  }
0x23: {  	[sflag:s14] =	ssyncadd.s32 $0xFFFFC000  }
0x24: {  	[spmem:s8] =	stream.linear.scatter [tilespmem:s18], [sflag:$0x3], $0x4000, $0x38;
	[tilespmem:$0x1E400] =	vst v63  }
0x25: {  	_ =	swait.ge [sflag:s14], $0x4000  }
0x26: {  	[sflag:s14] =	ssyncset.done $0x0  }
0x27: {  	[sflag:s14] =	ssyncadd.s32 $0xFFFFC000  }
0x28: {  	[spmem:s9] =	stream.linear.scatter [tilespmem:s18], [sflag:$0x3], $0x4000, $0x38;
	[tilespmem:$0x1E400] =	vst v63  }
0x29: {  	_ =	swait.ge [sflag:s14], $0x4000  }
0x2a: {  	[sflag:s14] =	ssyncset.done $0x0  }
0x2b: {  	[sflag:s14] =	ssyncadd.s32 $0xFFFFC000  }
0x2c: {  	[spmem:s10] =	stream.linear.scatter [tilespmem:s18], [sflag:$0x3], $0x4000, $0x38;
	[tilespmem:$0x1E400] =	vst v63  }
0x2d: {  	_ =	swait.ge [sflag:s14], $0x4000  }
0x2e: {  	[sflag:s14] =	ssyncset.done $0x0  }
0x2f: {  	[sflag:s14] =	ssyncadd.s32 $0xFFFFC000  }
0x30: {  	[spmem:s11] =	stream.linear.scatter [tilespmem:s18], [sflag:$0x3], $0x3C00, $0x38;
	[tilespmem:$0x1E400] =	vst v63  }
0x31: {  	_ =	swait.ge [sflag:s14], $0x3C00  }
0x32: {  	[sflag:s14] =	ssyncset.done $0x0  }
0x33: {  	[sflag:s14] =	ssyncadd.s32 $0xFFFFC400  }
0x34: {  	[tilespmem:s18], [sflag:$0x2] =	stream.indirect.gather [hbm4b:s4+s16], $0x80, s16, s16, $0xb8;
	[tilespmem:$0x1E400] =	vst v63  }
0x35: {  	[bflag:$0x0] =	sbarrier.arrive $0xFFFF  }
0x36: {  	_ =	swait.ge [sflag:s19], $0x4000  }
0x37: {  	[sflag:s19] =	ssyncset.done $0x0  }
0x38: {  	s29 =	simm.s32 $0x1400;
	[sflag:s19] =	ssyncadd.s32 $0xFFFFC000  }
0x39: {  	[spmem:s2] =	stream.indirect.scatter.add.f32 [tilespmem:s17], [sflag:$0x3], $0x80, s29, s16, $0xb8;
	[tilespmem:$0x1E400] =	vst v63  }
0x3a: {  	_ =	swait.ge [sflag:s14], $0x4000  }
0x3b: {  	[sflag:s14] =	ssyncset.done $0x0  }
0x3c: {  	s30 =	simm.s32 $0x100;
	[sflag:s14] =	ssyncadd.s32 $0xFFFFC000  }
0x3d: {  	[tilespmem:s17], [sflag:$0x1] =	stream.indirect.gather [hbm4b:s4+s16], $0x80, s30, s16, $0xb8;
	[tilespmem:$0x1E400] =	vst v63  }
0x3e: {  	_ =	swait.ge [sflag:s20], $0x4000  }
0x3f: {  	[sflag:s20] =	ssyncset.done $0x0  }
0x40: {  	s31 =	simm.s32 $0x1480;
	[sflag:s20] =	ssyncadd.s32 $0xFFFFC000  }
0x41: {  	[spmem:s2] =	stream.indirect.scatter.add.f32 [tilespmem:s18], [sflag:$0x3], $0x80, s31, s16, $0xb8;
	[tilespmem:$0x1E400] =	vst v63  }
0x42: {  	_ =	swait.ge [sflag:s14], $0x4000  }
0x43: {  	[sflag:s14] =	ssyncset.done $0x0  }
0x44: {  	s26 =	simm.s32 $0x180;
	s25 =	simm.s32 $0x400;
	[sflag:s14] =	ssyncadd.s32 $0xFFFFC000  }
.LBB2_4:
0x45: {  	[tilespmem:s18], [sflag:$0x2] =	stream.indirect.gather [hbm4b:s4+s16], $0x80, s26, s16, $0xb8;
	[tilespmem:$0x1E400] =	vst v63  }
0x46: {  	s26 =	smov.u32 s25  }
0x47: {  	p0 =	sne.s32 s25, $0x4800;
	s25 =	sadd.s32 $0x400, s25;
	_ =	swait.ge [sflag:s19], $0x4000  }
0x48: {  	s26 =	sshra.s32 s26, $0x2;
	[sflag:s19] =	ssyncset.done $0x0  }
0x49: {  	s28 =	sadd.s32 $0x1400, s26;
	[sflag:s19] =	ssyncadd.s32 $0xFFFFC000  }
0x4a: {  	[spmem:s2] =	stream.indirect.scatter.add.f32 [tilespmem:s17], [sflag:$0x3], $0x80, s28, s16, $0xb8;
	[tilespmem:$0x1E400] =	vst v63  }
0x4b: {  	_ =	swait.ge [sflag:s14], $0x4000  }
0x4c: {  	[sflag:s14] =	ssyncset.done $0x0  }
0x4d: {  	s28 =	sadd.s32 $0x100, s26;
	[sflag:s14] =	ssyncadd.s32 $0xFFFFC000  }
0x4e: {  	[tilespmem:s17], [sflag:$0x1] =	stream.indirect.gather [hbm4b:s4+s16], $0x80, s28, s16, $0xb8;
	[tilespmem:$0x1E400] =	vst v63  }
0x4f: {  	_ =	swait.ge [sflag:s20], $0x4000  }
0x50: {  	[sflag:s20] =	ssyncset.done $0x0  }
.Ltmp1:
0x51: {  	s28 =	sadd.s32 $0x1480, s26;
	[sflag:s20] =	ssyncadd.s32 $0xFFFFC000;
	(pc) =	sbr.rel @p0 .LBB2_4-.Ltmp1, $4  }
0x52: {  	[spmem:s2] =	stream.indirect.scatter.add.f32 [tilespmem:s18], [sflag:$0x3], $0x80, s28, s16, $0xb8;
	[tilespmem:$0x1E400] =	vst v63  }
0x53: {  	_ =	swait.ge [sflag:s14], $0x4000  }
0x54: {  	[sflag:s14] =	ssyncset.done $0x0  }
0x55: {  	s26 =	sadd.s32 $0x180, s26;
	[sflag:s14] =	ssyncadd.s32 $0xFFFFC000  }
0x56: {  	[tilespmem:s18], [sflag:$0x2] =	stream.indirect.gather [hbm4b:s4+s16], $0x80, s26, s16, $0xb8;
	[tilespmem:$0x1E400] =	vst v63  }
0x57: {  	_ =	swait.ge [sflag:s19], $0x4000  }
0x58: {  	[sflag:s19] =	ssyncset.done $0x0  }
0x59: {  	[sflag:s19] =	ssyncadd.s32 $0xFFFFC000  }
0x5a: {  	[spmem:s2] =	stream.indirect.scatter.add.f32 [tilespmem:s17], [sflag:$0x3], $0x80, s21, s16, $0xb8;
	[tilespmem:$0x1E400] =	vst v63  }
0x5b: {  	_ =	swait.ge [sflag:s14], $0x4000  }
0x5c: {  	[sflag:s14] =	ssyncset.done $0x0  }
0x5d: {  	[sflag:s14] =	ssyncadd.s32 $0xFFFFC000  }
0x5e: {  	_ =	swait.ge [sflag:s20], $0x4000  }
0x5f: {  	[sflag:s20] =	ssyncset.done $0x0  }
0x60: {  	[sflag:s20] =	ssyncadd.s32 $0xFFFFC000  }
0x61: {  	[spmem:s2] =	stream.indirect.scatter.add.f32 [tilespmem:s18], [sflag:$0x3], $0x80, s22, s16, $0xb8;
	[tilespmem:$0x1E400] =	vst v63  }
0x62: {  	_ =	swait.ge [sflag:s14], $0x4000  }
0x63: {  	[sflag:s14] =	ssyncset.done $0x0  }
0x64: {  	s25 =	simm.s32 $0x0;
	[sflag:s14] =	ssyncadd.s32 $0xFFFFC000  }
0x65: {  	[tilespmem:s25], [sflag:$0x3] =	stream.linear.gather [hbm4b:s12+s25], $0x1400, $0x38;
	[tilespmem:$0x1E400] =	vst v63  }
0x66: {  	_ =	swait.ge [sflag:s14], $0x1400  }
0x67: {  	[sflag:s14] =	ssyncset.done $0x0  }
0x68: {  	s28 =	sadd.s32 $0x280, s7;
	[sflag:s14] =	ssyncadd.s32 $0xFFFFEC00  }
0x69: {  	[tilespmem:s15], [sflag:$0x3] =	stream.linear.gather [hbm4b:s28+s25], $0x1400, $0x38;
	[tilespmem:$0x1E400] =	vst v63  }
0x6a: {  	_ =	swait.ge [sflag:s14], $0x1400  }
0x6b: {  	[sflag:s14] =	ssyncset.done $0x0  }
0x6c: {  	[sflag:s14] =	ssyncadd.s32 $0xFFFFEC00  }
0x6d: {  	[tilespmem:s17], [sflag:$0x1] =	stream.indirect.gather [hbm4b:s4+s16], $0x80, s25, s16, $0xb8;
	[tilespmem:$0x1E400] =	vst v63  }
0x6e: {  	_ = 	snop  }
0x6f: {  	[tilespmem:s18], [sflag:$0x2] =	stream.indirect.gather [hbm4b:s4+s16], $0x80, s16, s16, $0xb8;
	[tilespmem:$0x1E400] =	vst v63  }
0x70: {  	_ =	swait.ge [sflag:s19], $0x4000  }
0x71: {  	[sflag:s19] =	ssyncset.done $0x0  }
0x72: {  	s29 =	simm.s32 $0x1400;
	[sflag:s19] =	ssyncadd.s32 $0xFFFFC000  }
0x73: {  	[spmem:s2] =	stream.indirect.scatter.add.f32 [tilespmem:s17], [sflag:$0x3], $0x80, s29, s16, $0xb8;
	[tilespmem:$0x1E400] =	vst v63  }
0x74: {  	_ =	swait.ge [sflag:s14], $0x4000  }
0x75: {  	[sflag:s14] =	ssyncset.done $0x0  }
0x76: {  	s30 =	simm.s32 $0x100;
	[sflag:s14] =	ssyncadd.s32 $0xFFFFC000  }
0x77: {  	[tilespmem:s17], [sflag:$0x1] =	stream.indirect.gather [hbm4b:s4+s16], $0x80, s30, s16, $0xb8;
	[tilespmem:$0x1E400] =	vst v63  }
0x78: {  	_ =	swait.ge [sflag:s20], $0x4000  }
0x79: {  	[sflag:s20] =	ssyncset.done $0x0  }
0x7a: {  	s31 =	simm.s32 $0x1480;
	[sflag:s20] =	ssyncadd.s32 $0xFFFFC000  }
0x7b: {  	[spmem:s2] =	stream.indirect.scatter.add.f32 [tilespmem:s18], [sflag:$0x3], $0x80, s31, s16, $0xb8;
	[tilespmem:$0x1E400] =	vst v63  }
0x7c: {  	_ =	swait.ge [sflag:s14], $0x4000  }
0x7d: {  	[sflag:s14] =	ssyncset.done $0x0  }
0x7e: {  	s26 =	simm.s32 $0x180;
	s25 =	simm.s32 $0x400;
	[sflag:s14] =	ssyncadd.s32 $0xFFFFC000  }
.LBB2_6:
0x7f: {  	[tilespmem:s18], [sflag:$0x2] =	stream.indirect.gather [hbm4b:s4+s16], $0x80, s26, s16, $0xb8;
	[tilespmem:$0x1E400] =	vst v63  }
0x80: {  	s26 =	smov.u32 s25  }
0x81: {  	p0 =	sne.s32 s25, $0x4800;
	s25 =	sadd.s32 $0x400, s25;
	_ =	swait.ge [sflag:s19], $0x4000  }
0x82: {  	s26 =	sshra.s32 s26, $0x2;
	[sflag:s19] =	ssyncset.done $0x0  }
0x83: {  	s28 =	sadd.s32 $0x1400, s26;
	[sflag:s19] =	ssyncadd.s32 $0xFFFFC000  }
0x84: {  	[spmem:s2] =	stream.indirect.scatter.add.f32 [tilespmem:s17], [sflag:$0x3], $0x80, s28, s16, $0xb8;
	[tilespmem:$0x1E400] =	vst v63  }
0x85: {  	_ =	swait.ge [sflag:s14], $0x4000  }
0x86: {  	[sflag:s14] =	ssyncset.done $0x0  }
0x87: {  	s28 =	sadd.s32 $0x100, s26;
	[sflag:s14] =	ssyncadd.s32 $0xFFFFC000  }
0x88: {  	[tilespmem:s17], [sflag:$0x1] =	stream.indirect.gather [hbm4b:s4+s16], $0x80, s28, s16, $0xb8;
	[tilespmem:$0x1E400] =	vst v63  }
0x89: {  	_ =	swait.ge [sflag:s20], $0x4000  }
0x8a: {  	[sflag:s20] =	ssyncset.done $0x0  }
.Ltmp2:
0x8b: {  	s28 =	sadd.s32 $0x1480, s26;
	[sflag:s20] =	ssyncadd.s32 $0xFFFFC000;
	(pc) =	sbr.rel @p0 .LBB2_6-.Ltmp2, $4  }
0x8c: {  	[spmem:s2] =	stream.indirect.scatter.add.f32 [tilespmem:s18], [sflag:$0x3], $0x80, s28, s16, $0xb8;
	[tilespmem:$0x1E400] =	vst v63  }
0x8d: {  	_ =	swait.ge [sflag:s14], $0x4000  }
0x8e: {  	[sflag:s14] =	ssyncset.done $0x0  }
0x8f: {  	s26 =	sadd.s32 $0x180, s26;
	[sflag:s14] =	ssyncadd.s32 $0xFFFFC000  }
0x90: {  	[tilespmem:s18], [sflag:$0x2] =	stream.indirect.gather [hbm4b:s4+s16], $0x80, s26, s16, $0xb8;
	[tilespmem:$0x1E400] =	vst v63  }
0x91: {  	_ =	swait.ge [sflag:s19], $0x4000  }
0x92: {  	[sflag:s19] =	ssyncset.done $0x0  }
0x93: {  	[sflag:s19] =	ssyncadd.s32 $0xFFFFC000  }
0x94: {  	[spmem:s2] =	stream.indirect.scatter.add.f32 [tilespmem:s17], [sflag:$0x3], $0x80, s21, s16, $0xb8;
	[tilespmem:$0x1E400] =	vst v63  }
0x95: {  	_ =	swait.ge [sflag:s14], $0x4000  }
0x96: {  	[sflag:s14] =	ssyncset.done $0x0  }
0x97: {  	[sflag:s14] =	ssyncadd.s32 $0xFFFFC000  }
0x98: {  	_ =	swait.ge [sflag:s20], $0x4000  }
0x99: {  	[sflag:s20] =	ssyncset.done $0x0  }
0x9a: {  	[sflag:s20] =	ssyncadd.s32 $0xFFFFC000  }
0x9b: {  	[spmem:s2] =	stream.indirect.scatter.add.f32 [tilespmem:s18], [sflag:$0x3], $0x80, s22, s16, $0xb8;
	[tilespmem:$0x1E400] =	vst v63  }
0x9c: {  	_ =	swait.ge [sflag:s14], $0x4000  }
0x9d: {  	s25 =	sshll.u32 s1, $0x6;
	s24 =	sadd.s32 $0x1, s24;
	[sflag:s14] =	ssyncset.done $0x0  }
0x9e: {  	s31 =	sshrl.u32 s5, $0x3;
	p0 =	sne.s32 s24, s13;
	[sflag:s14] =	ssyncadd.s32 $0xFFFFC000  }
.Ltmp3:
0x9f: {  	s25 =	sor.u32 $0x1C03, s25;
	[bflag:$0x0] =	sbarrier.arrive $0xFFFF;
	(pc) =	sbr.rel @p0 .LBB2_1-.Ltmp3, $4  }
0xa0: {  	[hbm:s23], [sflag:s25] =	dma.local [spmem:s31], $0x2780  }
0xa1: {  	_ =	swait.ge [sflag:s14], $0x2780  }
0xa2: {  	[sflag:s14] =	ssyncset.done $0x0  }
0xa3: {  	[sflag:s14] =	ssyncadd.s32 $0xFFFFD880  }
0xa4: {  	_ =	sfence.sel $0x180000  }
0xa5: {  	[bflag:$0x0] =	sbarrier.arrive $0xFFFF  }
0xa6: {  	p0 =	sne.s32 s1, $0x0;
	_ =	strace $0x9000004A  }
0xa7: {  	s0 =	sadd.s32 @!p0 $0x100000, s0;
	[bflag:$0x2] =	sbarrier.arrive $0xFFFF  }
0xa8: {  	[sflag:s0] =	ssyncadd.tile.s32 @!p0 $0x1;
	_ =	shalt  }
.Lfunc_end2:
_tile_overlayer_lowered:
.L_overlay_start_2:
0xa9: {  	(tag) =	ssettag $0x2  }
0xaa: {  	s0 =	rddreg [dreg:$0x0];
	s2 =	stileid.u32  }
0xab: {  	s1 =	rddreg [dreg:$0x1];
	p0 =	sne.s32 s2, $0x0  }
0xac: {  	s3 =	rddreg [dreg:$0x2];
	[bflag:$0x3] =	sbarrier.arrive $0xFFFF;
	s2 =	simm.s32 @!p0 $0x1C03  }
0xad: {  	[timem:s3], [sflag:s2] =	dma.local @!p0 [hbm:s0], s1  }
0xae: {  	s0 =	simm.s32 @!p0 $0x3  }
0xaf: {  	_ =	swait.ge @!p0 [sflag:s0], s1  }
0xb0: {  	s1 =	ssub.s32 @!p0 $0x0, s1;
	[sflag:s0] =	ssyncset.done @!p0 $0x0  }
0xb1: {  	[sflag:s0] =	ssyncadd.s32 @!p0 s1  }
0xb2: {  	[bflag:$0x3] =	sbarrier.arrive $0xFFFF  }
0xb3: {  	_ =	shalt  }

// kernel: kernel.17.cloned.1.call-start
scs
__scs_entry_jumppad:
0x0: {  	(pc) =	sbr.rel $0x88, $3  }
0x1: {  	(tag) =	ssettag $0x0;
	lr =	simm.s32 $0x1  }
0x2: {  	[smem:$0x3F96] =	sst lr;
	_ =	strace $0xD0000000  }
0x3: {  	_ = 	snop  }
0x4: {  	_ = 	snop  }
0x5: {  	_ = 	snop  }
0x6: {  	_ = 	snop  }
0x7: {  	_ = 	snop  }
__scs_overlays_trampoline_lowered:
0x8: {  	[smem:$0x3FA5] =	sst s0  }
0x9: {  	[smem:$0x3FA6] =	sst s1  }
0xa: {  	[smem:$0x3FA7] =	sst s2  }
0xb: {  	[smem:$0x3FA8] =	sst s3  }
0xc: {  	[smem:$0x3FA9] =	sst s4  }
0xd: {  	[smem:$0x3FAA] =	sst s5  }
0xe: {  	[smem:$0x3FAB] =	sst s6  }
0xf: {  	[smem:$0x3FAC] =	sst s7  }
0x10: {  	[smem:$0x3FAD] =	sst s8  }
0x11: {  	[smem:$0x3FAE] =	sst s9;
	s0 =	simm.s32 @!p0 $0x0  }
0x12: {  	s1 =	sld [smem:$0x3F94];
	s0 =	simm.s32 @p0 $0x1  }
0x13: {  	[smem:$0x3FAF] =	sst s0;
	s0 =	simm.s32 @!p1 $0x0  }
0x14: {  	s2 =	sld [smem:$0x3F93];
	s0 =	simm.s32 @p1 $0x1  }
0x15: {  	[smem:$0x3FB0] =	sst s0;
	s0 =	simm.s32 @!p2 $0x0  }
0x16: {  	s3 =	sld [smem:$0x3FDB];
	s0 =	simm.s32 @p2 $0x1  }
0x17: {  	s4 =	simm.s32 $0x1BF5;
	[smem:$0x3FB2] =	sst s0  }
0x18: {  	s0 =	sld [smem:$0x3F95];
	_ =	swait.ge [sflag:s4], $0x0  }
0x19: {  	s7 =	sld [smem:$0x3F96]  }
0x1a: {  	s8 =	sadd.s32 $0xFFFFE003, lr  }
0x1b: {  	s9 =	sadd.s32 $0xFFFFFEF7, lr;
	s5 =	simm.s32 $0xFFFFFFFF;
	p2 =	slt.u32 s8, $0xFFFFF086  }
0x1c: {  	p1 =	slt.u32 s9, $0xF7A;
	s5 =	simm.s32 @!p2 $0x0  }
0x1d: {  	s5 =	simm.s32 @p1 $0x1;
	p0 =	seq.s32 s7, s2  }
0x1e: {  	s7 =	smul.u32 @!p0 $0xF7A, s2;
	p2 =	seq.s32 @!p0 s5, $0x0  }
0x1f: {  	s9 =	smul.u32 $0xF7A, s1;
	s8 =	simm.s32 @!p0 $0x1BF5;
	p2 =	por !p2, p0  }
0x20: {  	[sflag:s8] =	ssyncset.s32 @!p0 $0xFFFFF086;
	s6 =	sadd.s32 @!p0 s3, s7;
	s7 =	simm.s32 @!p0 $0x108  }
0x21: {  	s3 =	sadd.s32 s3, s9;
	s6 =	sadd.s32 @!p0 $0x88, s6;
	s7 =	simm.s32 @p2 $0x1082  }
0x22: {  	[simem:s7], [sflag:s8] =	dma.local @!p0 [hbm:s6], $0xF7A  }
0x23: {  	s9 =	sor.u32 $0xD0000000, s2;
	s6 =	simm.s32 $0x108;
	_ =	swait.ge @!p0 [sflag:s8], $0x0  }
0x24: {  	s3 =	sadd.s32 $0x88, s3;
	s6 =	simm.s32 @!p1 $0x1082;
	[sflag:s4] =	ssyncset.s32 $0xFFFFF086  }
0x25: {  	[simem:s6], [sflag:s4] =	dma.local [hbm:s3], $0xF7A  }
0x26: {  	[smem:$0x3F96] =	sst s1;
	(tag) =	ssettag s2;
	_ =	strace s9  }
0x27: {  	s1 =	sld [smem:$0x3FA6]  }
0x28: {  	s2 =	sld [smem:$0x3FA7]  }
0x29: {  	s4 =	sld [smem:$0x3FA9]  }
0x2a: {  	p0 =	seq.s32 s5, $0x0;
	s5 =	sld [smem:$0x3FAA]  }
0x2b: {  	s6 =	sld [smem:$0x3FAB]  }
0x2c: {  	s7 =	sld [smem:$0x3FAC]  }
0x2d: {  	s3 =	simm.s32 $0x108;
	s8 =	sld [smem:$0x3FAD]  }
0x2e: {  	s3 =	simm.s32 @!p0 $0x1082;
	s9 =	sld [smem:$0x3FAE]  }
0x2f: {  	lr =	sadd.s32 s0, s3;
	s0 =	sld [smem:$0x3FA5]  }
0x30: {  	s3 =	sld [smem:$0x3FA8]  }
0x31: {  	[smem:$0x3FB1] =	sst s10  }
0x32: {  	s10 =	sld [smem:$0x3FAF];
	_ =	sdelay $0x3  }
0x33: {  	p0 =	seq.s32 s10, $0x1;
	s10 =	sld [smem:$0x3FB1];
	_ =	sdelay $0x3  }
0x34: {  	[smem:$0x3FB1] =	sst s10  }
0x35: {  	s10 =	sld [smem:$0x3FB0];
	_ =	sdelay $0x3  }
0x36: {  	p1 =	seq.s32 s10, $0x1;
	s10 =	sld [smem:$0x3FB1];
	_ =	sdelay $0x3  }
0x37: {  	[smem:$0x3FB1] =	sst s10  }
0x38: {  	s10 =	sld [smem:$0x3FB2]  }
0x39: {  	_ = 	snop;
	(pc) =	sbr.ind lr, $3  }
0x3a: {  	_ = 	snop  }
0x3b: {  	_ = 	snop  }
0x3c: {  	p2 =	seq.s32 s10, $0x1;
	s10 =	sld [smem:$0x3FB1]  }
0x3d: {  	_ =	shalt  }
0x3e: {  	_ =	shalt  }
0x3f: {  	_ =	shalt  }
0x40: {  	_ =	shalt  }
0x41: {  	_ =	shalt  }
0x42: {  	_ =	shalt  }
0x43: {  	_ =	shalt  }
0x44: {  	_ =	shalt  }
0x45: {  	_ =	shalt  }
0x46: {  	_ =	shalt  }
0x47: {  	_ =	shalt  }
0x48: {  	_ =	shalt  }
0x49: {  	_ =	shalt  }
0x4a: {  	_ =	shalt  }
0x4b: {  	_ =	shalt  }
0x4c: {  	_ =	shalt  }
0x4d: {  	_ =	shalt  }
0x4e: {  	_ =	shalt  }
0x4f: {  	_ =	shalt  }
0x50: {  	_ =	shalt  }
0x51: {  	_ =	shalt  }
0x52: {  	_ =	shalt  }
0x53: {  	_ =	shalt  }
0x54: {  	_ =	shalt  }
0x55: {  	_ =	shalt  }
0x56: {  	_ =	shalt  }
0x57: {  	_ =	shalt  }
0x58: {  	_ =	shalt  }
0x59: {  	_ =	shalt  }
0x5a: {  	_ =	shalt  }
0x5b: {  	_ =	shalt  }
0x5c: {  	_ =	shalt  }
0x5d: {  	_ =	shalt  }
0x5e: {  	_ =	shalt  }
0x5f: {  	_ =	shalt  }
0x60: {  	_ =	shalt  }
0x61: {  	_ =	shalt  }
0x62: {  	_ =	shalt  }
0x63: {  	_ =	shalt  }
0x64: {  	_ =	shalt  }
0x65: {  	_ =	shalt  }
0x66: {  	_ =	shalt  }
0x67: {  	_ =	shalt  }
0x68: {  	_ =	shalt  }
0x69: {  	_ =	shalt  }
0x6a: {  	_ =	shalt  }
0x6b: {  	_ =	shalt  }
0x6c: {  	_ =	shalt  }
0x6d: {  	_ =	shalt  }
0x6e: {  	_ =	shalt  }
0x6f: {  	_ =	shalt  }
0x70: {  	_ =	shalt  }
0x71: {  	_ =	shalt  }
0x72: {  	_ =	shalt  }
0x73: {  	_ =	shalt  }
0x74: {  	_ =	shalt  }
0x75: {  	_ =	shalt  }
0x76: {  	_ =	shalt  }
0x77: {  	_ =	shalt  }
0x78: {  	_ =	shalt  }
0x79: {  	_ =	shalt  }
0x7a: {  	_ =	shalt  }
0x7b: {  	_ =	shalt  }
0x7c: {  	_ =	shalt  }
0x7d: {  	_ =	shalt  }
0x7e: {  	_ =	shalt  }
0x7f: {  	_ =	shalt  }
0x80: {  	_ =	shalt  }
0x81: {  	_ =	shalt  }
0x82: {  	_ =	shalt  }
0x83: {  	_ =	shalt  }
0x84: {  	_ =	shalt  }
0x85: {  	_ =	shalt  }
0x86: {  	_ =	shalt  }
0x87: {  	_ =	shalt  }
.Lfunc_end0:
.L_simem_size_0:
called_computation.2_lowered:
.L_overlay_start_0:
0x88: {  	s2 =	sld [smem:$0x3FD9]  }
0x89: {  	s3 =	sld [smem:$0x3FFE];
	_ =	sdelay $0x1  }
0x8a: {  	s1 =	srdreg.scid  }
0x8b: {  	s0 =	sand.u32 $0x1, s1  }
0x8c: {  	s16 =	sshll.u32 s0, $0xA;
	s2 =	sadd.s32 s3, s2  }
0x8d: {  	s2 =	sadd.s32 s2, s16  }
0x8e: {  	[smem:$0x3FBD] =	sst s2  }
0x8f: {  	_ = 	snop  }
0x90: {  	(tm) =	ssettm $0x1  }
0x91: {  	s17 =	sld [smem:$0x3FFB];
	_ =	sdelay $0x3  }
0x92: {  	_ =	strace s17  }
0x93: {  	s2 =	sld [smem:$0x3FFC];
	_ =	sdelay $0x3  }
0x94: {  	_ =	strace s2  }
0x95: {  	s2 =	sld [smem:$0x3FFD];
	_ =	sdelay $0x3  }
0x96: {  	_ =	strace s2  }
0x97: {  	_ =	strace $0x8FFFFFFF  }
0x98: {  	s18 =	sld [smem:$0x3FDB];
	_ =	sdelay $0x1  }
0x99: {  	s19 =	simm.s32 $_scs_section_size  }
0x9a: {  	s4 =	simm.s32 $_size__tile_overlayer_lowered;
	s5 =	simm.s32 $_tile_overlayer_lowered  }
0x9b: {  	s22 =	simm.s32 $0x1BFF;
	s21 =	sshll.u32 s5, $0x1;
	s2 =	sadd.s32 s19, s18  }
0x9c: {  	s6 =	simm.s32 $0x0;
	s20 =	sshll.u32 s4, $0x1;
	s4 =	sadd.s32 s21, s2  }
0x9d: {  	[timem:s6], [sflag:s22] =	dma.local [hbm:s4], s20  }
0x9e: {  	_ =	swait.ge [sflag:s22], s20  }
0x9f: {  	s3 =	ssub.s32 $0x0, s20;
	[sflag:s22] =	ssyncset.done $0x0  }
0xa0: {  	[sflag:s22] =	ssyncadd.s32 s3;
	_ =	sdelay $0x1  }
0xa1: {  	s23 =	simm.s32 $0x1B8B  }
0xa2: {  	_ =	swait.ge [sflag:s23], $0x1  }
0xa3: {  	[sflag:s23] =	ssyncset.done $0x0  }
0xa4: {  	s25 =	simm.s32 $0x1B8E;
	s24 =	sld [smem:$0x3FFE];
	[sflag:s23] =	ssyncadd.s32 $0xFFFFFFFF  }
0xa5: {  	s26 =	simm.s32 $execute0_lowered;
	[smem:$0x3FD2] =	sst s25  }
0xa6: {  	s4 =	sshll.u32 s26, $0x1;
	_ =	strace $0x8000004C;
	[dreg:$0x1] =	wrdreg $0xFFFFFFFF  }
0xa7: {  	s28 =	simm.s32 $_size_execute0_lowered;
	s2 =	sadd.s32 s2, s4;
	[dreg:$0x0] =	wrdreg $0x0  }
0xa8: {  	s4 =	sshll.u32 s28, $0x1;
	[dreg:$0x2] =	wrdreg s2  }
0xa9: {  	[dreg:$0x3] =	wrdreg s4  }
0xaa: {  	[dreg:$0x4] =	wrdreg $0xC0  }
0xab: {  	_ =	task [dreg:s6], $0x5FFFF  }
0xac: {  	[dreg:$0x1] =	wrdreg $0xFFFFFFFF  }
0xad: {  	[dreg:$0x0] =	wrdreg $0x60  }
0xae: {  	[dreg:$0x2] =	wrdreg s24  }
0xaf: {  	[dreg:$0x3] =	wrdreg $0xA8000  }
0xb0: {  	[dreg:$0x4] =	wrdreg $0x9  }
0xb1: {  	_ =	task.clear_ibuf [dreg:s6], $0x5FFFF;
	_ =	strace $0x9000004C  }
0xb2: {  	s29 =	simm.s32 $0x9;
	_ =	strace $0x8000004E  }
0xb3: {  	_ =	swait.ge [sflag:s29], $0x1  }
0xb4: {  	[sflag:s29] =	ssyncadd.s32 $0xFFFFFFFF  }
0xb5: {  	_ =	strace $0x9000004E  }
0xb6: {  	_ =	sfence  }
0xb7: {  	s30 =	sld [smem:$0x0];
	_ =	sdelay $0x2  }
0xb8: {  	s31 =	sshll.u32 s1, $0xD;
	s1 =	sshrl.u32 s1, $0x2  }
0xb9: {  	s3 =	sand.u32 $0x4000, s31;
	s1 =	sadd.s32 s1, s30  }
0xba: {  	s0 =	sor.u32 s3, s0;
	s1 =	sshll.u32 s1, $0x11  }
0xbb: {  	s0 =	sor.u32 s1, s0  }
0xbc: {  	s0 =	sadd.s32 $0x8F2B, s0  }
0xbd: {  	[sflag:s0] =	ssyncadd.remote.s32 $0x1  }
0xbe: {  	_ =	sfence.sel $0xFFFF  }
0xbf: {  	[dreg:$0x0] =	wrdreg $0xFFFFFFFF;
	(pc) =	sbr.abs _section_cstart, $3  }
0xc0: {  	[dreg:$0x1] =	wrdreg $0xFFFFFFFF  }
0xc1: {  	_ =	task.clear_ibuf [dreg:s6], $0x2FFFF;
	_ =	strace $0x9FFFFFFF  }
0xc2: {  	(tm) =	ssettm $0x7FFFFFFF  }
0xc3: {  	_ =	shalt  }
tec
execute0_lowered:
.L_overlay_start_1:
0x0: {  	(tag) =	ssettag $0x1  }
0x1: {  	s0 =	srdreg.scid;
	s5 =	rddreg [dreg:$0x0]  }
0x2: {  	s2 =	rddreg [dreg:$0x1];
	s1 =	stileid.u32  }
0x3: {  	s3 =	simm.s32 $0x0;
	s15 =	simm.s32 $0x1400;
	s16 =	simm.s32 $0x80  }
0x4: {  	s17 =	simm.s32 $0x2800;
	s18 =	simm.s32 $0x6800;
	s19 =	simm.s32 $0x1  }
0x5: {  	s20 =	simm.s32 $0x2;
	s21 =	simm.s32 $0x2700;
	s22 =	simm.s32 $0x2780  }
0x6: {  	s4 =	sand.u32 $0x1, s0;
	s0 =	rddreg [dreg:$0x2];
	s7 =	smul.u32 $0x4F000, s1  }
0x7: {  	[smem:$0x7FF] =	sst s3;
	s24 =	smul.u32 $0x2780, s1;
	s6 =	sshll.u32 s4, $0x4  }
0x8: {  	_ =	strace $0x8000004D;
	s31 =	smul.u32 $0x27800, s4;
	s8 =	ssub.s32 $0x2, s4  }
0x9: {  	s4 =	sadd.s32 $0x2B400, s5;
	s6 =	sor.u32 s1, s6;
	s9 =	sshrl.u32 s8, $0x1  }
0xa: {  	s6 =	smul.u32 $0x500, s6;
	s13 =	sadd.s32 s31, s5;
	s14 =	ssub.s32 s8, s9  }
0xb: {  	s7 =	sshrl.u32 s7, $0x2;
	s23 =	sadd.s32 $0x52600, s13;
	s13 =	smax.u32 s14, $0x1  }
0xc: {  	s14 =	simm.s32 $0x3;
	s12 =	sadd.s32 s6, s5;
	s5 =	sadd.s32 s7, s2  }
0xd: {  	s23 =	sadd.s32 s24, s23;
	s24 =	simm.s32 $0x0;
	s6 =	sadd.s32 $0x21400, s12  }
0xe: {  	s7 =	sadd.s32 $0x17400, s12;
	s8 =	sadd.s32 $0x4000, s5;
	s9 =	sadd.s32 $0x8000, s5  }
0xf: {  	v0 =	vimm.f32 $0.0e+00;
	s10 =	sadd.s32 $0xC000, s5;
	s11 =	sadd.s32 $0x10000, s5;
	s12 =	sadd.s32 $0x21680, s12  }
.LBB2_1:
0x10: {  	s25 =	simm.s32 $0x10;
	s26 =	sand.u32 $0x3FF0, s3  }
.LBB2_2:
0x11: {  	p0 =	sne.s32 s25, $0x3FF0;
	[tilespmem:s26+$0x6800] =	vst v0;
	s26 =	smov.u32 s25;
	s25 =	sadd.s32 $0x10, s25  }
.Ltmp0:
0x12: {  	(pc) =	sbr.rel @p0 .LBB2_2-.Ltmp0, $2  }
0x13: {  	_ =	sdelay $0x2  }
0x14: {  	s26 =	sand.u32 $0x3FF0, s26  }
0x15: {  	[tilespmem:s26+$0x6800] =	vst v0;
	s25 =	simm.s32 $0x0  }
0x16: {  	[tilespmem:s25], [sflag:$0x3] =	stream.linear.gather [hbm4b:s6+s25], $0x1400, $0x38;
	[tilespmem:$0x1E400] =	vst v63  }
0x17: {  	_ =	swait.ge [sflag:s14], $0x1400  }
0x18: {  	[sflag:s14] =	ssyncset.done $0x0  }
0x19: {  	[sflag:s14] =	ssyncadd.s32 $0xFFFFEC00  }
0x1a: {  	[tilespmem:s15], [sflag:$0x3] =	stream.linear.gather [hbm4b:s7+s25], $0x1400, $0x38;
	[tilespmem:$0x1E400] =	vst v63  }
0x1b: {  	_ =	swait.ge [sflag:s14], $0x1400  }
0x1c: {  	[sflag:s14] =	ssyncset.done $0x0  }
0x1d: {  	[sflag:s14] =	ssyncadd.s32 $0xFFFFEC00  }
0x1e: {  	[tilespmem:s17], [sflag:$0x1] =	stream.indirect.gather [hbm4b:s4+s16], $0x80, s25, s16, $0xb8;
	[tilespmem:$0x1E400] =	vst v63  }
0x1f: {  	_ = 	snop  }
0x20: {  	[spmem:s5] =	stream.linear.scatter [tilespmem:s18], [sflag:$0x3], $0x4000, $0x38;
	[tilespmem:$0x1E400] =	vst v63  }
0x21: {  	_ =	swait.ge [sflag:s14], $0x4000  }
0x22: {  	[sflag:s14] =	ssyncset.done $0x0  }
0x23: {  	[sflag:s14] =	ssyncadd.s32 $0xFFFFC000  }
0x24: {  	[spmem:s8] =	stream.linear.scatter [tilespmem:s18], [sflag:$0x3], $0x4000, $0x38;
	[tilespmem:$0x1E400] =	vst v63  }
0x25: {  	_ =	swait.ge [sflag:s14], $0x4000  }
0x26: {  	[sflag:s14] =	ssyncset.done $0x0  }
0x27: {  	[sflag:s14] =	ssyncadd.s32 $0xFFFFC000  }
0x28: {  	[spmem:s9] =	stream.linear.scatter [tilespmem:s18], [sflag:$0x3], $0x4000, $0x38;
	[tilespmem:$0x1E400] =	vst v63  }
0x29: {  	_ =	swait.ge [sflag:s14], $0x4000  }
0x2a: {  	[sflag:s14] =	ssyncset.done $0x0  }
0x2b: {  	[sflag:s14] =	ssyncadd.s32 $0xFFFFC000  }
0x2c: {  	[spmem:s10] =	stream.linear.scatter [tilespmem:s18], [sflag:$0x3], $0x4000, $0x38;
	[tilespmem:$0x1E400] =	vst v63  }
0x2d: {  	_ =	swait.ge [sflag:s14], $0x4000  }
0x2e: {  	[sflag:s14] =	ssyncset.done $0x0  }
0x2f: {  	[sflag:s14] =	ssyncadd.s32 $0xFFFFC000  }
0x30: {  	[spmem:s11] =	stream.linear.scatter [tilespmem:s18], [sflag:$0x3], $0x3C00, $0x38;
	[tilespmem:$0x1E400] =	vst v63  }
0x31: {  	_ =	swait.ge [sflag:s14], $0x3C00  }
0x32: {  	[sflag:s14] =	ssyncset.done $0x0  }
0x33: {  	[sflag:s14] =	ssyncadd.s32 $0xFFFFC400  }
0x34: {  	[tilespmem:s18], [sflag:$0x2] =	stream.indirect.gather [hbm4b:s4+s16], $0x80, s16, s16, $0xb8;
	[tilespmem:$0x1E400] =	vst v63  }
0x35: {  	[bflag:$0x0] =	sbarrier.arrive $0xFFFF  }
0x36: {  	_ =	swait.ge [sflag:s19], $0x4000  }
0x37: {  	[sflag:s19] =	ssyncset.done $0x0  }
0x38: {  	s29 =	simm.s32 $0x1400;
	[sflag:s19] =	ssyncadd.s32 $0xFFFFC000  }
0x39: {  	[spmem:s2] =	stream.indirect.scatter.add.f32 [tilespmem:s17], [sflag:$0x3], $0x80, s29, s16, $0xb8;
	[tilespmem:$0x1E400] =	vst v63  }
0x3a: {  	_ =	swait.ge [sflag:s14], $0x4000  }
0x3b: {  	[sflag:s14] =	ssyncset.done $0x0  }
0x3c: {  	s30 =	simm.s32 $0x100;
	[sflag:s14] =	ssyncadd.s32 $0xFFFFC000  }
0x3d: {  	[tilespmem:s17], [sflag:$0x1] =	stream.indirect.gather [hbm4b:s4+s16], $0x80, s30, s16, $0xb8;
	[tilespmem:$0x1E400] =	vst v63  }
0x3e: {  	_ =	swait.ge [sflag:s20], $0x4000  }
0x3f: {  	[sflag:s20] =	ssyncset.done $0x0  }
0x40: {  	s31 =	simm.s32 $0x1480;
	[sflag:s20] =	ssyncadd.s32 $0xFFFFC000  }
0x41: {  	[spmem:s2] =	stream.indirect.scatter.add.f32 [tilespmem:s18], [sflag:$0x3], $0x80, s31, s16, $0xb8;
	[tilespmem:$0x1E400] =	vst v63  }
0x42: {  	_ =	swait.ge [sflag:s14], $0x4000  }
0x43: {  	[sflag:s14] =	ssyncset.done $0x0  }
0x44: {  	s26 =	simm.s32 $0x180;
	s25 =	simm.s32 $0x400;
	[sflag:s14] =	ssyncadd.s32 $0xFFFFC000  }
.LBB2_4:
0x45: {  	[tilespmem:s18], [sflag:$0x2] =	stream.indirect.gather [hbm4b:s4+s16], $0x80, s26, s16, $0xb8;
	[tilespmem:$0x1E400] =	vst v63  }
0x46: {  	s26 =	smov.u32 s25  }
0x47: {  	p0 =	sne.s32 s25, $0x4800;
	s25 =	sadd.s32 $0x400, s25;
	_ =	swait.ge [sflag:s19], $0x4000  }
0x48: {  	s26 =	sshra.s32 s26, $0x2;
	[sflag:s19] =	ssyncset.done $0x0  }
0x49: {  	s28 =	sadd.s32 $0x1400, s26;
	[sflag:s19] =	ssyncadd.s32 $0xFFFFC000  }
0x4a: {  	[spmem:s2] =	stream.indirect.scatter.add.f32 [tilespmem:s17], [sflag:$0x3], $0x80, s28, s16, $0xb8;
	[tilespmem:$0x1E400] =	vst v63  }
0x4b: {  	_ =	swait.ge [sflag:s14], $0x4000  }
0x4c: {  	[sflag:s14] =	ssyncset.done $0x0  }
0x4d: {  	s28 =	sadd.s32 $0x100, s26;
	[sflag:s14] =	ssyncadd.s32 $0xFFFFC000  }
0x4e: {  	[tilespmem:s17], [sflag:$0x1] =	stream.indirect.gather [hbm4b:s4+s16], $0x80, s28, s16, $0xb8;
	[tilespmem:$0x1E400] =	vst v63  }
0x4f: {  	_ =	swait.ge [sflag:s20], $0x4000  }
0x50: {  	[sflag:s20] =	ssyncset.done $0x0  }
.Ltmp1:
0x51: {  	s28 =	sadd.s32 $0x1480, s26;
	[sflag:s20] =	ssyncadd.s32 $0xFFFFC000;
	(pc) =	sbr.rel @p0 .LBB2_4-.Ltmp1, $4  }
0x52: {  	[spmem:s2] =	stream.indirect.scatter.add.f32 [tilespmem:s18], [sflag:$0x3], $0x80, s28, s16, $0xb8;
	[tilespmem:$0x1E400] =	vst v63  }
0x53: {  	_ =	swait.ge [sflag:s14], $0x4000  }
0x54: {  	[sflag:s14] =	ssyncset.done $0x0  }
0x55: {  	s26 =	sadd.s32 $0x180, s26;
	[sflag:s14] =	ssyncadd.s32 $0xFFFFC000  }
0x56: {  	[tilespmem:s18], [sflag:$0x2] =	stream.indirect.gather [hbm4b:s4+s16], $0x80, s26, s16, $0xb8;
	[tilespmem:$0x1E400] =	vst v63  }
0x57: {  	_ =	swait.ge [sflag:s19], $0x4000  }
0x58: {  	[sflag:s19] =	ssyncset.done $0x0  }
0x59: {  	[sflag:s19] =	ssyncadd.s32 $0xFFFFC000  }
0x5a: {  	[spmem:s2] =	stream.indirect.scatter.add.f32 [tilespmem:s17], [sflag:$0x3], $0x80, s21, s16, $0xb8;
	[tilespmem:$0x1E400] =	vst v63  }
0x5b: {  	_ =	swait.ge [sflag:s14], $0x4000  }
0x5c: {  	[sflag:s14] =	ssyncset.done $0x0  }
0x5d: {  	[sflag:s14] =	ssyncadd.s32 $0xFFFFC000  }
0x5e: {  	_ =	swait.ge [sflag:s20], $0x4000  }
0x5f: {  	[sflag:s20] =	ssyncset.done $0x0  }
0x60: {  	[sflag:s20] =	ssyncadd.s32 $0xFFFFC000  }
0x61: {  	[spmem:s2] =	stream.indirect.scatter.add.f32 [tilespmem:s18], [sflag:$0x3], $0x80, s22, s16, $0xb8;
	[tilespmem:$0x1E400] =	vst v63  }
0x62: {  	_ =	swait.ge [sflag:s14], $0x4000  }
0x63: {  	[sflag:s14] =	ssyncset.done $0x0  }
0x64: {  	s25 =	simm.s32 $0x0;
	[sflag:s14] =	ssyncadd.s32 $0xFFFFC000  }
0x65: {  	[tilespmem:s25], [sflag:$0x3] =	stream.linear.gather [hbm4b:s12+s25], $0x1400, $0x38;
	[tilespmem:$0x1E400] =	vst v63  }
0x66: {  	_ =	swait.ge [sflag:s14], $0x1400  }
0x67: {  	[sflag:s14] =	ssyncset.done $0x0  }
0x68: {  	s28 =	sadd.s32 $0x280, s7;
	[sflag:s14] =	ssyncadd.s32 $0xFFFFEC00  }
0x69: {  	[tilespmem:s15], [sflag:$0x3] =	stream.linear.gather [hbm4b:s28+s25], $0x1400, $0x38;
	[tilespmem:$0x1E400] =	vst v63  }
0x6a: {  	_ =	swait.ge [sflag:s14], $0x1400  }
0x6b: {  	[sflag:s14] =	ssyncset.done $0x0  }
0x6c: {  	[sflag:s14] =	ssyncadd.s32 $0xFFFFEC00  }
0x6d: {  	[tilespmem:s17], [sflag:$0x1] =	stream.indirect.gather [hbm4b:s4+s16], $0x80, s25, s16, $0xb8;
	[tilespmem:$0x1E400] =	vst v63  }
0x6e: {  	_ = 	snop  }
0x6f: {  	[tilespmem:s18], [sflag:$0x2] =	stream.indirect.gather [hbm4b:s4+s16], $0x80, s16, s16, $0xb8;
	[tilespmem:$0x1E400] =	vst v63  }
0x70: {  	_ =	swait.ge [sflag:s19], $0x4000  }
0x71: {  	[sflag:s19] =	ssyncset.done $0x0  }
0x72: {  	s29 =	simm.s32 $0x1400;
	[sflag:s19] =	ssyncadd.s32 $0xFFFFC000  }
0x73: {  	[spmem:s2] =	stream.indirect.scatter.add.f32 [tilespmem:s17], [sflag:$0x3], $0x80, s29, s16, $0xb8;
	[tilespmem:$0x1E400] =	vst v63  }
0x74: {  	_ =	swait.ge [sflag:s14], $0x4000  }
0x75: {  	[sflag:s14] =	ssyncset.done $0x0  }
0x76: {  	s30 =	simm.s32 $0x100;
	[sflag:s14] =	ssyncadd.s32 $0xFFFFC000  }
0x77: {  	[tilespmem:s17], [sflag:$0x1] =	stream.indirect.gather [hbm4b:s4+s16], $0x80, s30, s16, $0xb8;
	[tilespmem:$0x1E400] =	vst v63  }
0x78: {  	_ =	swait.ge [sflag:s20], $0x4000  }
0x79: {  	[sflag:s20] =	ssyncset.done $0x0  }
0x7a: {  	s31 =	simm.s32 $0x1480;
	[sflag:s20] =	ssyncadd.s32 $0xFFFFC000  }
0x7b: {  	[spmem:s2] =	stream.indirect.scatter.add.f32 [tilespmem:s18], [sflag:$0x3], $0x80, s31, s16, $0xb8;
	[tilespmem:$0x1E400] =	vst v63  }
0x7c: {  	_ =	swait.ge [sflag:s14], $0x4000  }
0x7d: {  	[sflag:s14] =	ssyncset.done $0x0  }
0x7e: {  	s26 =	simm.s32 $0x180;
	s25 =	simm.s32 $0x400;
	[sflag:s14] =	ssyncadd.s32 $0xFFFFC000  }
.LBB2_6:
0x7f: {  	[tilespmem:s18], [sflag:$0x2] =	stream.indirect.gather [hbm4b:s4+s16], $0x80, s26, s16, $0xb8;
	[tilespmem:$0x1E400] =	vst v63  }
0x80: {  	s26 =	smov.u32 s25  }
0x81: {  	p0 =	sne.s32 s25, $0x4800;
	s25 =	sadd.s32 $0x400, s25;
	_ =	swait.ge [sflag:s19], $0x4000  }
0x82: {  	s26 =	sshra.s32 s26, $0x2;
	[sflag:s19] =	ssyncset.done $0x0  }
0x83: {  	s28 =	sadd.s32 $0x1400, s26;
	[sflag:s19] =	ssyncadd.s32 $0xFFFFC000  }
0x84: {  	[spmem:s2] =	stream.indirect.scatter.add.f32 [tilespmem:s17], [sflag:$0x3], $0x80, s28, s16, $0xb8;
	[tilespmem:$0x1E400] =	vst v63  }
0x85: {  	_ =	swait.ge [sflag:s14], $0x4000  }
0x86: {  	[sflag:s14] =	ssyncset.done $0x0  }
0x87: {  	s28 =	sadd.s32 $0x100, s26;
	[sflag:s14] =	ssyncadd.s32 $0xFFFFC000  }
0x88: {  	[tilespmem:s17], [sflag:$0x1] =	stream.indirect.gather [hbm4b:s4+s16], $0x80, s28, s16, $0xb8;
	[tilespmem:$0x1E400] =	vst v63  }
0x89: {  	_ =	swait.ge [sflag:s20], $0x4000  }
0x8a: {  	[sflag:s20] =	ssyncset.done $0x0  }
.Ltmp2:
0x8b: {  	s28 =	sadd.s32 $0x1480, s26;
	[sflag:s20] =	ssyncadd.s32 $0xFFFFC000;
	(pc) =	sbr.rel @p0 .LBB2_6-.Ltmp2, $4  }
0x8c: {  	[spmem:s2] =	stream.indirect.scatter.add.f32 [tilespmem:s18], [sflag:$0x3], $0x80, s28, s16, $0xb8;
	[tilespmem:$0x1E400] =	vst v63  }
0x8d: {  	_ =	swait.ge [sflag:s14], $0x4000  }
0x8e: {  	[sflag:s14] =	ssyncset.done $0x0  }
0x8f: {  	s26 =	sadd.s32 $0x180, s26;
	[sflag:s14] =	ssyncadd.s32 $0xFFFFC000  }
0x90: {  	[tilespmem:s18], [sflag:$0x2] =	stream.indirect.gather [hbm4b:s4+s16], $0x80, s26, s16, $0xb8;
	[tilespmem:$0x1E400] =	vst v63  }
0x91: {  	_ =	swait.ge [sflag:s19], $0x4000  }
0x92: {  	[sflag:s19] =	ssyncset.done $0x0  }
0x93: {  	[sflag:s19] =	ssyncadd.s32 $0xFFFFC000  }
0x94: {  	[spmem:s2] =	stream.indirect.scatter.add.f32 [tilespmem:s17], [sflag:$0x3], $0x80, s21, s16, $0xb8;
	[tilespmem:$0x1E400] =	vst v63  }
0x95: {  	_ =	swait.ge [sflag:s14], $0x4000  }
0x96: {  	[sflag:s14] =	ssyncset.done $0x0  }
0x97: {  	[sflag:s14] =	ssyncadd.s32 $0xFFFFC000  }
0x98: {  	_ =	swait.ge [sflag:s20], $0x4000  }
0x99: {  	[sflag:s20] =	ssyncset.done $0x0  }
0x9a: {  	[sflag:s20] =	ssyncadd.s32 $0xFFFFC000  }
0x9b: {  	[spmem:s2] =	stream.indirect.scatter.add.f32 [tilespmem:s18], [sflag:$0x3], $0x80, s22, s16, $0xb8;
	[tilespmem:$0x1E400] =	vst v63  }
0x9c: {  	_ =	swait.ge [sflag:s14], $0x4000  }
0x9d: {  	s25 =	sshll.u32 s1, $0x6;
	s24 =	sadd.s32 $0x1, s24;
	[sflag:s14] =	ssyncset.done $0x0  }
0x9e: {  	s31 =	sshrl.u32 s5, $0x3;
	p0 =	sne.s32 s24, s13;
	[sflag:s14] =	ssyncadd.s32 $0xFFFFC000  }
.Ltmp3:
0x9f: {  	s25 =	sor.u32 $0x1C03, s25;
	[bflag:$0x0] =	sbarrier.arrive $0xFFFF;
	(pc) =	sbr.rel @p0 .LBB2_1-.Ltmp3, $4  }
0xa0: {  	[hbm:s23], [sflag:s25] =	dma.local [spmem:s31], $0x2780  }
0xa1: {  	_ =	swait.ge [sflag:s14], $0x2780  }
0xa2: {  	[sflag:s14] =	ssyncset.done $0x0  }
0xa3: {  	[sflag:s14] =	ssyncadd.s32 $0xFFFFD880  }
0xa4: {  	_ =	sfence.sel $0x180000  }
0xa5: {  	[bflag:$0x0] =	sbarrier.arrive $0xFFFF  }
0xa6: {  	p0 =	sne.s32 s1, $0x0;
	_ =	strace $0x9000004D  }
0xa7: {  	s0 =	sadd.s32 @!p0 $0x100000, s0;
	[bflag:$0x2] =	sbarrier.arrive $0xFFFF  }
0xa8: {  	[sflag:s0] =	ssyncadd.tile.s32 @!p0 $0x1;
	_ =	shalt  }
.Lfunc_end2:
_tile_overlayer_lowered:
.L_overlay_start_2:
0xa9: {  	(tag) =	ssettag $0x2  }
0xaa: {  	s0 =	rddreg [dreg:$0x0];
	s2 =	stileid.u32  }
0xab: {  	s1 =	rddreg [dreg:$0x1];
	p0 =	sne.s32 s2, $0x0  }
0xac: {  	s3 =	rddreg [dreg:$0x2];
	[bflag:$0x3] =	sbarrier.arrive $0xFFFF;
	s2 =	simm.s32 @!p0 $0x1C03  }
0xad: {  	[timem:s3], [sflag:s2] =	dma.local @!p0 [hbm:s0], s1  }
0xae: {  	s0 =	simm.s32 @!p0 $0x3  }
0xaf: {  	_ =	swait.ge @!p0 [sflag:s0], s1  }
0xb0: {  	s1 =	ssub.s32 @!p0 $0x0, s1;
	[sflag:s0] =	ssyncset.done @!p0 $0x0  }
0xb1: {  	[sflag:s0] =	ssyncadd.s32 @!p0 s1  }
0xb2: {  	[bflag:$0x3] =	sbarrier.arrive $0xFFFF  }
0xb3: {  	_ =	shalt  }

// kernel: kernel.20.cloned.1.call-start
scs
__scs_entry_jumppad:
0x0: {  	(pc) =	sbr.rel $0x88, $3  }
0x1: {  	(tag) =	ssettag $0x0;
	lr =	simm.s32 $0x1  }
0x2: {  	[smem:$0x3F96] =	sst lr;
	_ =	strace $0xD0000000  }
0x3: {  	_ = 	snop  }
0x4: {  	_ = 	snop  }
0x5: {  	_ = 	snop  }
0x6: {  	_ = 	snop  }
0x7: {  	_ = 	snop  }
__scs_overlays_trampoline_lowered:
0x8: {  	[smem:$0x3FA5] =	sst s0  }
0x9: {  	[smem:$0x3FA6] =	sst s1  }
0xa: {  	[smem:$0x3FA7] =	sst s2  }
0xb: {  	[smem:$0x3FA8] =	sst s3  }
0xc: {  	[smem:$0x3FA9] =	sst s4  }
0xd: {  	[smem:$0x3FAA] =	sst s5  }
0xe: {  	[smem:$0x3FAB] =	sst s6  }
0xf: {  	[smem:$0x3FAC] =	sst s7  }
0x10: {  	[smem:$0x3FAD] =	sst s8  }
0x11: {  	[smem:$0x3FAE] =	sst s9;
	s0 =	simm.s32 @!p0 $0x0  }
0x12: {  	s1 =	sld [smem:$0x3F94];
	s0 =	simm.s32 @p0 $0x1  }
0x13: {  	[smem:$0x3FAF] =	sst s0;
	s0 =	simm.s32 @!p1 $0x0  }
0x14: {  	s2 =	sld [smem:$0x3F93];
	s0 =	simm.s32 @p1 $0x1  }
0x15: {  	[smem:$0x3FB0] =	sst s0;
	s0 =	simm.s32 @!p2 $0x0  }
0x16: {  	s3 =	sld [smem:$0x3FDB];
	s0 =	simm.s32 @p2 $0x1  }
0x17: {  	s4 =	simm.s32 $0x1BF5;
	[smem:$0x3FB2] =	sst s0  }
0x18: {  	s0 =	sld [smem:$0x3F95];
	_ =	swait.ge [sflag:s4], $0x0  }
0x19: {  	s7 =	sld [smem:$0x3F96]  }
0x1a: {  	s8 =	sadd.s32 $0xFFFFE003, lr  }
0x1b: {  	s9 =	sadd.s32 $0xFFFFFEF7, lr;
	s5 =	simm.s32 $0xFFFFFFFF;
	p2 =	slt.u32 s8, $0xFFFFF086  }
0x1c: {  	p1 =	slt.u32 s9, $0xF7A;
	s5 =	simm.s32 @!p2 $0x0  }
0x1d: {  	s5 =	simm.s32 @p1 $0x1;
	p0 =	seq.s32 s7, s2  }
0x1e: {  	s7 =	smul.u32 @!p0 $0xF7A, s2;
	p2 =	seq.s32 @!p0 s5, $0x0  }
0x1f: {  	s9 =	smul.u32 $0xF7A, s1;
	s8 =	simm.s32 @!p0 $0x1BF5;
	p2 =	por !p2, p0  }
0x20: {  	[sflag:s8] =	ssyncset.s32 @!p0 $0xFFFFF086;
	s6 =	sadd.s32 @!p0 s3, s7;
	s7 =	simm.s32 @!p0 $0x108  }
0x21: {  	s3 =	sadd.s32 s3, s9;
	s6 =	sadd.s32 @!p0 $0x88, s6;
	s7 =	simm.s32 @p2 $0x1082  }
0x22: {  	[simem:s7], [sflag:s8] =	dma.local @!p0 [hbm:s6], $0xF7A  }
0x23: {  	s9 =	sor.u32 $0xD0000000, s2;
	s6 =	simm.s32 $0x108;
	_ =	swait.ge @!p0 [sflag:s8], $0x0  }
0x24: {  	s3 =	sadd.s32 $0x88, s3;
	s6 =	simm.s32 @!p1 $0x1082;
	[sflag:s4] =	ssyncset.s32 $0xFFFFF086  }
0x25: {  	[simem:s6], [sflag:s4] =	dma.local [hbm:s3], $0xF7A  }
0x26: {  	[smem:$0x3F96] =	sst s1;
	(tag) =	ssettag s2;
	_ =	strace s9  }
0x27: {  	s1 =	sld [smem:$0x3FA6]  }
0x28: {  	s2 =	sld [smem:$0x3FA7]  }
0x29: {  	s4 =	sld [smem:$0x3FA9]  }
0x2a: {  	p0 =	seq.s32 s5, $0x0;
	s5 =	sld [smem:$0x3FAA]  }
0x2b: {  	s6 =	sld [smem:$0x3FAB]  }
0x2c: {  	s7 =	sld [smem:$0x3FAC]  }
0x2d: {  	s3 =	simm.s32 $0x108;
	s8 =	sld [smem:$0x3FAD]  }
0x2e: {  	s3 =	simm.s32 @!p0 $0x1082;
	s9 =	sld [smem:$0x3FAE]  }
0x2f: {  	lr =	sadd.s32 s0, s3;
	s0 =	sld [smem:$0x3FA5]  }
0x30: {  	s3 =	sld [smem:$0x3FA8]  }
0x31: {  	[smem:$0x3FB1] =	sst s10  }
0x32: {  	s10 =	sld [smem:$0x3FAF];
	_ =	sdelay $0x3  }
0x33: {  	p0 =	seq.s32 s10, $0x1;
	s10 =	sld [smem:$0x3FB1];
	_ =	sdelay $0x3  }
0x34: {  	[smem:$0x3FB1] =	sst s10  }
0x35: {  	s10 =	sld [smem:$0x3FB0];
	_ =	sdelay $0x3  }
0x36: {  	p1 =	seq.s32 s10, $0x1;
	s10 =	sld [smem:$0x3FB1];
	_ =	sdelay $0x3  }
0x37: {  	[smem:$0x3FB1] =	sst s10  }
0x38: {  	s10 =	sld [smem:$0x3FB2]  }
0x39: {  	_ = 	snop;
	(pc) =	sbr.ind lr, $3  }
0x3a: {  	_ = 	snop  }
0x3b: {  	_ = 	snop  }
0x3c: {  	p2 =	seq.s32 s10, $0x1;
	s10 =	sld [smem:$0x3FB1]  }
0x3d: {  	_ =	shalt  }
0x3e: {  	_ =	shalt  }
0x3f: {  	_ =	shalt  }
0x40: {  	_ =	shalt  }
0x41: {  	_ =	shalt  }
0x42: {  	_ =	shalt  }
0x43: {  	_ =	shalt  }
0x44: {  	_ =	shalt  }
0x45: {  	_ =	shalt  }
0x46: {  	_ =	shalt  }
0x47: {  	_ =	shalt  }
0x48: {  	_ =	shalt  }
0x49: {  	_ =	shalt  }
0x4a: {  	_ =	shalt  }
0x4b: {  	_ =	shalt  }
0x4c: {  	_ =	shalt  }
0x4d: {  	_ =	shalt  }
0x4e: {  	_ =	shalt  }
0x4f: {  	_ =	shalt  }
0x50: {  	_ =	shalt  }
0x51: {  	_ =	shalt  }
0x52: {  	_ =	shalt  }
0x53: {  	_ =	shalt  }
0x54: {  	_ =	shalt  }
0x55: {  	_ =	shalt  }
0x56: {  	_ =	shalt  }
0x57: {  	_ =	shalt  }
0x58: {  	_ =	shalt  }
0x59: {  	_ =	shalt  }
0x5a: {  	_ =	shalt  }
0x5b: {  	_ =	shalt  }
0x5c: {  	_ =	shalt  }
0x5d: {  	_ =	shalt  }
0x5e: {  	_ =	shalt  }
0x5f: {  	_ =	shalt  }
0x60: {  	_ =	shalt  }
0x61: {  	_ =	shalt  }
0x62: {  	_ =	shalt  }
0x63: {  	_ =	shalt  }
0x64: {  	_ =	shalt  }
0x65: {  	_ =	shalt  }
0x66: {  	_ =	shalt  }
0x67: {  	_ =	shalt  }
0x68: {  	_ =	shalt  }
0x69: {  	_ =	shalt  }
0x6a: {  	_ =	shalt  }
0x6b: {  	_ =	shalt  }
0x6c: {  	_ =	shalt  }
0x6d: {  	_ =	shalt  }
0x6e: {  	_ =	shalt  }
0x6f: {  	_ =	shalt  }
0x70: {  	_ =	shalt  }
0x71: {  	_ =	shalt  }
0x72: {  	_ =	shalt  }
0x73: {  	_ =	shalt  }
0x74: {  	_ =	shalt  }
0x75: {  	_ =	shalt  }
0x76: {  	_ =	shalt  }
0x77: {  	_ =	shalt  }
0x78: {  	_ =	shalt  }
0x79: {  	_ =	shalt  }
0x7a: {  	_ =	shalt  }
0x7b: {  	_ =	shalt  }
0x7c: {  	_ =	shalt  }
0x7d: {  	_ =	shalt  }
0x7e: {  	_ =	shalt  }
0x7f: {  	_ =	shalt  }
0x80: {  	_ =	shalt  }
0x81: {  	_ =	shalt  }
0x82: {  	_ =	shalt  }
0x83: {  	_ =	shalt  }
0x84: {  	_ =	shalt  }
0x85: {  	_ =	shalt  }
0x86: {  	_ =	shalt  }
0x87: {  	_ =	shalt  }
.Lfunc_end0:
.L_simem_size_0:
called_computation.3_lowered:
.L_overlay_start_0:
0x88: {  	s2 =	sld [smem:$0x3FD9]  }
0x89: {  	s3 =	sld [smem:$0x3FFE];
	_ =	sdelay $0x1  }
0x8a: {  	s1 =	srdreg.scid  }
0x8b: {  	s0 =	sand.u32 $0x1, s1  }
0x8c: {  	s16 =	sshll.u32 s0, $0xA;
	s2 =	sadd.s32 s3, s2  }
0x8d: {  	s2 =	sadd.s32 s2, s16  }
0x8e: {  	[smem:$0x3FBD] =	sst s2  }
0x8f: {  	_ = 	snop  }
0x90: {  	(tm) =	ssettm $0x1  }
0x91: {  	s17 =	sld [smem:$0x3FFB];
	_ =	sdelay $0x3  }
0x92: {  	_ =	strace s17  }
0x93: {  	s2 =	sld [smem:$0x3FFC];
	_ =	sdelay $0x3  }
0x94: {  	_ =	strace s2  }
0x95: {  	s2 =	sld [smem:$0x3FFD];
	_ =	sdelay $0x3  }
0x96: {  	_ =	strace s2  }
0x97: {  	_ =	strace $0x8FFFFFFF  }
0x98: {  	s18 =	sld [smem:$0x3FDB];
	_ =	sdelay $0x1  }
0x99: {  	s19 =	simm.s32 $_scs_section_size  }
0x9a: {  	s4 =	simm.s32 $_size__tile_overlayer_lowered;
	s5 =	simm.s32 $_tile_overlayer_lowered  }
0x9b: {  	s22 =	simm.s32 $0x1BFF;
	s21 =	sshll.u32 s5, $0x1;
	s2 =	sadd.s32 s19, s18  }
0x9c: {  	s6 =	simm.s32 $0x0;
	s20 =	sshll.u32 s4, $0x1;
	s4 =	sadd.s32 s21, s2  }
0x9d: {  	[timem:s6], [sflag:s22] =	dma.local [hbm:s4], s20  }
0x9e: {  	_ =	swait.ge [sflag:s22], s20  }
0x9f: {  	s3 =	ssub.s32 $0x0, s20;
	[sflag:s22] =	ssyncset.done $0x0  }
0xa0: {  	[sflag:s22] =	ssyncadd.s32 s3;
	_ =	sdelay $0x1  }
0xa1: {  	s23 =	simm.s32 $0x1B8B  }
0xa2: {  	_ =	swait.ge [sflag:s23], $0x1  }
0xa3: {  	[sflag:s23] =	ssyncset.done $0x0  }
0xa4: {  	s25 =	simm.s32 $0x1B8E;
	s24 =	sld [smem:$0x3FFE];
	[sflag:s23] =	ssyncadd.s32 $0xFFFFFFFF  }
0xa5: {  	s26 =	simm.s32 $execute0_lowered;
	[smem:$0x3FD2] =	sst s25  }
0xa6: {  	s4 =	sshll.u32 s26, $0x1;
	_ =	strace $0x8000004F;
	[dreg:$0x1] =	wrdreg $0xFFFFFFFF  }
0xa7: {  	s28 =	simm.s32 $_size_execute0_lowered;
	s2 =	sadd.s32 s2, s4;
	[dreg:$0x0] =	wrdreg $0x0  }
0xa8: {  	s4 =	sshll.u32 s28, $0x1;
	[dreg:$0x2] =	wrdreg s2  }
0xa9: {  	[dreg:$0x3] =	wrdreg s4  }
0xaa: {  	[dreg:$0x4] =	wrdreg $0xC0  }
0xab: {  	_ =	task [dreg:s6], $0x5FFFF  }
0xac: {  	[dreg:$0x1] =	wrdreg $0xFFFFFFFF  }
0xad: {  	[dreg:$0x0] =	wrdreg $0x60  }
0xae: {  	[dreg:$0x2] =	wrdreg s24  }
0xaf: {  	[dreg:$0x3] =	wrdreg $0xA8000  }
0xb0: {  	[dreg:$0x4] =	wrdreg $0x9  }
0xb1: {  	_ =	task.clear_ibuf [dreg:s6], $0x5FFFF;
	_ =	strace $0x9000004F  }
0xb2: {  	s29 =	simm.s32 $0x9;
	_ =	strace $0x80000051  }
0xb3: {  	_ =	swait.ge [sflag:s29], $0x1  }
0xb4: {  	[sflag:s29] =	ssyncadd.s32 $0xFFFFFFFF  }
0xb5: {  	_ =	strace $0x90000051  }
0xb6: {  	_ =	sfence  }
0xb7: {  	s30 =	sld [smem:$0x0];
	_ =	sdelay $0x2  }
0xb8: {  	s31 =	sshll.u32 s1, $0xD;
	s1 =	sshrl.u32 s1, $0x2  }
0xb9: {  	s3 =	sand.u32 $0x4000, s31;
	s1 =	sadd.s32 s1, s30  }
0xba: {  	s0 =	sor.u32 s3, s0;
	s1 =	sshll.u32 s1, $0x11  }
0xbb: {  	s0 =	sor.u32 s1, s0  }
0xbc: {  	s0 =	sadd.s32 $0x8F2B, s0  }
0xbd: {  	[sflag:s0] =	ssyncadd.remote.s32 $0x1  }
0xbe: {  	_ =	sfence.sel $0xFFFF  }
0xbf: {  	[dreg:$0x0] =	wrdreg $0xFFFFFFFF;
	(pc) =	sbr.abs _section_cstart, $3  }
0xc0: {  	[dreg:$0x1] =	wrdreg $0xFFFFFFFF  }
0xc1: {  	_ =	task.clear_ibuf [dreg:s6], $0x2FFFF;
	_ =	strace $0x9FFFFFFF  }
0xc2: {  	(tm) =	ssettm $0x7FFFFFFF  }
0xc3: {  	_ =	shalt  }
tec
execute0_lowered:
.L_overlay_start_1:
0x0: {  	(tag) =	ssettag $0x1  }
0x1: {  	s0 =	srdreg.scid;
	s5 =	rddreg [dreg:$0x0]  }
0x2: {  	s2 =	rddreg [dreg:$0x1];
	s1 =	stileid.u32  }
0x3: {  	s3 =	simm.s32 $0x0;
	s15 =	simm.s32 $0x1400;
	s16 =	simm.s32 $0x80  }
0x4: {  	s17 =	simm.s32 $0x2800;
	s18 =	simm.s32 $0x6800;
	s19 =	simm.s32 $0x1  }
0x5: {  	s20 =	simm.s32 $0x2;
	s21 =	simm.s32 $0x2700;
	s22 =	simm.s32 $0x2780  }
0x6: {  	s4 =	sand.u32 $0x1, s0;
	s0 =	rddreg [dreg:$0x2];
	s7 =	smul.u32 $0x4F000, s1  }
0x7: {  	[smem:$0x7FF] =	sst s3;
	s24 =	smul.u32 $0x2780, s1;
	s6 =	sshll.u32 s4, $0x4  }
0x8: {  	_ =	strace $0x80000050;
	s31 =	smul.u32 $0x27800, s4;
	s8 =	ssub.s32 $0x2, s4  }
0x9: {  	s4 =	sadd.s32 $0x2B400, s5;
	s6 =	sor.u32 s1, s6;
	s9 =	sshrl.u32 s8, $0x1  }
0xa: {  	s6 =	smul.u32 $0x500, s6;
	s13 =	sadd.s32 s31, s5;
	s14 =	ssub.s32 s8, s9  }
0xb: {  	s7 =	sshrl.u32 s7, $0x2;
	s23 =	sadd.s32 $0x52600, s13;
	s13 =	smax.u32 s14, $0x1  }
0xc: {  	s14 =	simm.s32 $0x3;
	s12 =	sadd.s32 s6, s5;
	s5 =	sadd.s32 s7, s2  }
0xd: {  	s23 =	sadd.s32 s24, s23;
	s24 =	simm.s32 $0x0;
	s6 =	sadd.s32 $0x21400, s12  }
0xe: {  	s7 =	sadd.s32 $0x17400, s12;
	s8 =	sadd.s32 $0x4000, s5;
	s9 =	sadd.s32 $0x8000, s5  }
0xf: {  	v0 =	vimm.f32 $0.0e+00;
	s10 =	sadd.s32 $0xC000, s5;
	s11 =	sadd.s32 $0x10000, s5;
	s12 =	sadd.s32 $0x21680, s12  }
.LBB2_1:
0x10: {  	s25 =	simm.s32 $0x10;
	s26 =	sand.u32 $0x3FF0, s3  }
.LBB2_2:
0x11: {  	p0 =	sne.s32 s25, $0x3FF0;
	[tilespmem:s26+$0x6800] =	vst v0;
	s26 =	smov.u32 s25;
	s25 =	sadd.s32 $0x10, s25  }
.Ltmp0:
0x12: {  	(pc) =	sbr.rel @p0 .LBB2_2-.Ltmp0, $2  }
0x13: {  	_ =	sdelay $0x2  }
0x14: {  	s26 =	sand.u32 $0x3FF0, s26  }
0x15: {  	[tilespmem:s26+$0x6800] =	vst v0;
	s25 =	simm.s32 $0x0  }
0x16: {  	[tilespmem:s25], [sflag:$0x3] =	stream.linear.gather [hbm4b:s6+s25], $0x1400, $0x38;
	[tilespmem:$0x1E400] =	vst v63  }
0x17: {  	_ =	swait.ge [sflag:s14], $0x1400  }
0x18: {  	[sflag:s14] =	ssyncset.done $0x0  }
0x19: {  	[sflag:s14] =	ssyncadd.s32 $0xFFFFEC00  }
0x1a: {  	[tilespmem:s15], [sflag:$0x3] =	stream.linear.gather [hbm4b:s7+s25], $0x1400, $0x38;
	[tilespmem:$0x1E400] =	vst v63  }
0x1b: {  	_ =	swait.ge [sflag:s14], $0x1400  }
0x1c: {  	[sflag:s14] =	ssyncset.done $0x0  }
0x1d: {  	[sflag:s14] =	ssyncadd.s32 $0xFFFFEC00  }
0x1e: {  	[tilespmem:s17], [sflag:$0x1] =	stream.indirect.gather [hbm4b:s4+s16], $0x80, s25, s16, $0xb8;
	[tilespmem:$0x1E400] =	vst v63  }
0x1f: {  	_ = 	snop  }
0x20: {  	[spmem:s5] =	stream.linear.scatter [tilespmem:s18], [sflag:$0x3], $0x4000, $0x38;
	[tilespmem:$0x1E400] =	vst v63  }
0x21: {  	_ =	swait.ge [sflag:s14], $0x4000  }
0x22: {  	[sflag:s14] =	ssyncset.done $0x0  }
0x23: {  	[sflag:s14] =	ssyncadd.s32 $0xFFFFC000  }
0x24: {  	[spmem:s8] =	stream.linear.scatter [tilespmem:s18], [sflag:$0x3], $0x4000, $0x38;
	[tilespmem:$0x1E400] =	vst v63  }
0x25: {  	_ =	swait.ge [sflag:s14], $0x4000  }
0x26: {  	[sflag:s14] =	ssyncset.done $0x0  }
0x27: {  	[sflag:s14] =	ssyncadd.s32 $0xFFFFC000  }
0x28: {  	[spmem:s9] =	stream.linear.scatter [tilespmem:s18], [sflag:$0x3], $0x4000, $0x38;
	[tilespmem:$0x1E400] =	vst v63  }
0x29: {  	_ =	swait.ge [sflag:s14], $0x4000  }
0x2a: {  	[sflag:s14] =	ssyncset.done $0x0  }
0x2b: {  	[sflag:s14] =	ssyncadd.s32 $0xFFFFC000  }
0x2c: {  	[spmem:s10] =	stream.linear.scatter [tilespmem:s18], [sflag:$0x3], $0x4000, $0x38;
	[tilespmem:$0x1E400] =	vst v63  }
0x2d: {  	_ =	swait.ge [sflag:s14], $0x4000  }
0x2e: {  	[sflag:s14] =	ssyncset.done $0x0  }
0x2f: {  	[sflag:s14] =	ssyncadd.s32 $0xFFFFC000  }
0x30: {  	[spmem:s11] =	stream.linear.scatter [tilespmem:s18], [sflag:$0x3], $0x3C00, $0x38;
	[tilespmem:$0x1E400] =	vst v63  }
0x31: {  	_ =	swait.ge [sflag:s14], $0x3C00  }
0x32: {  	[sflag:s14] =	ssyncset.done $0x0  }
0x33: {  	[sflag:s14] =	ssyncadd.s32 $0xFFFFC400  }
0x34: {  	[tilespmem:s18], [sflag:$0x2] =	stream.indirect.gather [hbm4b:s4+s16], $0x80, s16, s16, $0xb8;
	[tilespmem:$0x1E400] =	vst v63  }
0x35: {  	[bflag:$0x0] =	sbarrier.arrive $0xFFFF  }
0x36: {  	_ =	swait.ge [sflag:s19], $0x4000  }
0x37: {  	[sflag:s19] =	ssyncset.done $0x0  }
0x38: {  	s29 =	simm.s32 $0x1400;
	[sflag:s19] =	ssyncadd.s32 $0xFFFFC000  }
0x39: {  	[spmem:s2] =	stream.indirect.scatter.add.f32 [tilespmem:s17], [sflag:$0x3], $0x80, s29, s16, $0xb8;
	[tilespmem:$0x1E400] =	vst v63  }
0x3a: {  	_ =	swait.ge [sflag:s14], $0x4000  }
0x3b: {  	[sflag:s14] =	ssyncset.done $0x0  }
0x3c: {  	s30 =	simm.s32 $0x100;
	[sflag:s14] =	ssyncadd.s32 $0xFFFFC000  }
0x3d: {  	[tilespmem:s17], [sflag:$0x1] =	stream.indirect.gather [hbm4b:s4+s16], $0x80, s30, s16, $0xb8;
	[tilespmem:$0x1E400] =	vst v63  }
0x3e: {  	_ =	swait.ge [sflag:s20], $0x4000  }
0x3f: {  	[sflag:s20] =	ssyncset.done $0x0  }
0x40: {  	s31 =	simm.s32 $0x1480;
	[sflag:s20] =	ssyncadd.s32 $0xFFFFC000  }
0x41: {  	[spmem:s2] =	stream.indirect.scatter.add.f32 [tilespmem:s18], [sflag:$0x3], $0x80, s31, s16, $0xb8;
	[tilespmem:$0x1E400] =	vst v63  }
0x42: {  	_ =	swait.ge [sflag:s14], $0x4000  }
0x43: {  	[sflag:s14] =	ssyncset.done $0x0  }
0x44: {  	s26 =	simm.s32 $0x180;
	s25 =	simm.s32 $0x400;
	[sflag:s14] =	ssyncadd.s32 $0xFFFFC000  }
.LBB2_4:
0x45: {  	[tilespmem:s18], [sflag:$0x2] =	stream.indirect.gather [hbm4b:s4+s16], $0x80, s26, s16, $0xb8;
	[tilespmem:$0x1E400] =	vst v63  }
0x46: {  	s26 =	smov.u32 s25  }
0x47: {  	p0 =	sne.s32 s25, $0x4800;
	s25 =	sadd.s32 $0x400, s25;
	_ =	swait.ge [sflag:s19], $0x4000  }
0x48: {  	s26 =	sshra.s32 s26, $0x2;
	[sflag:s19] =	ssyncset.done $0x0  }
0x49: {  	s28 =	sadd.s32 $0x1400, s26;
	[sflag:s19] =	ssyncadd.s32 $0xFFFFC000  }
0x4a: {  	[spmem:s2] =	stream.indirect.scatter.add.f32 [tilespmem:s17], [sflag:$0x3], $0x80, s28, s16, $0xb8;
	[tilespmem:$0x1E400] =	vst v63  }
0x4b: {  	_ =	swait.ge [sflag:s14], $0x4000  }
0x4c: {  	[sflag:s14] =	ssyncset.done $0x0  }
0x4d: {  	s28 =	sadd.s32 $0x100, s26;
	[sflag:s14] =	ssyncadd.s32 $0xFFFFC000  }
0x4e: {  	[tilespmem:s17], [sflag:$0x1] =	stream.indirect.gather [hbm4b:s4+s16], $0x80, s28, s16, $0xb8;
	[tilespmem:$0x1E400] =	vst v63  }
0x4f: {  	_ =	swait.ge [sflag:s20], $0x4000  }
0x50: {  	[sflag:s20] =	ssyncset.done $0x0  }
.Ltmp1:
0x51: {  	s28 =	sadd.s32 $0x1480, s26;
	[sflag:s20] =	ssyncadd.s32 $0xFFFFC000;
	(pc) =	sbr.rel @p0 .LBB2_4-.Ltmp1, $4  }
0x52: {  	[spmem:s2] =	stream.indirect.scatter.add.f32 [tilespmem:s18], [sflag:$0x3], $0x80, s28, s16, $0xb8;
	[tilespmem:$0x1E400] =	vst v63  }
0x53: {  	_ =	swait.ge [sflag:s14], $0x4000  }
0x54: {  	[sflag:s14] =	ssyncset.done $0x0  }
0x55: {  	s26 =	sadd.s32 $0x180, s26;
	[sflag:s14] =	ssyncadd.s32 $0xFFFFC000  }
0x56: {  	[tilespmem:s18], [sflag:$0x2] =	stream.indirect.gather [hbm4b:s4+s16], $0x80, s26, s16, $0xb8;
	[tilespmem:$0x1E400] =	vst v63  }
0x57: {  	_ =	swait.ge [sflag:s19], $0x4000  }
0x58: {  	[sflag:s19] =	ssyncset.done $0x0  }
0x59: {  	[sflag:s19] =	ssyncadd.s32 $0xFFFFC000  }
0x5a: {  	[spmem:s2] =	stream.indirect.scatter.add.f32 [tilespmem:s17], [sflag:$0x3], $0x80, s21, s16, $0xb8;
	[tilespmem:$0x1E400] =	vst v63  }
0x5b: {  	_ =	swait.ge [sflag:s14], $0x4000  }
0x5c: {  	[sflag:s14] =	ssyncset.done $0x0  }
0x5d: {  	[sflag:s14] =	ssyncadd.s32 $0xFFFFC000  }
0x5e: {  	_ =	swait.ge [sflag:s20], $0x4000  }
0x5f: {  	[sflag:s20] =	ssyncset.done $0x0  }
0x60: {  	[sflag:s20] =	ssyncadd.s32 $0xFFFFC000  }
0x61: {  	[spmem:s2] =	stream.indirect.scatter.add.f32 [tilespmem:s18], [sflag:$0x3], $0x80, s22, s16, $0xb8;
	[tilespmem:$0x1E400] =	vst v63  }
0x62: {  	_ =	swait.ge [sflag:s14], $0x4000  }
0x63: {  	[sflag:s14] =	ssyncset.done $0x0  }
0x64: {  	s25 =	simm.s32 $0x0;
	[sflag:s14] =	ssyncadd.s32 $0xFFFFC000  }
0x65: {  	[tilespmem:s25], [sflag:$0x3] =	stream.linear.gather [hbm4b:s12+s25], $0x1400, $0x38;
	[tilespmem:$0x1E400] =	vst v63  }
0x66: {  	_ =	swait.ge [sflag:s14], $0x1400  }
0x67: {  	[sflag:s14] =	ssyncset.done $0x0  }
0x68: {  	s28 =	sadd.s32 $0x280, s7;
	[sflag:s14] =	ssyncadd.s32 $0xFFFFEC00  }
0x69: {  	[tilespmem:s15], [sflag:$0x3] =	stream.linear.gather [hbm4b:s28+s25], $0x1400, $0x38;
	[tilespmem:$0x1E400] =	vst v63  }
0x6a: {  	_ =	swait.ge [sflag:s14], $0x1400  }
0x6b: {  	[sflag:s14] =	ssyncset.done $0x0  }
0x6c: {  	[sflag:s14] =	ssyncadd.s32 $0xFFFFEC00  }
0x6d: {  	[tilespmem:s17], [sflag:$0x1] =	stream.indirect.gather [hbm4b:s4+s16], $0x80, s25, s16, $0xb8;
	[tilespmem:$0x1E400] =	vst v63  }
0x6e: {  	_ = 	snop  }
0x6f: {  	[tilespmem:s18], [sflag:$0x2] =	stream.indirect.gather [hbm4b:s4+s16], $0x80, s16, s16, $0xb8;
	[tilespmem:$0x1E400] =	vst v63  }
0x70: {  	_ =	swait.ge [sflag:s19], $0x4000  }
0x71: {  	[sflag:s19] =	ssyncset.done $0x0  }
0x72: {  	s29 =	simm.s32 $0x1400;
	[sflag:s19] =	ssyncadd.s32 $0xFFFFC000  }
0x73: {  	[spmem:s2] =	stream.indirect.scatter.add.f32 [tilespmem:s17], [sflag:$0x3], $0x80, s29, s16, $0xb8;
	[tilespmem:$0x1E400] =	vst v63  }
0x74: {  	_ =	swait.ge [sflag:s14], $0x4000  }
0x75: {  	[sflag:s14] =	ssyncset.done $0x0  }
0x76: {  	s30 =	simm.s32 $0x100;
	[sflag:s14] =	ssyncadd.s32 $0xFFFFC000  }
0x77: {  	[tilespmem:s17], [sflag:$0x1] =	stream.indirect.gather [hbm4b:s4+s16], $0x80, s30, s16, $0xb8;
	[tilespmem:$0x1E400] =	vst v63  }
0x78: {  	_ =	swait.ge [sflag:s20], $0x4000  }
0x79: {  	[sflag:s20] =	ssyncset.done $0x0  }
0x7a: {  	s31 =	simm.s32 $0x1480;
	[sflag:s20] =	ssyncadd.s32 $0xFFFFC000  }
0x7b: {  	[spmem:s2] =	stream.indirect.scatter.add.f32 [tilespmem:s18], [sflag:$0x3], $0x80, s31, s16, $0xb8;
	[tilespmem:$0x1E400] =	vst v63  }
0x7c: {  	_ =	swait.ge [sflag:s14], $0x4000  }
0x7d: {  	[sflag:s14] =	ssyncset.done $0x0  }
0x7e: {  	s26 =	simm.s32 $0x180;
	s25 =	simm.s32 $0x400;
	[sflag:s14] =	ssyncadd.s32 $0xFFFFC000  }
.LBB2_6:
0x7f: {  	[tilespmem:s18], [sflag:$0x2] =	stream.indirect.gather [hbm4b:s4+s16], $0x80, s26, s16, $0xb8;
	[tilespmem:$0x1E400] =	vst v63  }
0x80: {  	s26 =	smov.u32 s25  }
0x81: {  	p0 =	sne.s32 s25, $0x4800;
	s25 =	sadd.s32 $0x400, s25;
	_ =	swait.ge [sflag:s19], $0x4000  }
0x82: {  	s26 =	sshra.s32 s26, $0x2;
	[sflag:s19] =	ssyncset.done $0x0  }
0x83: {  	s28 =	sadd.s32 $0x1400, s26;
	[sflag:s19] =	ssyncadd.s32 $0xFFFFC000  }
0x84: {  	[spmem:s2] =	stream.indirect.scatter.add.f32 [tilespmem:s17], [sflag:$0x3], $0x80, s28, s16, $0xb8;
	[tilespmem:$0x1E400] =	vst v63  }
0x85: {  	_ =	swait.ge [sflag:s14], $0x4000  }
0x86: {  	[sflag:s14] =	ssyncset.done $0x0  }
0x87: {  	s28 =	sadd.s32 $0x100, s26;
	[sflag:s14] =	ssyncadd.s32 $0xFFFFC000  }
0x88: {  	[tilespmem:s17], [sflag:$0x1] =	stream.indirect.gather [hbm4b:s4+s16], $0x80, s28, s16, $0xb8;
	[tilespmem:$0x1E400] =	vst v63  }
0x89: {  	_ =	swait.ge [sflag:s20], $0x4000  }
0x8a: {  	[sflag:s20] =	ssyncset.done $0x0  }
.Ltmp2:
0x8b: {  	s28 =	sadd.s32 $0x1480, s26;
	[sflag:s20] =	ssyncadd.s32 $0xFFFFC000;
	(pc) =	sbr.rel @p0 .LBB2_6-.Ltmp2, $4  }
0x8c: {  	[spmem:s2] =	stream.indirect.scatter.add.f32 [tilespmem:s18], [sflag:$0x3], $0x80, s28, s16, $0xb8;
	[tilespmem:$0x1E400] =	vst v63  }
0x8d: {  	_ =	swait.ge [sflag:s14], $0x4000  }
0x8e: {  	[sflag:s14] =	ssyncset.done $0x0  }
0x8f: {  	s26 =	sadd.s32 $0x180, s26;
	[sflag:s14] =	ssyncadd.s32 $0xFFFFC000  }
0x90: {  	[tilespmem:s18], [sflag:$0x2] =	stream.indirect.gather [hbm4b:s4+s16], $0x80, s26, s16, $0xb8;
	[tilespmem:$0x1E400] =	vst v63  }
0x91: {  	_ =	swait.ge [sflag:s19], $0x4000  }
0x92: {  	[sflag:s19] =	ssyncset.done $0x0  }
0x93: {  	[sflag:s19] =	ssyncadd.s32 $0xFFFFC000  }
0x94: {  	[spmem:s2] =	stream.indirect.scatter.add.f32 [tilespmem:s17], [sflag:$0x3], $0x80, s21, s16, $0xb8;
	[tilespmem:$0x1E400] =	vst v63  }
0x95: {  	_ =	swait.ge [sflag:s14], $0x4000  }
0x96: {  	[sflag:s14] =	ssyncset.done $0x0  }
0x97: {  	[sflag:s14] =	ssyncadd.s32 $0xFFFFC000  }
0x98: {  	_ =	swait.ge [sflag:s20], $0x4000  }
0x99: {  	[sflag:s20] =	ssyncset.done $0x0  }
0x9a: {  	[sflag:s20] =	ssyncadd.s32 $0xFFFFC000  }
0x9b: {  	[spmem:s2] =	stream.indirect.scatter.add.f32 [tilespmem:s18], [sflag:$0x3], $0x80, s22, s16, $0xb8;
	[tilespmem:$0x1E400] =	vst v63  }
0x9c: {  	_ =	swait.ge [sflag:s14], $0x4000  }
0x9d: {  	s25 =	sshll.u32 s1, $0x6;
	s24 =	sadd.s32 $0x1, s24;
	[sflag:s14] =	ssyncset.done $0x0  }
0x9e: {  	s31 =	sshrl.u32 s5, $0x3;
	p0 =	sne.s32 s24, s13;
	[sflag:s14] =	ssyncadd.s32 $0xFFFFC000  }
.Ltmp3:
0x9f: {  	s25 =	sor.u32 $0x1C03, s25;
	[bflag:$0x0] =	sbarrier.arrive $0xFFFF;
	(pc) =	sbr.rel @p0 .LBB2_1-.Ltmp3, $4  }
0xa0: {  	[hbm:s23], [sflag:s25] =	dma.local [spmem:s31], $0x2780  }
0xa1: {  	_ =	swait.ge [sflag:s14], $0x2780  }
0xa2: {  	[sflag:s14] =	ssyncset.done $0x0  }
0xa3: {  	[sflag:s14] =	ssyncadd.s32 $0xFFFFD880  }
0xa4: {  	_ =	sfence.sel $0x180000  }
0xa5: {  	[bflag:$0x0] =	sbarrier.arrive $0xFFFF  }
0xa6: {  	p0 =	sne.s32 s1, $0x0;
	_ =	strace $0x90000050  }
0xa7: {  	s0 =	sadd.s32 @!p0 $0x100000, s0;
	[bflag:$0x2] =	sbarrier.arrive $0xFFFF  }
0xa8: {  	[sflag:s0] =	ssyncadd.tile.s32 @!p0 $0x1;
	_ =	shalt  }
.Lfunc_end2:
_tile_overlayer_lowered:
.L_overlay_start_2:
0xa9: {  	(tag) =	ssettag $0x2  }
0xaa: {  	s0 =	rddreg [dreg:$0x0];
	s2 =	stileid.u32  }
0xab: {  	s1 =	rddreg [dreg:$0x1];
	p0 =	sne.s32 s2, $0x0  }
0xac: {  	s3 =	rddreg [dreg:$0x2];
	[bflag:$0x3] =	sbarrier.arrive $0xFFFF;
	s2 =	simm.s32 @!p0 $0x1C03  }
0xad: {  	[timem:s3], [sflag:s2] =	dma.local @!p0 [hbm:s0], s1  }
0xae: {  	s0 =	simm.s32 @!p0 $0x3  }
0xaf: {  	_ =	swait.ge @!p0 [sflag:s0], s1  }
0xb0: {  	s1 =	ssub.s32 @!p0 $0x0, s1;
	[sflag:s0] =	ssyncset.done @!p0 $0x0  }
0xb1: {  	[sflag:s0] =	ssyncadd.s32 @!p0 s1  }
0xb2: {  	[bflag:$0x3] =	sbarrier.arrive $0xFFFF  }
0xb3: {  	_ =	shalt  }

</sc_bundles>
